<compile_context>
chip_gen: v7x
topology: tpu7x:2x2x1
jax: 0.10.2.dev20260603
libtpu: 0.0.44.dev20260713+nightly
codegen_flags: <defaults>
</compile_context>

<pallas_src>
import functools

import jax
import jax.numpy as jnp
from jax import lax
from jax.experimental import pallas as pl
from jax.experimental.pallas import tpu as pltpu
from jax.experimental.pallas import tpu_sc as plsc

BATCH = 4096
SEQ = 200
D_MODEL = 64
NUM_CORES = 2
NUM_SUBCORES = 16
NW = NUM_CORES * NUM_SUBCORES
ROWS_W = BATCH // NW
NBUF = 8
DEPTH = 6
NGROUPS = ROWS_W // NBUF

_mesh = plsc.VectorSubcoreMesh(core_axis_name="c", subcore_axis_name="s")


@functools.partial(
    pl.kernel,
    mesh=_mesh,
    out_type=jax.ShapeDtypeStruct((BATCH, SEQ, D_MODEL), jnp.float32),
    scratch_types=(
        [pltpu.VMEM((ROWS_W, SEQ), jnp.int32),
         pltpu.VMEM((NBUF, SEQ, D_MODEL), jnp.float32)]
        + [pltpu.SemaphoreType.DMA] * (2 * NBUF)
    ),
    compiler_params=pltpu.CompilerParams(use_tc_tiling_on_sc=False),
)
def _embedding_gather(idx_hbm, table_hbm, out_hbm, idx_v, rows_v, *sems):
    gsem = sems[:NBUF]
    ssem = sems[NBUF:]
    wid = lax.axis_index("s") * NUM_CORES + lax.axis_index("c")
    base = wid * ROWS_W
    pltpu.sync_copy(idx_hbm.at[pl.ds(base, ROWS_W)], idx_v)

    def start_gather(r, b):
        pltpu.async_copy(table_hbm.at[idx_v.at[r]], rows_v.at[b], gsem[b])

    def wait_gather(b):
        pltpu.make_async_copy(
            table_hbm.at[idx_v.at[0]], rows_v.at[b], gsem[b]).wait()

    def start_store(r, b):
        pltpu.async_copy(rows_v.at[b], out_hbm.at[base + r], ssem[b])

    def wait_store(b):
        pltpu.make_async_copy(
            rows_v.at[b], out_hbm.at[base], ssem[b]).wait()

    for b in range(DEPTH):
        start_gather(b, b)

    for b in range(NBUF):
        i = b
        wait_gather(b)
        start_store(i, b)
        nb = (b + DEPTH) % NBUF
        if i + DEPTH - NBUF >= 0:
            wait_store(nb)
        start_gather(i + DEPTH, nb)

    def group(g, carry):
        for b in range(NBUF):
            i = g * NBUF + b
            wait_gather(b)
            start_store(i, b)
            nb = (b + DEPTH) % NBUF
            wait_store(nb)
            start_gather(i + DEPTH, nb)
        return carry

    lax.fori_loop(1, NGROUPS - 1, group, 0)

    g = NGROUPS - 1
    for b in range(NBUF):
        i = g * NBUF + b
        wait_gather(b)
        start_store(i, b)
        if i + DEPTH < ROWS_W:
            nb = (b + DEPTH) % NBUF
            wait_store(nb)
            start_gather(i + DEPTH, nb)

    for b in range(NBUF):
        wait_store(b)


def kernel(token_ids, W):
    return _embedding_gather(token_ids.astype(jnp.int32), W)

# --- scband reference (transcript-rebuilt; emitter-appended) ---
"""Pipeline reference for scband-embedding-88227218195299 (READ-ONLY COPY).

The authoritative reference and input builder live on the scoring server;
editing this copy changes nothing except your own understanding.
"""

import jax, jax.numpy as jnp
import numpy as np

VOCAB = 1000000
D_MODEL = 64
BATCH = 4096
SEQ = 200


def setup_inputs(seed: int = 0) -> dict:
    key = jax.random.key(seed)
    k1, k2 = jax.random.split(key)
    token_ids = jax.random.randint(k1, (BATCH, SEQ), 0, VOCAB, dtype=jnp.int64 if jax.config.jax_enable_x64 else jnp.int32)
    # trunc_normal_(mean=0, std=1, a=-3, b=3)
    W = jax.random.truncated_normal(k2, -3.0, 3.0, (VOCAB, D_MODEL), dtype=jnp.float32)
    return {"token_ids": token_ids, "W": W}


def reference(token_ids, W):
    # Original module one-hot encodes token_ids to [..., vocab] and matmuls with W
    # [vocab, d_model]. Mathematically this selects row token_ids[i] of W, i.e. an
    # embedding gather (one_hot @ W == W[token_ids]). We use the gather form, which
    # produces identical values without materializing the one-hot tensor.
    return jnp.take(W, token_ids, axis=0)

if __name__ == "__main__":
    import jax
    _d = setup_inputs()
    print(jax.jit(kernel)(*tuple(_d.values())))

</pallas_src>

<mosaic_0001>
#map = affine_map<(d0, d1) -> (0, 0)>
#map1 = affine_map<(d0, d1) -> (0, 0, 0)>
module attributes {stable_mosaic.version = 14 : i64} {
  func.func @_embedding_gather(%arg0: i32, %arg1: i32, %arg2: memref<4096x200xi32, #tpu.memory_space<hbm>>, %arg3: memref<1000000x64xf32, #tpu.memory_space<hbm>>, %arg4: memref<4096x200x64xf32, #tpu.memory_space<hbm>>, %arg5: memref<128x200xi32, #tpu.memory_space<vmem>>, %arg6: memref<8x200x64xf32, #tpu.memory_space<vmem>>, %arg7: memref<!tpu.dma_semaphore, #tpu.memory_space<semaphore_mem>>, %arg8: memref<!tpu.dma_semaphore, #tpu.memory_space<semaphore_mem>>, %arg9: memref<!tpu.dma_semaphore, #tpu.memory_space<semaphore_mem>>, %arg10: memref<!tpu.dma_semaphore, #tpu.memory_space<semaphore_mem>>, %arg11: memref<!tpu.dma_semaphore, #tpu.memory_space<semaphore_mem>>, %arg12: memref<!tpu.dma_semaphore, #tpu.memory_space<semaphore_mem>>, %arg13: memref<!tpu.dma_semaphore, #tpu.memory_space<semaphore_mem>>, %arg14: memref<!tpu.dma_semaphore, #tpu.memory_space<semaphore_mem>>, %arg15: memref<!tpu.dma_semaphore, #tpu.memory_space<semaphore_mem>>, %arg16: memref<!tpu.dma_semaphore, #tpu.memory_space<semaphore_mem>>, %arg17: memref<!tpu.dma_semaphore, #tpu.memory_space<semaphore_mem>>, %arg18: memref<!tpu.dma_semaphore, #tpu.memory_space<semaphore_mem>>, %arg19: memref<!tpu.dma_semaphore, #tpu.memory_space<semaphore_mem>>, %arg20: memref<!tpu.dma_semaphore, #tpu.memory_space<semaphore_mem>>, %arg21: memref<!tpu.dma_semaphore, #tpu.memory_space<semaphore_mem>>, %arg22: memref<!tpu.dma_semaphore, #tpu.memory_space<semaphore_mem>>) attributes {dimension_semantics = [#tpu.dimension_semantics<core_parallel>, #tpu.dimension_semantics<subcore_parallel>], iteration_bounds = array<i64: 2, 16>, scalar_prefetch = 0 : i64, scratch_operands = 18 : i64, tpu.core_type = #tpu.core_type<sc_vector_subcore>, window_params = [{transform_indices = #map}, {transform_indices = #map}, {transform_indices = #map1}]} {
    %mul3A = arith.constant 2 : i32
    %mul3A_0 = arith.muli %arg1, %mul3A : i32
    %add3A = arith.addi %mul3A_0, %arg0 : i32
    %mul3A_1 = arith.constant 128 : i32
    %mul3A_2 = arith.muli %add3A, %mul3A_1 : i32
    "tpu.region"() ({
      %run_scoped3A = tpu.sem_alloc : memref<!tpu.dma_semaphore, #tpu.memory_space<semaphore_mem>>
      %dma_start3A_966 = arith.constant 0 : i32
      %dma_start3A_967 = tpu.memref_slice %arg2[%mul3A_2, %dma_start3A_966] : memref<4096x200xi32, #tpu.memory_space<hbm>> -> memref<128x200xi32, #tpu.memory_space<hbm>>
      %dma_start3A_968 = arith.constant 0 : i32
      %dma_start3A_969 = tpu.memref_slice %arg2[%mul3A_2, %dma_start3A_968] : memref<4096x200xi32, #tpu.memory_space<hbm>> -> memref<128x200xi32, #tpu.memory_space<hbm>>
      tpu.enqueue_dma source(%dma_start3A_969 : memref<128x200xi32, #tpu.memory_space<hbm>>) target(%arg5 : memref<128x200xi32, #tpu.memory_space<vmem>>) target_semaphore(%run_scoped3A : memref<!tpu.dma_semaphore, #tpu.memory_space<semaphore_mem>>)
      %dma_wait3A_970 = arith.constant 0 : i32
      %dma_wait3A_971 = tpu.memref_slice %arg2[%mul3A_2, %dma_wait3A_970] : memref<4096x200xi32, #tpu.memory_space<hbm>> -> memref<128x200xi32, #tpu.memory_space<hbm>>
      %dma_wait3A_972 = arith.constant 0 : i32
      %dma_wait3A_973 = tpu.memref_slice %arg2[%mul3A_2, %dma_wait3A_972] : memref<4096x200xi32, #tpu.memory_space<hbm>> -> memref<128x200xi32, #tpu.memory_space<hbm>>
      tpu.wait_dma2 semaphore(%run_scoped3A : memref<!tpu.dma_semaphore, #tpu.memory_space<semaphore_mem>>) src(%dma_wait3A_973 : memref<128x200xi32, #tpu.memory_space<hbm>>) dst(%arg5 : memref<128x200xi32, #tpu.memory_space<vmem>>)
      tpu.yield
    }) : () -> ()
    %dma_start3A = arith.constant 0 : i32
    %dma_start3A_3 = arith.constant 0 : i32
    %dma_start3A_4 = arith.constant 0 : i32
    %dma_start3A_5 = arith.constant 0 : i32
    %dma_start3A_6 = tpu.memref_slice %arg6[%dma_start3A_3, %dma_start3A_4, %dma_start3A_5] : memref<8x200x64xf32, #tpu.memory_space<vmem>> -> memref<1x200x64xf32, #tpu.memory_space<vmem>>
    %dma_start3A_7 = tpu.memref_squeeze %dma_start3A_6 : memref<1x200x64xf32, #tpu.memory_space<vmem>> -> memref<200x64xf32, #tpu.memory_space<vmem>>
    %dma_start3A_8 = arith.constant 0 : i32
    %dma_start3A_9 = tpu.memref_slice %arg5[%dma_start3A, %dma_start3A_8] : memref<128x200xi32, #tpu.memory_space<vmem>> -> memref<1x200xi32, #tpu.memory_space<vmem>>
    %dma_start3A_10 = tpu.memref_squeeze %dma_start3A_9 : memref<1x200xi32, #tpu.memory_space<vmem>> -> memref<200xi32, #tpu.memory_space<vmem>>
    %dma_start3A_11 = arith.constant 0 : i32
    %dma_start3A_12 = arith.constant 0 : i32
    %dma_start3A_13 = tpu.memref_slice %arg3[%dma_start3A_11, %dma_start3A_12] : memref<1000000x64xf32, #tpu.memory_space<hbm>> -> memref<1000000x64xf32, #tpu.memory_space<hbm>>
    tpu.enqueue_indirect_dma source(%dma_start3A_13 : memref<1000000x64xf32, #tpu.memory_space<hbm>>) target(%dma_start3A_7 : memref<200x64xf32, #tpu.memory_space<vmem>>) offsets(%dma_start3A_10 : memref<200xi32, #tpu.memory_space<vmem>>) semaphore(%arg7 : memref<!tpu.dma_semaphore, #tpu.memory_space<semaphore_mem>>)
    %dma_start3A_14 = arith.constant 1 : i32
    %dma_start3A_15 = arith.constant 1 : i32
    %dma_start3A_16 = arith.constant 0 : i32
    %dma_start3A_17 = arith.constant 0 : i32
    %dma_start3A_18 = tpu.memref_slice %arg6[%dma_start3A_15, %dma_start3A_16, %dma_start3A_17] : memref<8x200x64xf32, #tpu.memory_space<vmem>> -> memref<1x200x64xf32, #tpu.memory_space<vmem>>
    %dma_start3A_19 = tpu.memref_squeeze %dma_start3A_18 : memref<1x200x64xf32, #tpu.memory_space<vmem>> -> memref<200x64xf32, #tpu.memory_space<vmem>>
    %dma_start3A_20 = arith.constant 0 : i32
    %dma_start3A_21 = tpu.memref_slice %arg5[%dma_start3A_14, %dma_start3A_20] : memref<128x200xi32, #tpu.memory_space<vmem>> -> memref<1x200xi32, #tpu.memory_space<vmem>>
    %dma_start3A_22 = tpu.memref_squeeze %dma_start3A_21 : memref<1x200xi32, #tpu.memory_space<vmem>> -> memref<200xi32, #tpu.memory_space<vmem>>
    %dma_start3A_23 = arith.constant 0 : i32
    %dma_start3A_24 = arith.constant 0 : i32
    %dma_start3A_25 = tpu.memref_slice %arg3[%dma_start3A_23, %dma_start3A_24] : memref<1000000x64xf32, #tpu.memory_space<hbm>> -> memref<1000000x64xf32, #tpu.memory_space<hbm>>
    tpu.enqueue_indirect_dma source(%dma_start3A_25 : memref<1000000x64xf32, #tpu.memory_space<hbm>>) target(%dma_start3A_19 : memref<200x64xf32, #tpu.memory_space<vmem>>) offsets(%dma_start3A_22 : memref<200xi32, #tpu.memory_space<vmem>>) semaphore(%arg8 : memref<!tpu.dma_semaphore, #tpu.memory_space<semaphore_mem>>)
    %dma_start3A_26 = arith.constant 2 : i32
    %dma_start3A_27 = arith.constant 2 : i32
    %dma_start3A_28 = arith.constant 0 : i32
    %dma_start3A_29 = arith.constant 0 : i32
    %dma_start3A_30 = tpu.memref_slice %arg6[%dma_start3A_27, %dma_start3A_28, %dma_start3A_29] : memref<8x200x64xf32, #tpu.memory_space<vmem>> -> memref<1x200x64xf32, #tpu.memory_space<vmem>>
    %dma_start3A_31 = tpu.memref_squeeze %dma_start3A_30 : memref<1x200x64xf32, #tpu.memory_space<vmem>> -> memref<200x64xf32, #tpu.memory_space<vmem>>
    %dma_start3A_32 = arith.constant 0 : i32
    %dma_start3A_33 = tpu.memref_slice %arg5[%dma_start3A_26, %dma_start3A_32] : memref<128x200xi32, #tpu.memory_space<vmem>> -> memref<1x200xi32, #tpu.memory_space<vmem>>
    %dma_start3A_34 = tpu.memref_squeeze %dma_start3A_33 : memref<1x200xi32, #tpu.memory_space<vmem>> -> memref<200xi32, #tpu.memory_space<vmem>>
    %dma_start3A_35 = arith.constant 0 : i32
    %dma_start3A_36 = arith.constant 0 : i32
    %dma_start3A_37 = tpu.memref_slice %arg3[%dma_start3A_35, %dma_start3A_36] : memref<1000000x64xf32, #tpu.memory_space<hbm>> -> memref<1000000x64xf32, #tpu.memory_space<hbm>>
    tpu.enqueue_indirect_dma source(%dma_start3A_37 : memref<1000000x64xf32, #tpu.memory_space<hbm>>) target(%dma_start3A_31 : memref<200x64xf32, #tpu.memory_space<vmem>>) offsets(%dma_start3A_34 : memref<200xi32, #tpu.memory_space<vmem>>) semaphore(%arg9 : memref<!tpu.dma_semaphore, #tpu.memory_space<semaphore_mem>>)
    %dma_start3A_38 = arith.constant 3 : i32
    %dma_start3A_39 = arith.constant 3 : i32
    %dma_start3A_40 = arith.constant 0 : i32
    %dma_start3A_41 = arith.constant 0 : i32
    %dma_start3A_42 = tpu.memref_slice %arg6[%dma_start3A_39, %dma_start3A_40, %dma_start3A_41] : memref<8x200x64xf32, #tpu.memory_space<vmem>> -> memref<1x200x64xf32, #tpu.memory_space<vmem>>
    %dma_start3A_43 = tpu.memref_squeeze %dma_start3A_42 : memref<1x200x64xf32, #tpu.memory_space<vmem>> -> memref<200x64xf32, #tpu.memory_space<vmem>>
    %dma_start3A_44 = arith.constant 0 : i32
    %dma_start3A_45 = tpu.memref_slice %arg5[%dma_start3A_38, %dma_start3A_44] : memref<128x200xi32, #tpu.memory_space<vmem>> -> memref<1x200xi32, #tpu.memory_space<vmem>>
    %dma_start3A_46 = tpu.memref_squeeze %dma_start3A_45 : memref<1x200xi32, #tpu.memory_space<vmem>> -> memref<200xi32, #tpu.memory_space<vmem>>
    %dma_start3A_47 = arith.constant 0 : i32
    %dma_start3A_48 = arith.constant 0 : i32
    %dma_start3A_49 = tpu.memref_slice %arg3[%dma_start3A_47, %dma_start3A_48] : memref<1000000x64xf32, #tpu.memory_space<hbm>> -> memref<1000000x64xf32, #tpu.memory_space<hbm>>
    tpu.enqueue_indirect_dma source(%dma_start3A_49 : memref<1000000x64xf32, #tpu.memory_space<hbm>>) target(%dma_start3A_43 : memref<200x64xf32, #tpu.memory_space<vmem>>) offsets(%dma_start3A_46 : memref<200xi32, #tpu.memory_space<vmem>>) semaphore(%arg10 : memref<!tpu.dma_semaphore, #tpu.memory_space<semaphore_mem>>)
    %dma_start3A_50 = arith.constant 4 : i32
    %dma_start3A_51 = arith.constant 4 : i32
    %dma_start3A_52 = arith.constant 0 : i32
    %dma_start3A_53 = arith.constant 0 : i32
    %dma_start3A_54 = tpu.memref_slice %arg6[%dma_start3A_51, %dma_start3A_52, %dma_start3A_53] : memref<8x200x64xf32, #tpu.memory_space<vmem>> -> memref<1x200x64xf32, #tpu.memory_space<vmem>>
    %dma_start3A_55 = tpu.memref_squeeze %dma_start3A_54 : memref<1x200x64xf32, #tpu.memory_space<vmem>> -> memref<200x64xf32, #tpu.memory_space<vmem>>
    %dma_start3A_56 = arith.constant 0 : i32
    %dma_start3A_57 = tpu.memref_slice %arg5[%dma_start3A_50, %dma_start3A_56] : memref<128x200xi32, #tpu.memory_space<vmem>> -> memref<1x200xi32, #tpu.memory_space<vmem>>
    %dma_start3A_58 = tpu.memref_squeeze %dma_start3A_57 : memref<1x200xi32, #tpu.memory_space<vmem>> -> memref<200xi32, #tpu.memory_space<vmem>>
    %dma_start3A_59 = arith.constant 0 : i32
    %dma_start3A_60 = arith.constant 0 : i32
    %dma_start3A_61 = tpu.memref_slice %arg3[%dma_start3A_59, %dma_start3A_60] : memref<1000000x64xf32, #tpu.memory_space<hbm>> -> memref<1000000x64xf32, #tpu.memory_space<hbm>>
    tpu.enqueue_indirect_dma source(%dma_start3A_61 : memref<1000000x64xf32, #tpu.memory_space<hbm>>) target(%dma_start3A_55 : memref<200x64xf32, #tpu.memory_space<vmem>>) offsets(%dma_start3A_58 : memref<200xi32, #tpu.memory_space<vmem>>) semaphore(%arg11 : memref<!tpu.dma_semaphore, #tpu.memory_space<semaphore_mem>>)
    %dma_start3A_62 = arith.constant 5 : i32
    %dma_start3A_63 = arith.constant 5 : i32
    %dma_start3A_64 = arith.constant 0 : i32
    %dma_start3A_65 = arith.constant 0 : i32
    %dma_start3A_66 = tpu.memref_slice %arg6[%dma_start3A_63, %dma_start3A_64, %dma_start3A_65] : memref<8x200x64xf32, #tpu.memory_space<vmem>> -> memref<1x200x64xf32, #tpu.memory_space<vmem>>
    %dma_start3A_67 = tpu.memref_squeeze %dma_start3A_66 : memref<1x200x64xf32, #tpu.memory_space<vmem>> -> memref<200x64xf32, #tpu.memory_space<vmem>>
    %dma_start3A_68 = arith.constant 0 : i32
    %dma_start3A_69 = tpu.memref_slice %arg5[%dma_start3A_62, %dma_start3A_68] : memref<128x200xi32, #tpu.memory_space<vmem>> -> memref<1x200xi32, #tpu.memory_space<vmem>>
    %dma_start3A_70 = tpu.memref_squeeze %dma_start3A_69 : memref<1x200xi32, #tpu.memory_space<vmem>> -> memref<200xi32, #tpu.memory_space<vmem>>
    %dma_start3A_71 = arith.constant 0 : i32
    %dma_start3A_72 = arith.constant 0 : i32
    %dma_start3A_73 = tpu.memref_slice %arg3[%dma_start3A_71, %dma_start3A_72] : memref<1000000x64xf32, #tpu.memory_space<hbm>> -> memref<1000000x64xf32, #tpu.memory_space<hbm>>
    tpu.enqueue_indirect_dma source(%dma_start3A_73 : memref<1000000x64xf32, #tpu.memory_space<hbm>>) target(%dma_start3A_67 : memref<200x64xf32, #tpu.memory_space<vmem>>) offsets(%dma_start3A_70 : memref<200xi32, #tpu.memory_space<vmem>>) semaphore(%arg12 : memref<!tpu.dma_semaphore, #tpu.memory_space<semaphore_mem>>)
    %dma_wait3A = arith.constant 0 : i32
    %dma_wait3A_74 = arith.constant 0 : i32
    %dma_wait3A_75 = arith.constant 0 : i32
    %dma_wait3A_76 = arith.constant 0 : i32
    %dma_wait3A_77 = tpu.memref_slice %arg6[%dma_wait3A_74, %dma_wait3A_75, %dma_wait3A_76] : memref<8x200x64xf32, #tpu.memory_space<vmem>> -> memref<1x200x64xf32, #tpu.memory_space<vmem>>
    %dma_wait3A_78 = tpu.memref_squeeze %dma_wait3A_77 : memref<1x200x64xf32, #tpu.memory_space<vmem>> -> memref<200x64xf32, #tpu.memory_space<vmem>>
    %dma_wait3A_79 = arith.constant 0 : i32
    %dma_wait3A_80 = tpu.memref_slice %arg5[%dma_wait3A, %dma_wait3A_79] : memref<128x200xi32, #tpu.memory_space<vmem>> -> memref<1x200xi32, #tpu.memory_space<vmem>>
    %dma_wait3A_81 = tpu.memref_squeeze %dma_wait3A_80 : memref<1x200xi32, #tpu.memory_space<vmem>> -> memref<200xi32, #tpu.memory_space<vmem>>
    %dma_wait3A_82 = arith.constant 0 : i32
    %dma_wait3A_83 = arith.constant 0 : i32
    %dma_wait3A_84 = tpu.memref_slice %arg3[%dma_wait3A_82, %dma_wait3A_83] : memref<1000000x64xf32, #tpu.memory_space<hbm>> -> memref<1000000x64xf32, #tpu.memory_space<hbm>>
    tpu.wait_indirect_dma semaphore(%arg7 : memref<!tpu.dma_semaphore, #tpu.memory_space<semaphore_mem>>) src(%dma_wait3A_84 : memref<1000000x64xf32, #tpu.memory_space<hbm>>) dst(%dma_wait3A_78 : memref<200x64xf32, #tpu.memory_space<vmem>>)
    %add3A_85 = arith.constant 0 : i32
    %add3A_86 = arith.addi %mul3A_2, %add3A_85 : i32
    %dma_start3A_87 = arith.constant 0 : i32
    %dma_start3A_88 = arith.constant 0 : i32
    %dma_start3A_89 = arith.constant 0 : i32
    %dma_start3A_90 = tpu.memref_slice %arg6[%dma_start3A_87, %dma_start3A_88, %dma_start3A_89] : memref<8x200x64xf32, #tpu.memory_space<vmem>> -> memref<1x200x64xf32, #tpu.memory_space<vmem>>
    %dma_start3A_91 = tpu.memref_squeeze %dma_start3A_90 : memref<1x200x64xf32, #tpu.memory_space<vmem>> -> memref<200x64xf32, #tpu.memory_space<vmem>>
    %dma_start3A_92 = arith.constant 0 : i32
    %dma_start3A_93 = arith.constant 0 : i32
    %dma_start3A_94 = tpu.memref_slice %arg4[%add3A_86, %dma_start3A_92, %dma_start3A_93] : memref<4096x200x64xf32, #tpu.memory_space<hbm>> -> memref<1x200x64xf32, #tpu.memory_space<hbm>>
    %dma_start3A_95 = tpu.memref_squeeze %dma_start3A_94 : memref<1x200x64xf32, #tpu.memory_space<hbm>> -> memref<200x64xf32, #tpu.memory_space<hbm>>
    %dma_start3A_96 = arith.constant 0 : i32
    %dma_start3A_97 = arith.constant 0 : i32
    %dma_start3A_98 = tpu.memref_slice %arg4[%add3A_86, %dma_start3A_96, %dma_start3A_97] : memref<4096x200x64xf32, #tpu.memory_space<hbm>> -> memref<1x200x64xf32, #tpu.memory_space<hbm>>
    %dma_start3A_99 = tpu.memref_squeeze %dma_start3A_98 : memref<1x200x64xf32, #tpu.memory_space<hbm>> -> memref<200x64xf32, #tpu.memory_space<hbm>>
    %dma_start3A_100 = arith.constant 0 : i32
    %dma_start3A_101 = arith.constant 0 : i32
    %dma_start3A_102 = tpu.memref_slice %arg6[%dma_start3A_87, %dma_start3A_100, %dma_start3A_101] : memref<8x200x64xf32, #tpu.memory_space<vmem>> -> memref<1x200x64xf32, #tpu.memory_space<vmem>>
    %dma_start3A_103 = tpu.memref_squeeze %dma_start3A_102 : memref<1x200x64xf32, #tpu.memory_space<vmem>> -> memref<200x64xf32, #tpu.memory_space<vmem>>
    tpu.enqueue_dma source(%dma_start3A_103 : memref<200x64xf32, #tpu.memory_space<vmem>>) target(%dma_start3A_99 : memref<200x64xf32, #tpu.memory_space<hbm>>) target_semaphore(%arg15 : memref<!tpu.dma_semaphore, #tpu.memory_space<semaphore_mem>>)
    %dma_start3A_104 = arith.constant 6 : i32
    %dma_start3A_105 = arith.constant 6 : i32
    %dma_start3A_106 = arith.constant 0 : i32
    %dma_start3A_107 = arith.constant 0 : i32
    %dma_start3A_108 = tpu.memref_slice %arg6[%dma_start3A_105, %dma_start3A_106, %dma_start3A_107] : memref<8x200x64xf32, #tpu.memory_space<vmem>> -> memref<1x200x64xf32, #tpu.memory_space<vmem>>
    %dma_start3A_109 = tpu.memref_squeeze %dma_start3A_108 : memref<1x200x64xf32, #tpu.memory_space<vmem>> -> memref<200x64xf32, #tpu.memory_space<vmem>>
    %dma_start3A_110 = arith.constant 0 : i32
    %dma_start3A_111 = tpu.memref_slice %arg5[%dma_start3A_104, %dma_start3A_110] : memref<128x200xi32, #tpu.memory_space<vmem>> -> memref<1x200xi32, #tpu.memory_space<vmem>>
    %dma_start3A_112 = tpu.memref_squeeze %dma_start3A_111 : memref<1x200xi32, #tpu.memory_space<vmem>> -> memref<200xi32, #tpu.memory_space<vmem>>
    %dma_start3A_113 = arith.constant 0 : i32
    %dma_start3A_114 = arith.constant 0 : i32
    %dma_start3A_115 = tpu.memref_slice %arg3[%dma_start3A_113, %dma_start3A_114] : memref<1000000x64xf32, #tpu.memory_space<hbm>> -> memref<1000000x64xf32, #tpu.memory_space<hbm>>
    tpu.enqueue_indirect_dma source(%dma_start3A_115 : memref<1000000x64xf32, #tpu.memory_space<hbm>>) target(%dma_start3A_109 : memref<200x64xf32, #tpu.memory_space<vmem>>) offsets(%dma_start3A_112 : memref<200xi32, #tpu.memory_space<vmem>>) semaphore(%arg13 : memref<!tpu.dma_semaphore, #tpu.memory_space<semaphore_mem>>)
    %dma_wait3A_116 = arith.constant 0 : i32
    %dma_wait3A_117 = arith.constant 1 : i32
    %dma_wait3A_118 = arith.constant 0 : i32
    %dma_wait3A_119 = arith.constant 0 : i32
    %dma_wait3A_120 = tpu.memref_slice %arg6[%dma_wait3A_117, %dma_wait3A_118, %dma_wait3A_119] : memref<8x200x64xf32, #tpu.memory_space<vmem>> -> memref<1x200x64xf32, #tpu.memory_space<vmem>>
    %dma_wait3A_121 = tpu.memref_squeeze %dma_wait3A_120 : memref<1x200x64xf32, #tpu.memory_space<vmem>> -> memref<200x64xf32, #tpu.memory_space<vmem>>
    %dma_wait3A_122 = arith.constant 0 : i32
    %dma_wait3A_123 = tpu.memref_slice %arg5[%dma_wait3A_116, %dma_wait3A_122] : memref<128x200xi32, #tpu.memory_space<vmem>> -> memref<1x200xi32, #tpu.memory_space<vmem>>
    %dma_wait3A_124 = tpu.memref_squeeze %dma_wait3A_123 : memref<1x200xi32, #tpu.memory_space<vmem>> -> memref<200xi32, #tpu.memory_space<vmem>>
    %dma_wait3A_125 = arith.constant 0 : i32
    %dma_wait3A_126 = arith.constant 0 : i32
    %dma_wait3A_127 = tpu.memref_slice %arg3[%dma_wait3A_125, %dma_wait3A_126] : memref<1000000x64xf32, #tpu.memory_space<hbm>> -> memref<1000000x64xf32, #tpu.memory_space<hbm>>
    tpu.wait_indirect_dma semaphore(%arg8 : memref<!tpu.dma_semaphore, #tpu.memory_space<semaphore_mem>>) src(%dma_wait3A_127 : memref<1000000x64xf32, #tpu.memory_space<hbm>>) dst(%dma_wait3A_121 : memref<200x64xf32, #tpu.memory_space<vmem>>)
    %add3A_128 = arith.constant 1 : i32
    %add3A_129 = arith.addi %mul3A_2, %add3A_128 : i32
    %dma_start3A_130 = arith.constant 1 : i32
    %dma_start3A_131 = arith.constant 0 : i32
    %dma_start3A_132 = arith.constant 0 : i32
    %dma_start3A_133 = tpu.memref_slice %arg6[%dma_start3A_130, %dma_start3A_131, %dma_start3A_132] : memref<8x200x64xf32, #tpu.memory_space<vmem>> -> memref<1x200x64xf32, #tpu.memory_space<vmem>>
    %dma_start3A_134 = tpu.memref_squeeze %dma_start3A_133 : memref<1x200x64xf32, #tpu.memory_space<vmem>> -> memref<200x64xf32, #tpu.memory_space<vmem>>
    %dma_start3A_135 = arith.constant 0 : i32
    %dma_start3A_136 = arith.constant 0 : i32
    %dma_start3A_137 = tpu.memref_slice %arg4[%add3A_129, %dma_start3A_135, %dma_start3A_136] : memref<4096x200x64xf32, #tpu.memory_space<hbm>> -> memref<1x200x64xf32, #tpu.memory_space<hbm>>
    %dma_start3A_138 = tpu.memref_squeeze %dma_start3A_137 : memref<1x200x64xf32, #tpu.memory_space<hbm>> -> memref<200x64xf32, #tpu.memory_space<hbm>>
    %dma_start3A_139 = arith.constant 0 : i32
    %dma_start3A_140 = arith.constant 0 : i32
    %dma_start3A_141 = tpu.memref_slice %arg4[%add3A_129, %dma_start3A_139, %dma_start3A_140] : memref<4096x200x64xf32, #tpu.memory_space<hbm>> -> memref<1x200x64xf32, #tpu.memory_space<hbm>>
    %dma_start3A_142 = tpu.memref_squeeze %dma_start3A_141 : memref<1x200x64xf32, #tpu.memory_space<hbm>> -> memref<200x64xf32, #tpu.memory_space<hbm>>
    %dma_start3A_143 = arith.constant 0 : i32
    %dma_start3A_144 = arith.constant 0 : i32
    %dma_start3A_145 = tpu.memref_slice %arg6[%dma_start3A_130, %dma_start3A_143, %dma_start3A_144] : memref<8x200x64xf32, #tpu.memory_space<vmem>> -> memref<1x200x64xf32, #tpu.memory_space<vmem>>
    %dma_start3A_146 = tpu.memref_squeeze %dma_start3A_145 : memref<1x200x64xf32, #tpu.memory_space<vmem>> -> memref<200x64xf32, #tpu.memory_space<vmem>>
    tpu.enqueue_dma source(%dma_start3A_146 : memref<200x64xf32, #tpu.memory_space<vmem>>) target(%dma_start3A_142 : memref<200x64xf32, #tpu.memory_space<hbm>>) target_semaphore(%arg16 : memref<!tpu.dma_semaphore, #tpu.memory_space<semaphore_mem>>)
    %dma_start3A_147 = arith.constant 7 : i32
    %dma_start3A_148 = arith.constant 7 : i32
    %dma_start3A_149 = arith.constant 0 : i32
    %dma_start3A_150 = arith.constant 0 : i32
    %dma_start3A_151 = tpu.memref_slice %arg6[%dma_start3A_148, %dma_start3A_149, %dma_start3A_150] : memref<8x200x64xf32, #tpu.memory_space<vmem>> -> memref<1x200x64xf32, #tpu.memory_space<vmem>>
    %dma_start3A_152 = tpu.memref_squeeze %dma_start3A_151 : memref<1x200x64xf32, #tpu.memory_space<vmem>> -> memref<200x64xf32, #tpu.memory_space<vmem>>
    %dma_start3A_153 = arith.constant 0 : i32
    %dma_start3A_154 = tpu.memref_slice %arg5[%dma_start3A_147, %dma_start3A_153] : memref<128x200xi32, #tpu.memory_space<vmem>> -> memref<1x200xi32, #tpu.memory_space<vmem>>
    %dma_start3A_155 = tpu.memref_squeeze %dma_start3A_154 : memref<1x200xi32, #tpu.memory_space<vmem>> -> memref<200xi32, #tpu.memory_space<vmem>>
    %dma_start3A_156 = arith.constant 0 : i32
    %dma_start3A_157 = arith.constant 0 : i32
    %dma_start3A_158 = tpu.memref_slice %arg3[%dma_start3A_156, %dma_start3A_157] : memref<1000000x64xf32, #tpu.memory_space<hbm>> -> memref<1000000x64xf32, #tpu.memory_space<hbm>>
    tpu.enqueue_indirect_dma source(%dma_start3A_158 : memref<1000000x64xf32, #tpu.memory_space<hbm>>) target(%dma_start3A_152 : memref<200x64xf32, #tpu.memory_space<vmem>>) offsets(%dma_start3A_155 : memref<200xi32, #tpu.memory_space<vmem>>) semaphore(%arg14 : memref<!tpu.dma_semaphore, #tpu.memory_space<semaphore_mem>>)
    %dma_wait3A_159 = arith.constant 0 : i32
    %dma_wait3A_160 = arith.constant 2 : i32
    %dma_wait3A_161 = arith.constant 0 : i32
    %dma_wait3A_162 = arith.constant 0 : i32
    %dma_wait3A_163 = tpu.memref_slice %arg6[%dma_wait3A_160, %dma_wait3A_161, %dma_wait3A_162] : memref<8x200x64xf32, #tpu.memory_space<vmem>> -> memref<1x200x64xf32, #tpu.memory_space<vmem>>
    %dma_wait3A_164 = tpu.memref_squeeze %dma_wait3A_163 : memref<1x200x64xf32, #tpu.memory_space<vmem>> -> memref<200x64xf32, #tpu.memory_space<vmem>>
    %dma_wait3A_165 = arith.constant 0 : i32
    %dma_wait3A_166 = tpu.memref_slice %arg5[%dma_wait3A_159, %dma_wait3A_165] : memref<128x200xi32, #tpu.memory_space<vmem>> -> memref<1x200xi32, #tpu.memory_space<vmem>>
    %dma_wait3A_167 = tpu.memref_squeeze %dma_wait3A_166 : memref<1x200xi32, #tpu.memory_space<vmem>> -> memref<200xi32, #tpu.memory_space<vmem>>
    %dma_wait3A_168 = arith.constant 0 : i32
    %dma_wait3A_169 = arith.constant 0 : i32
    %dma_wait3A_170 = tpu.memref_slice %arg3[%dma_wait3A_168, %dma_wait3A_169] : memref<1000000x64xf32, #tpu.memory_space<hbm>> -> memref<1000000x64xf32, #tpu.memory_space<hbm>>
    tpu.wait_indirect_dma semaphore(%arg9 : memref<!tpu.dma_semaphore, #tpu.memory_space<semaphore_mem>>) src(%dma_wait3A_170 : memref<1000000x64xf32, #tpu.memory_space<hbm>>) dst(%dma_wait3A_164 : memref<200x64xf32, #tpu.memory_space<vmem>>)
    %add3A_171 = arith.constant 2 : i32
    %add3A_172 = arith.addi %mul3A_2, %add3A_171 : i32
    %dma_start3A_173 = arith.constant 2 : i32
    %dma_start3A_174 = arith.constant 0 : i32
    %dma_start3A_175 = arith.constant 0 : i32
    %dma_start3A_176 = tpu.memref_slice %arg6[%dma_start3A_173, %dma_start3A_174, %dma_start3A_175] : memref<8x200x64xf32, #tpu.memory_space<vmem>> -> memref<1x200x64xf32, #tpu.memory_space<vmem>>
    %dma_start3A_177 = tpu.memref_squeeze %dma_start3A_176 : memref<1x200x64xf32, #tpu.memory_space<vmem>> -> memref<200x64xf32, #tpu.memory_space<vmem>>
    %dma_start3A_178 = arith.constant 0 : i32
    %dma_start3A_179 = arith.constant 0 : i32
    %dma_start3A_180 = tpu.memref_slice %arg4[%add3A_172, %dma_start3A_178, %dma_start3A_179] : memref<4096x200x64xf32, #tpu.memory_space<hbm>> -> memref<1x200x64xf32, #tpu.memory_space<hbm>>
    %dma_start3A_181 = tpu.memref_squeeze %dma_start3A_180 : memref<1x200x64xf32, #tpu.memory_space<hbm>> -> memref<200x64xf32, #tpu.memory_space<hbm>>
    %dma_start3A_182 = arith.constant 0 : i32
    %dma_start3A_183 = arith.constant 0 : i32
    %dma_start3A_184 = tpu.memref_slice %arg4[%add3A_172, %dma_start3A_182, %dma_start3A_183] : memref<4096x200x64xf32, #tpu.memory_space<hbm>> -> memref<1x200x64xf32, #tpu.memory_space<hbm>>
    %dma_start3A_185 = tpu.memref_squeeze %dma_start3A_184 : memref<1x200x64xf32, #tpu.memory_space<hbm>> -> memref<200x64xf32, #tpu.memory_space<hbm>>
    %dma_start3A_186 = arith.constant 0 : i32
    %dma_start3A_187 = arith.constant 0 : i32
    %dma_start3A_188 = tpu.memref_slice %arg6[%dma_start3A_173, %dma_start3A_186, %dma_start3A_187] : memref<8x200x64xf32, #tpu.memory_space<vmem>> -> memref<1x200x64xf32, #tpu.memory_space<vmem>>
    %dma_start3A_189 = tpu.memref_squeeze %dma_start3A_188 : memref<1x200x64xf32, #tpu.memory_space<vmem>> -> memref<200x64xf32, #tpu.memory_space<vmem>>
    tpu.enqueue_dma source(%dma_start3A_189 : memref<200x64xf32, #tpu.memory_space<vmem>>) target(%dma_start3A_185 : memref<200x64xf32, #tpu.memory_space<hbm>>) target_semaphore(%arg17 : memref<!tpu.dma_semaphore, #tpu.memory_space<semaphore_mem>>)
    %dma_wait3A_190 = arith.constant 0 : i32
    %dma_wait3A_191 = arith.constant 0 : i32
    %dma_wait3A_192 = arith.constant 0 : i32
    %dma_wait3A_193 = tpu.memref_slice %arg6[%dma_wait3A_190, %dma_wait3A_191, %dma_wait3A_192] : memref<8x200x64xf32, #tpu.memory_space<vmem>> -> memref<1x200x64xf32, #tpu.memory_space<vmem>>
    %dma_wait3A_194 = tpu.memref_squeeze %dma_wait3A_193 : memref<1x200x64xf32, #tpu.memory_space<vmem>> -> memref<200x64xf32, #tpu.memory_space<vmem>>
    %dma_wait3A_195 = arith.constant 0 : i32
    %dma_wait3A_196 = arith.constant 0 : i32
    %dma_wait3A_197 = tpu.memref_slice %arg4[%mul3A_2, %dma_wait3A_195, %dma_wait3A_196] : memref<4096x200x64xf32, #tpu.memory_space<hbm>> -> memref<1x200x64xf32, #tpu.memory_space<hbm>>
    %dma_wait3A_198 = tpu.memref_squeeze %dma_wait3A_197 : memref<1x200x64xf32, #tpu.memory_space<hbm>> -> memref<200x64xf32, #tpu.memory_space<hbm>>
    %dma_wait3A_199 = arith.constant 0 : i32
    %dma_wait3A_200 = arith.constant 0 : i32
    %dma_wait3A_201 = tpu.memref_slice %arg4[%mul3A_2, %dma_wait3A_199, %dma_wait3A_200] : memref<4096x200x64xf32, #tpu.memory_space<hbm>> -> memref<1x200x64xf32, #tpu.memory_space<hbm>>
    %dma_wait3A_202 = tpu.memref_squeeze %dma_wait3A_201 : memref<1x200x64xf32, #tpu.memory_space<hbm>> -> memref<200x64xf32, #tpu.memory_space<hbm>>
    %dma_wait3A_203 = arith.constant 0 : i32
    %dma_wait3A_204 = arith.constant 0 : i32
    %dma_wait3A_205 = tpu.memref_slice %arg6[%dma_wait3A_190, %dma_wait3A_203, %dma_wait3A_204] : memref<8x200x64xf32, #tpu.memory_space<vmem>> -> memref<1x200x64xf32, #tpu.memory_space<vmem>>
    %dma_wait3A_206 = tpu.memref_squeeze %dma_wait3A_205 : memref<1x200x64xf32, #tpu.memory_space<vmem>> -> memref<200x64xf32, #tpu.memory_space<vmem>>
    tpu.wait_dma2 semaphore(%arg15 : memref<!tpu.dma_semaphore, #tpu.memory_space<semaphore_mem>>) src(%dma_wait3A_206 : memref<200x64xf32, #tpu.memory_space<vmem>>) dst(%dma_wait3A_202 : memref<200x64xf32, #tpu.memory_space<hbm>>)
    %dma_start3A_207 = arith.constant 8 : i32
    %dma_start3A_208 = arith.constant 0 : i32
    %dma_start3A_209 = arith.constant 0 : i32
    %dma_start3A_210 = arith.constant 0 : i32
    %dma_start3A_211 = tpu.memref_slice %arg6[%dma_start3A_208, %dma_start3A_209, %dma_start3A_210] : memref<8x200x64xf32, #tpu.memory_space<vmem>> -> memref<1x200x64xf32, #tpu.memory_space<vmem>>
    %dma_start3A_212 = tpu.memref_squeeze %dma_start3A_211 : memref<1x200x64xf32, #tpu.memory_space<vmem>> -> memref<200x64xf32, #tpu.memory_space<vmem>>
    %dma_start3A_213 = arith.constant 0 : i32
    %dma_start3A_214 = tpu.memref_slice %arg5[%dma_start3A_207, %dma_start3A_213] : memref<128x200xi32, #tpu.memory_space<vmem>> -> memref<1x200xi32, #tpu.memory_space<vmem>>
    %dma_start3A_215 = tpu.memref_squeeze %dma_start3A_214 : memref<1x200xi32, #tpu.memory_space<vmem>> -> memref<200xi32, #tpu.memory_space<vmem>>
    %dma_start3A_216 = arith.constant 0 : i32
    %dma_start3A_217 = arith.constant 0 : i32
    %dma_start3A_218 = tpu.memref_slice %arg3[%dma_start3A_216, %dma_start3A_217] : memref<1000000x64xf32, #tpu.memory_space<hbm>> -> memref<1000000x64xf32, #tpu.memory_space<hbm>>
    tpu.enqueue_indirect_dma source(%dma_start3A_218 : memref<1000000x64xf32, #tpu.memory_space<hbm>>) target(%dma_start3A_212 : memref<200x64xf32, #tpu.memory_space<vmem>>) offsets(%dma_start3A_215 : memref<200xi32, #tpu.memory_space<vmem>>) semaphore(%arg7 : memref<!tpu.dma_semaphore, #tpu.memory_space<semaphore_mem>>)
    %dma_wait3A_219 = arith.constant 0 : i32
    %dma_wait3A_220 = arith.constant 3 : i32
    %dma_wait3A_221 = arith.constant 0 : i32
    %dma_wait3A_222 = arith.constant 0 : i32
    %dma_wait3A_223 = tpu.memref_slice %arg6[%dma_wait3A_220, %dma_wait3A_221, %dma_wait3A_222] : memref<8x200x64xf32, #tpu.memory_space<vmem>> -> memref<1x200x64xf32, #tpu.memory_space<vmem>>
    %dma_wait3A_224 = tpu.memref_squeeze %dma_wait3A_223 : memref<1x200x64xf32, #tpu.memory_space<vmem>> -> memref<200x64xf32, #tpu.memory_space<vmem>>
    %dma_wait3A_225 = arith.constant 0 : i32
    %dma_wait3A_226 = tpu.memref_slice %arg5[%dma_wait3A_219, %dma_wait3A_225] : memref<128x200xi32, #tpu.memory_space<vmem>> -> memref<1x200xi32, #tpu.memory_space<vmem>>
    %dma_wait3A_227 = tpu.memref_squeeze %dma_wait3A_226 : memref<1x200xi32, #tpu.memory_space<vmem>> -> memref<200xi32, #tpu.memory_space<vmem>>
    %dma_wait3A_228 = arith.constant 0 : i32
    %dma_wait3A_229 = arith.constant 0 : i32
    %dma_wait3A_230 = tpu.memref_slice %arg3[%dma_wait3A_228, %dma_wait3A_229] : memref<1000000x64xf32, #tpu.memory_space<hbm>> -> memref<1000000x64xf32, #tpu.memory_space<hbm>>
    tpu.wait_indirect_dma semaphore(%arg10 : memref<!tpu.dma_semaphore, #tpu.memory_space<semaphore_mem>>) src(%dma_wait3A_230 : memref<1000000x64xf32, #tpu.memory_space<hbm>>) dst(%dma_wait3A_224 : memref<200x64xf32, #tpu.memory_space<vmem>>)
    %add3A_231 = arith.constant 3 : i32
    %add3A_232 = arith.addi %mul3A_2, %add3A_231 : i32
    %dma_start3A_233 = arith.constant 3 : i32
    %dma_start3A_234 = arith.constant 0 : i32
    %dma_start3A_235 = arith.constant 0 : i32
    %dma_start3A_236 = tpu.memref_slice %arg6[%dma_start3A_233, %dma_start3A_234, %dma_start3A_235] : memref<8x200x64xf32, #tpu.memory_space<vmem>> -> memref<1x200x64xf32, #tpu.memory_space<vmem>>
    %dma_start3A_237 = tpu.memref_squeeze %dma_start3A_236 : memref<1x200x64xf32, #tpu.memory_space<vmem>> -> memref<200x64xf32, #tpu.memory_space<vmem>>
    %dma_start3A_238 = arith.constant 0 : i32
    %dma_start3A_239 = arith.constant 0 : i32
    %dma_start3A_240 = tpu.memref_slice %arg4[%add3A_232, %dma_start3A_238, %dma_start3A_239] : memref<4096x200x64xf32, #tpu.memory_space<hbm>> -> memref<1x200x64xf32, #tpu.memory_space<hbm>>
    %dma_start3A_241 = tpu.memref_squeeze %dma_start3A_240 : memref<1x200x64xf32, #tpu.memory_space<hbm>> -> memref<200x64xf32, #tpu.memory_space<hbm>>
    %dma_start3A_242 = arith.constant 0 : i32
    %dma_start3A_243 = arith.constant 0 : i32
    %dma_start3A_244 = tpu.memref_slice %arg4[%add3A_232, %dma_start3A_242, %dma_start3A_243] : memref<4096x200x64xf32, #tpu.memory_space<hbm>> -> memref<1x200x64xf32, #tpu.memory_space<hbm>>
    %dma_start3A_245 = tpu.memref_squeeze %dma_start3A_244 : memref<1x200x64xf32, #tpu.memory_space<hbm>> -> memref<200x64xf32, #tpu.memory_space<hbm>>
    %dma_start3A_246 = arith.constant 0 : i32
    %dma_start3A_247 = arith.constant 0 : i32
    %dma_start3A_248 = tpu.memref_slice %arg6[%dma_start3A_233, %dma_start3A_246, %dma_start3A_247] : memref<8x200x64xf32, #tpu.memory_space<vmem>> -> memref<1x200x64xf32, #tpu.memory_space<vmem>>
    %dma_start3A_249 = tpu.memref_squeeze %dma_start3A_248 : memref<1x200x64xf32, #tpu.memory_space<vmem>> -> memref<200x64xf32, #tpu.memory_space<vmem>>
    tpu.enqueue_dma source(%dma_start3A_249 : memref<200x64xf32, #tpu.memory_space<vmem>>) target(%dma_start3A_245 : memref<200x64xf32, #tpu.memory_space<hbm>>) target_semaphore(%arg18 : memref<!tpu.dma_semaphore, #tpu.memory_space<semaphore_mem>>)
    %dma_wait3A_250 = arith.constant 1 : i32
    %dma_wait3A_251 = arith.constant 0 : i32
    %dma_wait3A_252 = arith.constant 0 : i32
    %dma_wait3A_253 = tpu.memref_slice %arg6[%dma_wait3A_250, %dma_wait3A_251, %dma_wait3A_252] : memref<8x200x64xf32, #tpu.memory_space<vmem>> -> memref<1x200x64xf32, #tpu.memory_space<vmem>>
    %dma_wait3A_254 = tpu.memref_squeeze %dma_wait3A_253 : memref<1x200x64xf32, #tpu.memory_space<vmem>> -> memref<200x64xf32, #tpu.memory_space<vmem>>
    %dma_wait3A_255 = arith.constant 0 : i32
    %dma_wait3A_256 = arith.constant 0 : i32
    %dma_wait3A_257 = tpu.memref_slice %arg4[%mul3A_2, %dma_wait3A_255, %dma_wait3A_256] : memref<4096x200x64xf32, #tpu.memory_space<hbm>> -> memref<1x200x64xf32, #tpu.memory_space<hbm>>
    %dma_wait3A_258 = tpu.memref_squeeze %dma_wait3A_257 : memref<1x200x64xf32, #tpu.memory_space<hbm>> -> memref<200x64xf32, #tpu.memory_space<hbm>>
    %dma_wait3A_259 = arith.constant 0 : i32
    %dma_wait3A_260 = arith.constant 0 : i32
    %dma_wait3A_261 = tpu.memref_slice %arg4[%mul3A_2, %dma_wait3A_259, %dma_wait3A_260] : memref<4096x200x64xf32, #tpu.memory_space<hbm>> -> memref<1x200x64xf32, #tpu.memory_space<hbm>>
    %dma_wait3A_262 = tpu.memref_squeeze %dma_wait3A_261 : memref<1x200x64xf32, #tpu.memory_space<hbm>> -> memref<200x64xf32, #tpu.memory_space<hbm>>
    %dma_wait3A_263 = arith.constant 0 : i32
    %dma_wait3A_264 = arith.constant 0 : i32
    %dma_wait3A_265 = tpu.memref_slice %arg6[%dma_wait3A_250, %dma_wait3A_263, %dma_wait3A_264] : memref<8x200x64xf32, #tpu.memory_space<vmem>> -> memref<1x200x64xf32, #tpu.memory_space<vmem>>
    %dma_wait3A_266 = tpu.memref_squeeze %dma_wait3A_265 : memref<1x200x64xf32, #tpu.memory_space<vmem>> -> memref<200x64xf32, #tpu.memory_space<vmem>>
    tpu.wait_dma2 semaphore(%arg16 : memref<!tpu.dma_semaphore, #tpu.memory_space<semaphore_mem>>) src(%dma_wait3A_266 : memref<200x64xf32, #tpu.memory_space<vmem>>) dst(%dma_wait3A_262 : memref<200x64xf32, #tpu.memory_space<hbm>>)
    %dma_start3A_267 = arith.constant 9 : i32
    %dma_start3A_268 = arith.constant 1 : i32
    %dma_start3A_269 = arith.constant 0 : i32
    %dma_start3A_270 = arith.constant 0 : i32
    %dma_start3A_271 = tpu.memref_slice %arg6[%dma_start3A_268, %dma_start3A_269, %dma_start3A_270] : memref<8x200x64xf32, #tpu.memory_space<vmem>> -> memref<1x200x64xf32, #tpu.memory_space<vmem>>
    %dma_start3A_272 = tpu.memref_squeeze %dma_start3A_271 : memref<1x200x64xf32, #tpu.memory_space<vmem>> -> memref<200x64xf32, #tpu.memory_space<vmem>>
    %dma_start3A_273 = arith.constant 0 : i32
    %dma_start3A_274 = tpu.memref_slice %arg5[%dma_start3A_267, %dma_start3A_273] : memref<128x200xi32, #tpu.memory_space<vmem>> -> memref<1x200xi32, #tpu.memory_space<vmem>>
    %dma_start3A_275 = tpu.memref_squeeze %dma_start3A_274 : memref<1x200xi32, #tpu.memory_space<vmem>> -> memref<200xi32, #tpu.memory_space<vmem>>
    %dma_start3A_276 = arith.constant 0 : i32
    %dma_start3A_277 = arith.constant 0 : i32
    %dma_start3A_278 = tpu.memref_slice %arg3[%dma_start3A_276, %dma_start3A_277] : memref<1000000x64xf32, #tpu.memory_space<hbm>> -> memref<1000000x64xf32, #tpu.memory_space<hbm>>
    tpu.enqueue_indirect_dma source(%dma_start3A_278 : memref<1000000x64xf32, #tpu.memory_space<hbm>>) target(%dma_start3A_272 : memref<200x64xf32, #tpu.memory_space<vmem>>) offsets(%dma_start3A_275 : memref<200xi32, #tpu.memory_space<vmem>>) semaphore(%arg8 : memref<!tpu.dma_semaphore, #tpu.memory_space<semaphore_mem>>)
    %dma_wait3A_279 = arith.constant 0 : i32
    %dma_wait3A_280 = arith.constant 4 : i32
    %dma_wait3A_281 = arith.constant 0 : i32
    %dma_wait3A_282 = arith.constant 0 : i32
    %dma_wait3A_283 = tpu.memref_slice %arg6[%dma_wait3A_280, %dma_wait3A_281, %dma_wait3A_282] : memref<8x200x64xf32, #tpu.memory_space<vmem>> -> memref<1x200x64xf32, #tpu.memory_space<vmem>>
    %dma_wait3A_284 = tpu.memref_squeeze %dma_wait3A_283 : memref<1x200x64xf32, #tpu.memory_space<vmem>> -> memref<200x64xf32, #tpu.memory_space<vmem>>
    %dma_wait3A_285 = arith.constant 0 : i32
    %dma_wait3A_286 = tpu.memref_slice %arg5[%dma_wait3A_279, %dma_wait3A_285] : memref<128x200xi32, #tpu.memory_space<vmem>> -> memref<1x200xi32, #tpu.memory_space<vmem>>
    %dma_wait3A_287 = tpu.memref_squeeze %dma_wait3A_286 : memref<1x200xi32, #tpu.memory_space<vmem>> -> memref<200xi32, #tpu.memory_space<vmem>>
    %dma_wait3A_288 = arith.constant 0 : i32
    %dma_wait3A_289 = arith.constant 0 : i32
    %dma_wait3A_290 = tpu.memref_slice %arg3[%dma_wait3A_288, %dma_wait3A_289] : memref<1000000x64xf32, #tpu.memory_space<hbm>> -> memref<1000000x64xf32, #tpu.memory_space<hbm>>
    tpu.wait_indirect_dma semaphore(%arg11 : memref<!tpu.dma_semaphore, #tpu.memory_space<semaphore_mem>>) src(%dma_wait3A_290 : memref<1000000x64xf32, #tpu.memory_space<hbm>>) dst(%dma_wait3A_284 : memref<200x64xf32, #tpu.memory_space<vmem>>)
    %add3A_291 = arith.constant 4 : i32
    %add3A_292 = arith.addi %mul3A_2, %add3A_291 : i32
    %dma_start3A_293 = arith.constant 4 : i32
    %dma_start3A_294 = arith.constant 0 : i32
    %dma_start3A_295 = arith.constant 0 : i32
    %dma_start3A_296 = tpu.memref_slice %arg6[%dma_start3A_293, %dma_start3A_294, %dma_start3A_295] : memref<8x200x64xf32, #tpu.memory_space<vmem>> -> memref<1x200x64xf32, #tpu.memory_space<vmem>>
    %dma_start3A_297 = tpu.memref_squeeze %dma_start3A_296 : memref<1x200x64xf32, #tpu.memory_space<vmem>> -> memref<200x64xf32, #tpu.memory_space<vmem>>
    %dma_start3A_298 = arith.constant 0 : i32
    %dma_start3A_299 = arith.constant 0 : i32
    %dma_start3A_300 = tpu.memref_slice %arg4[%add3A_292, %dma_start3A_298, %dma_start3A_299] : memref<4096x200x64xf32, #tpu.memory_space<hbm>> -> memref<1x200x64xf32, #tpu.memory_space<hbm>>
    %dma_start3A_301 = tpu.memref_squeeze %dma_start3A_300 : memref<1x200x64xf32, #tpu.memory_space<hbm>> -> memref<200x64xf32, #tpu.memory_space<hbm>>
    %dma_start3A_302 = arith.constant 0 : i32
    %dma_start3A_303 = arith.constant 0 : i32
    %dma_start3A_304 = tpu.memref_slice %arg4[%add3A_292, %dma_start3A_302, %dma_start3A_303] : memref<4096x200x64xf32, #tpu.memory_space<hbm>> -> memref<1x200x64xf32, #tpu.memory_space<hbm>>
    %dma_start3A_305 = tpu.memref_squeeze %dma_start3A_304 : memref<1x200x64xf32, #tpu.memory_space<hbm>> -> memref<200x64xf32, #tpu.memory_space<hbm>>
    %dma_start3A_306 = arith.constant 0 : i32
    %dma_start3A_307 = arith.constant 0 : i32
    %dma_start3A_308 = tpu.memref_slice %arg6[%dma_start3A_293, %dma_start3A_306, %dma_start3A_307] : memref<8x200x64xf32, #tpu.memory_space<vmem>> -> memref<1x200x64xf32, #tpu.memory_space<vmem>>
    %dma_start3A_309 = tpu.memref_squeeze %dma_start3A_308 : memref<1x200x64xf32, #tpu.memory_space<vmem>> -> memref<200x64xf32, #tpu.memory_space<vmem>>
    tpu.enqueue_dma source(%dma_start3A_309 : memref<200x64xf32, #tpu.memory_space<vmem>>) target(%dma_start3A_305 : memref<200x64xf32, #tpu.memory_space<hbm>>) target_semaphore(%arg19 : memref<!tpu.dma_semaphore, #tpu.memory_space<semaphore_mem>>)
    %dma_wait3A_310 = arith.constant 2 : i32
    %dma_wait3A_311 = arith.constant 0 : i32
    %dma_wait3A_312 = arith.constant 0 : i32
    %dma_wait3A_313 = tpu.memref_slice %arg6[%dma_wait3A_310, %dma_wait3A_311, %dma_wait3A_312] : memref<8x200x64xf32, #tpu.memory_space<vmem>> -> memref<1x200x64xf32, #tpu.memory_space<vmem>>
    %dma_wait3A_314 = tpu.memref_squeeze %dma_wait3A_313 : memref<1x200x64xf32, #tpu.memory_space<vmem>> -> memref<200x64xf32, #tpu.memory_space<vmem>>
    %dma_wait3A_315 = arith.constant 0 : i32
    %dma_wait3A_316 = arith.constant 0 : i32
    %dma_wait3A_317 = tpu.memref_slice %arg4[%mul3A_2, %dma_wait3A_315, %dma_wait3A_316] : memref<4096x200x64xf32, #tpu.memory_space<hbm>> -> memref<1x200x64xf32, #tpu.memory_space<hbm>>
    %dma_wait3A_318 = tpu.memref_squeeze %dma_wait3A_317 : memref<1x200x64xf32, #tpu.memory_space<hbm>> -> memref<200x64xf32, #tpu.memory_space<hbm>>
    %dma_wait3A_319 = arith.constant 0 : i32
    %dma_wait3A_320 = arith.constant 0 : i32
    %dma_wait3A_321 = tpu.memref_slice %arg4[%mul3A_2, %dma_wait3A_319, %dma_wait3A_320] : memref<4096x200x64xf32, #tpu.memory_space<hbm>> -> memref<1x200x64xf32, #tpu.memory_space<hbm>>
    %dma_wait3A_322 = tpu.memref_squeeze %dma_wait3A_321 : memref<1x200x64xf32, #tpu.memory_space<hbm>> -> memref<200x64xf32, #tpu.memory_space<hbm>>
    %dma_wait3A_323 = arith.constant 0 : i32
    %dma_wait3A_324 = arith.constant 0 : i32
    %dma_wait3A_325 = tpu.memref_slice %arg6[%dma_wait3A_310, %dma_wait3A_323, %dma_wait3A_324] : memref<8x200x64xf32, #tpu.memory_space<vmem>> -> memref<1x200x64xf32, #tpu.memory_space<vmem>>
    %dma_wait3A_326 = tpu.memref_squeeze %dma_wait3A_325 : memref<1x200x64xf32, #tpu.memory_space<vmem>> -> memref<200x64xf32, #tpu.memory_space<vmem>>
    tpu.wait_dma2 semaphore(%arg17 : memref<!tpu.dma_semaphore, #tpu.memory_space<semaphore_mem>>) src(%dma_wait3A_326 : memref<200x64xf32, #tpu.memory_space<vmem>>) dst(%dma_wait3A_322 : memref<200x64xf32, #tpu.memory_space<hbm>>)
    %dma_start3A_327 = arith.constant 10 : i32
    %dma_start3A_328 = arith.constant 2 : i32
    %dma_start3A_329 = arith.constant 0 : i32
    %dma_start3A_330 = arith.constant 0 : i32
    %dma_start3A_331 = tpu.memref_slice %arg6[%dma_start3A_328, %dma_start3A_329, %dma_start3A_330] : memref<8x200x64xf32, #tpu.memory_space<vmem>> -> memref<1x200x64xf32, #tpu.memory_space<vmem>>
    %dma_start3A_332 = tpu.memref_squeeze %dma_start3A_331 : memref<1x200x64xf32, #tpu.memory_space<vmem>> -> memref<200x64xf32, #tpu.memory_space<vmem>>
    %dma_start3A_333 = arith.constant 0 : i32
    %dma_start3A_334 = tpu.memref_slice %arg5[%dma_start3A_327, %dma_start3A_333] : memref<128x200xi32, #tpu.memory_space<vmem>> -> memref<1x200xi32, #tpu.memory_space<vmem>>
    %dma_start3A_335 = tpu.memref_squeeze %dma_start3A_334 : memref<1x200xi32, #tpu.memory_space<vmem>> -> memref<200xi32, #tpu.memory_space<vmem>>
    %dma_start3A_336 = arith.constant 0 : i32
    %dma_start3A_337 = arith.constant 0 : i32
    %dma_start3A_338 = tpu.memref_slice %arg3[%dma_start3A_336, %dma_start3A_337] : memref<1000000x64xf32, #tpu.memory_space<hbm>> -> memref<1000000x64xf32, #tpu.memory_space<hbm>>
    tpu.enqueue_indirect_dma source(%dma_start3A_338 : memref<1000000x64xf32, #tpu.memory_space<hbm>>) target(%dma_start3A_332 : memref<200x64xf32, #tpu.memory_space<vmem>>) offsets(%dma_start3A_335 : memref<200xi32, #tpu.memory_space<vmem>>) semaphore(%arg9 : memref<!tpu.dma_semaphore, #tpu.memory_space<semaphore_mem>>)
    %dma_wait3A_339 = arith.constant 0 : i32
    %dma_wait3A_340 = arith.constant 5 : i32
    %dma_wait3A_341 = arith.constant 0 : i32
    %dma_wait3A_342 = arith.constant 0 : i32
    %dma_wait3A_343 = tpu.memref_slice %arg6[%dma_wait3A_340, %dma_wait3A_341, %dma_wait3A_342] : memref<8x200x64xf32, #tpu.memory_space<vmem>> -> memref<1x200x64xf32, #tpu.memory_space<vmem>>
    %dma_wait3A_344 = tpu.memref_squeeze %dma_wait3A_343 : memref<1x200x64xf32, #tpu.memory_space<vmem>> -> memref<200x64xf32, #tpu.memory_space<vmem>>
    %dma_wait3A_345 = arith.constant 0 : i32
    %dma_wait3A_346 = tpu.memref_slice %arg5[%dma_wait3A_339, %dma_wait3A_345] : memref<128x200xi32, #tpu.memory_space<vmem>> -> memref<1x200xi32, #tpu.memory_space<vmem>>
    %dma_wait3A_347 = tpu.memref_squeeze %dma_wait3A_346 : memref<1x200xi32, #tpu.memory_space<vmem>> -> memref<200xi32, #tpu.memory_space<vmem>>
    %dma_wait3A_348 = arith.constant 0 : i32
    %dma_wait3A_349 = arith.constant 0 : i32
    %dma_wait3A_350 = tpu.memref_slice %arg3[%dma_wait3A_348, %dma_wait3A_349] : memref<1000000x64xf32, #tpu.memory_space<hbm>> -> memref<1000000x64xf32, #tpu.memory_space<hbm>>
    tpu.wait_indirect_dma semaphore(%arg12 : memref<!tpu.dma_semaphore, #tpu.memory_space<semaphore_mem>>) src(%dma_wait3A_350 : memref<1000000x64xf32, #tpu.memory_space<hbm>>) dst(%dma_wait3A_344 : memref<200x64xf32, #tpu.memory_space<vmem>>)
    %add3A_351 = arith.constant 5 : i32
    %add3A_352 = arith.addi %mul3A_2, %add3A_351 : i32
    %dma_start3A_353 = arith.constant 5 : i32
    %dma_start3A_354 = arith.constant 0 : i32
    %dma_start3A_355 = arith.constant 0 : i32
    %dma_start3A_356 = tpu.memref_slice %arg6[%dma_start3A_353, %dma_start3A_354, %dma_start3A_355] : memref<8x200x64xf32, #tpu.memory_space<vmem>> -> memref<1x200x64xf32, #tpu.memory_space<vmem>>
    %dma_start3A_357 = tpu.memref_squeeze %dma_start3A_356 : memref<1x200x64xf32, #tpu.memory_space<vmem>> -> memref<200x64xf32, #tpu.memory_space<vmem>>
    %dma_start3A_358 = arith.constant 0 : i32
    %dma_start3A_359 = arith.constant 0 : i32
    %dma_start3A_360 = tpu.memref_slice %arg4[%add3A_352, %dma_start3A_358, %dma_start3A_359] : memref<4096x200x64xf32, #tpu.memory_space<hbm>> -> memref<1x200x64xf32, #tpu.memory_space<hbm>>
    %dma_start3A_361 = tpu.memref_squeeze %dma_start3A_360 : memref<1x200x64xf32, #tpu.memory_space<hbm>> -> memref<200x64xf32, #tpu.memory_space<hbm>>
    %dma_start3A_362 = arith.constant 0 : i32
    %dma_start3A_363 = arith.constant 0 : i32
    %dma_start3A_364 = tpu.memref_slice %arg4[%add3A_352, %dma_start3A_362, %dma_start3A_363] : memref<4096x200x64xf32, #tpu.memory_space<hbm>> -> memref<1x200x64xf32, #tpu.memory_space<hbm>>
    %dma_start3A_365 = tpu.memref_squeeze %dma_start3A_364 : memref<1x200x64xf32, #tpu.memory_space<hbm>> -> memref<200x64xf32, #tpu.memory_space<hbm>>
    %dma_start3A_366 = arith.constant 0 : i32
    %dma_start3A_367 = arith.constant 0 : i32
    %dma_start3A_368 = tpu.memref_slice %arg6[%dma_start3A_353, %dma_start3A_366, %dma_start3A_367] : memref<8x200x64xf32, #tpu.memory_space<vmem>> -> memref<1x200x64xf32, #tpu.memory_space<vmem>>
    %dma_start3A_369 = tpu.memref_squeeze %dma_start3A_368 : memref<1x200x64xf32, #tpu.memory_space<vmem>> -> memref<200x64xf32, #tpu.memory_space<vmem>>
    tpu.enqueue_dma source(%dma_start3A_369 : memref<200x64xf32, #tpu.memory_space<vmem>>) target(%dma_start3A_365 : memref<200x64xf32, #tpu.memory_space<hbm>>) target_semaphore(%arg20 : memref<!tpu.dma_semaphore, #tpu.memory_space<semaphore_mem>>)
    %dma_wait3A_370 = arith.constant 3 : i32
    %dma_wait3A_371 = arith.constant 0 : i32
    %dma_wait3A_372 = arith.constant 0 : i32
    %dma_wait3A_373 = tpu.memref_slice %arg6[%dma_wait3A_370, %dma_wait3A_371, %dma_wait3A_372] : memref<8x200x64xf32, #tpu.memory_space<vmem>> -> memref<1x200x64xf32, #tpu.memory_space<vmem>>
    %dma_wait3A_374 = tpu.memref_squeeze %dma_wait3A_373 : memref<1x200x64xf32, #tpu.memory_space<vmem>> -> memref<200x64xf32, #tpu.memory_space<vmem>>
    %dma_wait3A_375 = arith.constant 0 : i32
    %dma_wait3A_376 = arith.constant 0 : i32
    %dma_wait3A_377 = tpu.memref_slice %arg4[%mul3A_2, %dma_wait3A_375, %dma_wait3A_376] : memref<4096x200x64xf32, #tpu.memory_space<hbm>> -> memref<1x200x64xf32, #tpu.memory_space<hbm>>
    %dma_wait3A_378 = tpu.memref_squeeze %dma_wait3A_377 : memref<1x200x64xf32, #tpu.memory_space<hbm>> -> memref<200x64xf32, #tpu.memory_space<hbm>>
    %dma_wait3A_379 = arith.constant 0 : i32
    %dma_wait3A_380 = arith.constant 0 : i32
    %dma_wait3A_381 = tpu.memref_slice %arg4[%mul3A_2, %dma_wait3A_379, %dma_wait3A_380] : memref<4096x200x64xf32, #tpu.memory_space<hbm>> -> memref<1x200x64xf32, #tpu.memory_space<hbm>>
    %dma_wait3A_382 = tpu.memref_squeeze %dma_wait3A_381 : memref<1x200x64xf32, #tpu.memory_space<hbm>> -> memref<200x64xf32, #tpu.memory_space<hbm>>
    %dma_wait3A_383 = arith.constant 0 : i32
    %dma_wait3A_384 = arith.constant 0 : i32
    %dma_wait3A_385 = tpu.memref_slice %arg6[%dma_wait3A_370, %dma_wait3A_383, %dma_wait3A_384] : memref<8x200x64xf32, #tpu.memory_space<vmem>> -> memref<1x200x64xf32, #tpu.memory_space<vmem>>
    %dma_wait3A_386 = tpu.memref_squeeze %dma_wait3A_385 : memref<1x200x64xf32, #tpu.memory_space<vmem>> -> memref<200x64xf32, #tpu.memory_space<vmem>>
    tpu.wait_dma2 semaphore(%arg18 : memref<!tpu.dma_semaphore, #tpu.memory_space<semaphore_mem>>) src(%dma_wait3A_386 : memref<200x64xf32, #tpu.memory_space<vmem>>) dst(%dma_wait3A_382 : memref<200x64xf32, #tpu.memory_space<hbm>>)
    %dma_start3A_387 = arith.constant 11 : i32
    %dma_start3A_388 = arith.constant 3 : i32
    %dma_start3A_389 = arith.constant 0 : i32
    %dma_start3A_390 = arith.constant 0 : i32
    %dma_start3A_391 = tpu.memref_slice %arg6[%dma_start3A_388, %dma_start3A_389, %dma_start3A_390] : memref<8x200x64xf32, #tpu.memory_space<vmem>> -> memref<1x200x64xf32, #tpu.memory_space<vmem>>
    %dma_start3A_392 = tpu.memref_squeeze %dma_start3A_391 : memref<1x200x64xf32, #tpu.memory_space<vmem>> -> memref<200x64xf32, #tpu.memory_space<vmem>>
    %dma_start3A_393 = arith.constant 0 : i32
    %dma_start3A_394 = tpu.memref_slice %arg5[%dma_start3A_387, %dma_start3A_393] : memref<128x200xi32, #tpu.memory_space<vmem>> -> memref<1x200xi32, #tpu.memory_space<vmem>>
    %dma_start3A_395 = tpu.memref_squeeze %dma_start3A_394 : memref<1x200xi32, #tpu.memory_space<vmem>> -> memref<200xi32, #tpu.memory_space<vmem>>
    %dma_start3A_396 = arith.constant 0 : i32
    %dma_start3A_397 = arith.constant 0 : i32
    %dma_start3A_398 = tpu.memref_slice %arg3[%dma_start3A_396, %dma_start3A_397] : memref<1000000x64xf32, #tpu.memory_space<hbm>> -> memref<1000000x64xf32, #tpu.memory_space<hbm>>
    tpu.enqueue_indirect_dma source(%dma_start3A_398 : memref<1000000x64xf32, #tpu.memory_space<hbm>>) target(%dma_start3A_392 : memref<200x64xf32, #tpu.memory_space<vmem>>) offsets(%dma_start3A_395 : memref<200xi32, #tpu.memory_space<vmem>>) semaphore(%arg10 : memref<!tpu.dma_semaphore, #tpu.memory_space<semaphore_mem>>)
    %dma_wait3A_399 = arith.constant 0 : i32
    %dma_wait3A_400 = arith.constant 6 : i32
    %dma_wait3A_401 = arith.constant 0 : i32
    %dma_wait3A_402 = arith.constant 0 : i32
    %dma_wait3A_403 = tpu.memref_slice %arg6[%dma_wait3A_400, %dma_wait3A_401, %dma_wait3A_402] : memref<8x200x64xf32, #tpu.memory_space<vmem>> -> memref<1x200x64xf32, #tpu.memory_space<vmem>>
    %dma_wait3A_404 = tpu.memref_squeeze %dma_wait3A_403 : memref<1x200x64xf32, #tpu.memory_space<vmem>> -> memref<200x64xf32, #tpu.memory_space<vmem>>
    %dma_wait3A_405 = arith.constant 0 : i32
    %dma_wait3A_406 = tpu.memref_slice %arg5[%dma_wait3A_399, %dma_wait3A_405] : memref<128x200xi32, #tpu.memory_space<vmem>> -> memref<1x200xi32, #tpu.memory_space<vmem>>
    %dma_wait3A_407 = tpu.memref_squeeze %dma_wait3A_406 : memref<1x200xi32, #tpu.memory_space<vmem>> -> memref<200xi32, #tpu.memory_space<vmem>>
    %dma_wait3A_408 = arith.constant 0 : i32
    %dma_wait3A_409 = arith.constant 0 : i32
    %dma_wait3A_410 = tpu.memref_slice %arg3[%dma_wait3A_408, %dma_wait3A_409] : memref<1000000x64xf32, #tpu.memory_space<hbm>> -> memref<1000000x64xf32, #tpu.memory_space<hbm>>
    tpu.wait_indirect_dma semaphore(%arg13 : memref<!tpu.dma_semaphore, #tpu.memory_space<semaphore_mem>>) src(%dma_wait3A_410 : memref<1000000x64xf32, #tpu.memory_space<hbm>>) dst(%dma_wait3A_404 : memref<200x64xf32, #tpu.memory_space<vmem>>)
    %add3A_411 = arith.constant 6 : i32
    %add3A_412 = arith.addi %mul3A_2, %add3A_411 : i32
    %dma_start3A_413 = arith.constant 6 : i32
    %dma_start3A_414 = arith.constant 0 : i32
    %dma_start3A_415 = arith.constant 0 : i32
    %dma_start3A_416 = tpu.memref_slice %arg6[%dma_start3A_413, %dma_start3A_414, %dma_start3A_415] : memref<8x200x64xf32, #tpu.memory_space<vmem>> -> memref<1x200x64xf32, #tpu.memory_space<vmem>>
    %dma_start3A_417 = tpu.memref_squeeze %dma_start3A_416 : memref<1x200x64xf32, #tpu.memory_space<vmem>> -> memref<200x64xf32, #tpu.memory_space<vmem>>
    %dma_start3A_418 = arith.constant 0 : i32
    %dma_start3A_419 = arith.constant 0 : i32
    %dma_start3A_420 = tpu.memref_slice %arg4[%add3A_412, %dma_start3A_418, %dma_start3A_419] : memref<4096x200x64xf32, #tpu.memory_space<hbm>> -> memref<1x200x64xf32, #tpu.memory_space<hbm>>
    %dma_start3A_421 = tpu.memref_squeeze %dma_start3A_420 : memref<1x200x64xf32, #tpu.memory_space<hbm>> -> memref<200x64xf32, #tpu.memory_space<hbm>>
    %dma_start3A_422 = arith.constant 0 : i32
    %dma_start3A_423 = arith.constant 0 : i32
    %dma_start3A_424 = tpu.memref_slice %arg4[%add3A_412, %dma_start3A_422, %dma_start3A_423] : memref<4096x200x64xf32, #tpu.memory_space<hbm>> -> memref<1x200x64xf32, #tpu.memory_space<hbm>>
    %dma_start3A_425 = tpu.memref_squeeze %dma_start3A_424 : memref<1x200x64xf32, #tpu.memory_space<hbm>> -> memref<200x64xf32, #tpu.memory_space<hbm>>
    %dma_start3A_426 = arith.constant 0 : i32
    %dma_start3A_427 = arith.constant 0 : i32
    %dma_start3A_428 = tpu.memref_slice %arg6[%dma_start3A_413, %dma_start3A_426, %dma_start3A_427] : memref<8x200x64xf32, #tpu.memory_space<vmem>> -> memref<1x200x64xf32, #tpu.memory_space<vmem>>
    %dma_start3A_429 = tpu.memref_squeeze %dma_start3A_428 : memref<1x200x64xf32, #tpu.memory_space<vmem>> -> memref<200x64xf32, #tpu.memory_space<vmem>>
    tpu.enqueue_dma source(%dma_start3A_429 : memref<200x64xf32, #tpu.memory_space<vmem>>) target(%dma_start3A_425 : memref<200x64xf32, #tpu.memory_space<hbm>>) target_semaphore(%arg21 : memref<!tpu.dma_semaphore, #tpu.memory_space<semaphore_mem>>)
    %dma_wait3A_430 = arith.constant 4 : i32
    %dma_wait3A_431 = arith.constant 0 : i32
    %dma_wait3A_432 = arith.constant 0 : i32
    %dma_wait3A_433 = tpu.memref_slice %arg6[%dma_wait3A_430, %dma_wait3A_431, %dma_wait3A_432] : memref<8x200x64xf32, #tpu.memory_space<vmem>> -> memref<1x200x64xf32, #tpu.memory_space<vmem>>
    %dma_wait3A_434 = tpu.memref_squeeze %dma_wait3A_433 : memref<1x200x64xf32, #tpu.memory_space<vmem>> -> memref<200x64xf32, #tpu.memory_space<vmem>>
    %dma_wait3A_435 = arith.constant 0 : i32
    %dma_wait3A_436 = arith.constant 0 : i32
    %dma_wait3A_437 = tpu.memref_slice %arg4[%mul3A_2, %dma_wait3A_435, %dma_wait3A_436] : memref<4096x200x64xf32, #tpu.memory_space<hbm>> -> memref<1x200x64xf32, #tpu.memory_space<hbm>>
    %dma_wait3A_438 = tpu.memref_squeeze %dma_wait3A_437 : memref<1x200x64xf32, #tpu.memory_space<hbm>> -> memref<200x64xf32, #tpu.memory_space<hbm>>
    %dma_wait3A_439 = arith.constant 0 : i32
    %dma_wait3A_440 = arith.constant 0 : i32
    %dma_wait3A_441 = tpu.memref_slice %arg4[%mul3A_2, %dma_wait3A_439, %dma_wait3A_440] : memref<4096x200x64xf32, #tpu.memory_space<hbm>> -> memref<1x200x64xf32, #tpu.memory_space<hbm>>
    %dma_wait3A_442 = tpu.memref_squeeze %dma_wait3A_441 : memref<1x200x64xf32, #tpu.memory_space<hbm>> -> memref<200x64xf32, #tpu.memory_space<hbm>>
    %dma_wait3A_443 = arith.constant 0 : i32
    %dma_wait3A_444 = arith.constant 0 : i32
    %dma_wait3A_445 = tpu.memref_slice %arg6[%dma_wait3A_430, %dma_wait3A_443, %dma_wait3A_444] : memref<8x200x64xf32, #tpu.memory_space<vmem>> -> memref<1x200x64xf32, #tpu.memory_space<vmem>>
    %dma_wait3A_446 = tpu.memref_squeeze %dma_wait3A_445 : memref<1x200x64xf32, #tpu.memory_space<vmem>> -> memref<200x64xf32, #tpu.memory_space<vmem>>
    tpu.wait_dma2 semaphore(%arg19 : memref<!tpu.dma_semaphore, #tpu.memory_space<semaphore_mem>>) src(%dma_wait3A_446 : memref<200x64xf32, #tpu.memory_space<vmem>>) dst(%dma_wait3A_442 : memref<200x64xf32, #tpu.memory_space<hbm>>)
    %dma_start3A_447 = arith.constant 12 : i32
    %dma_start3A_448 = arith.constant 4 : i32
    %dma_start3A_449 = arith.constant 0 : i32
    %dma_start3A_450 = arith.constant 0 : i32
    %dma_start3A_451 = tpu.memref_slice %arg6[%dma_start3A_448, %dma_start3A_449, %dma_start3A_450] : memref<8x200x64xf32, #tpu.memory_space<vmem>> -> memref<1x200x64xf32, #tpu.memory_space<vmem>>
    %dma_start3A_452 = tpu.memref_squeeze %dma_start3A_451 : memref<1x200x64xf32, #tpu.memory_space<vmem>> -> memref<200x64xf32, #tpu.memory_space<vmem>>
    %dma_start3A_453 = arith.constant 0 : i32
    %dma_start3A_454 = tpu.memref_slice %arg5[%dma_start3A_447, %dma_start3A_453] : memref<128x200xi32, #tpu.memory_space<vmem>> -> memref<1x200xi32, #tpu.memory_space<vmem>>
    %dma_start3A_455 = tpu.memref_squeeze %dma_start3A_454 : memref<1x200xi32, #tpu.memory_space<vmem>> -> memref<200xi32, #tpu.memory_space<vmem>>
    %dma_start3A_456 = arith.constant 0 : i32
    %dma_start3A_457 = arith.constant 0 : i32
    %dma_start3A_458 = tpu.memref_slice %arg3[%dma_start3A_456, %dma_start3A_457] : memref<1000000x64xf32, #tpu.memory_space<hbm>> -> memref<1000000x64xf32, #tpu.memory_space<hbm>>
    tpu.enqueue_indirect_dma source(%dma_start3A_458 : memref<1000000x64xf32, #tpu.memory_space<hbm>>) target(%dma_start3A_452 : memref<200x64xf32, #tpu.memory_space<vmem>>) offsets(%dma_start3A_455 : memref<200xi32, #tpu.memory_space<vmem>>) semaphore(%arg11 : memref<!tpu.dma_semaphore, #tpu.memory_space<semaphore_mem>>)
    %dma_wait3A_459 = arith.constant 0 : i32
    %dma_wait3A_460 = arith.constant 7 : i32
    %dma_wait3A_461 = arith.constant 0 : i32
    %dma_wait3A_462 = arith.constant 0 : i32
    %dma_wait3A_463 = tpu.memref_slice %arg6[%dma_wait3A_460, %dma_wait3A_461, %dma_wait3A_462] : memref<8x200x64xf32, #tpu.memory_space<vmem>> -> memref<1x200x64xf32, #tpu.memory_space<vmem>>
    %dma_wait3A_464 = tpu.memref_squeeze %dma_wait3A_463 : memref<1x200x64xf32, #tpu.memory_space<vmem>> -> memref<200x64xf32, #tpu.memory_space<vmem>>
    %dma_wait3A_465 = arith.constant 0 : i32
    %dma_wait3A_466 = tpu.memref_slice %arg5[%dma_wait3A_459, %dma_wait3A_465] : memref<128x200xi32, #tpu.memory_space<vmem>> -> memref<1x200xi32, #tpu.memory_space<vmem>>
    %dma_wait3A_467 = tpu.memref_squeeze %dma_wait3A_466 : memref<1x200xi32, #tpu.memory_space<vmem>> -> memref<200xi32, #tpu.memory_space<vmem>>
    %dma_wait3A_468 = arith.constant 0 : i32
    %dma_wait3A_469 = arith.constant 0 : i32
    %dma_wait3A_470 = tpu.memref_slice %arg3[%dma_wait3A_468, %dma_wait3A_469] : memref<1000000x64xf32, #tpu.memory_space<hbm>> -> memref<1000000x64xf32, #tpu.memory_space<hbm>>
    tpu.wait_indirect_dma semaphore(%arg14 : memref<!tpu.dma_semaphore, #tpu.memory_space<semaphore_mem>>) src(%dma_wait3A_470 : memref<1000000x64xf32, #tpu.memory_space<hbm>>) dst(%dma_wait3A_464 : memref<200x64xf32, #tpu.memory_space<vmem>>)
    %add3A_471 = arith.constant 7 : i32
    %add3A_472 = arith.addi %mul3A_2, %add3A_471 : i32
    %dma_start3A_473 = arith.constant 7 : i32
    %dma_start3A_474 = arith.constant 0 : i32
    %dma_start3A_475 = arith.constant 0 : i32
    %dma_start3A_476 = tpu.memref_slice %arg6[%dma_start3A_473, %dma_start3A_474, %dma_start3A_475] : memref<8x200x64xf32, #tpu.memory_space<vmem>> -> memref<1x200x64xf32, #tpu.memory_space<vmem>>
    %dma_start3A_477 = tpu.memref_squeeze %dma_start3A_476 : memref<1x200x64xf32, #tpu.memory_space<vmem>> -> memref<200x64xf32, #tpu.memory_space<vmem>>
    %dma_start3A_478 = arith.constant 0 : i32
    %dma_start3A_479 = arith.constant 0 : i32
    %dma_start3A_480 = tpu.memref_slice %arg4[%add3A_472, %dma_start3A_478, %dma_start3A_479] : memref<4096x200x64xf32, #tpu.memory_space<hbm>> -> memref<1x200x64xf32, #tpu.memory_space<hbm>>
    %dma_start3A_481 = tpu.memref_squeeze %dma_start3A_480 : memref<1x200x64xf32, #tpu.memory_space<hbm>> -> memref<200x64xf32, #tpu.memory_space<hbm>>
    %dma_start3A_482 = arith.constant 0 : i32
    %dma_start3A_483 = arith.constant 0 : i32
    %dma_start3A_484 = tpu.memref_slice %arg4[%add3A_472, %dma_start3A_482, %dma_start3A_483] : memref<4096x200x64xf32, #tpu.memory_space<hbm>> -> memref<1x200x64xf32, #tpu.memory_space<hbm>>
    %dma_start3A_485 = tpu.memref_squeeze %dma_start3A_484 : memref<1x200x64xf32, #tpu.memory_space<hbm>> -> memref<200x64xf32, #tpu.memory_space<hbm>>
    %dma_start3A_486 = arith.constant 0 : i32
    %dma_start3A_487 = arith.constant 0 : i32
    %dma_start3A_488 = tpu.memref_slice %arg6[%dma_start3A_473, %dma_start3A_486, %dma_start3A_487] : memref<8x200x64xf32, #tpu.memory_space<vmem>> -> memref<1x200x64xf32, #tpu.memory_space<vmem>>
    %dma_start3A_489 = tpu.memref_squeeze %dma_start3A_488 : memref<1x200x64xf32, #tpu.memory_space<vmem>> -> memref<200x64xf32, #tpu.memory_space<vmem>>
    tpu.enqueue_dma source(%dma_start3A_489 : memref<200x64xf32, #tpu.memory_space<vmem>>) target(%dma_start3A_485 : memref<200x64xf32, #tpu.memory_space<hbm>>) target_semaphore(%arg22 : memref<!tpu.dma_semaphore, #tpu.memory_space<semaphore_mem>>)
    %dma_wait3A_490 = arith.constant 5 : i32
    %dma_wait3A_491 = arith.constant 0 : i32
    %dma_wait3A_492 = arith.constant 0 : i32
    %dma_wait3A_493 = tpu.memref_slice %arg6[%dma_wait3A_490, %dma_wait3A_491, %dma_wait3A_492] : memref<8x200x64xf32, #tpu.memory_space<vmem>> -> memref<1x200x64xf32, #tpu.memory_space<vmem>>
    %dma_wait3A_494 = tpu.memref_squeeze %dma_wait3A_493 : memref<1x200x64xf32, #tpu.memory_space<vmem>> -> memref<200x64xf32, #tpu.memory_space<vmem>>
    %dma_wait3A_495 = arith.constant 0 : i32
    %dma_wait3A_496 = arith.constant 0 : i32
    %dma_wait3A_497 = tpu.memref_slice %arg4[%mul3A_2, %dma_wait3A_495, %dma_wait3A_496] : memref<4096x200x64xf32, #tpu.memory_space<hbm>> -> memref<1x200x64xf32, #tpu.memory_space<hbm>>
    %dma_wait3A_498 = tpu.memref_squeeze %dma_wait3A_497 : memref<1x200x64xf32, #tpu.memory_space<hbm>> -> memref<200x64xf32, #tpu.memory_space<hbm>>
    %dma_wait3A_499 = arith.constant 0 : i32
    %dma_wait3A_500 = arith.constant 0 : i32
    %dma_wait3A_501 = tpu.memref_slice %arg4[%mul3A_2, %dma_wait3A_499, %dma_wait3A_500] : memref<4096x200x64xf32, #tpu.memory_space<hbm>> -> memref<1x200x64xf32, #tpu.memory_space<hbm>>
    %dma_wait3A_502 = tpu.memref_squeeze %dma_wait3A_501 : memref<1x200x64xf32, #tpu.memory_space<hbm>> -> memref<200x64xf32, #tpu.memory_space<hbm>>
    %dma_wait3A_503 = arith.constant 0 : i32
    %dma_wait3A_504 = arith.constant 0 : i32
    %dma_wait3A_505 = tpu.memref_slice %arg6[%dma_wait3A_490, %dma_wait3A_503, %dma_wait3A_504] : memref<8x200x64xf32, #tpu.memory_space<vmem>> -> memref<1x200x64xf32, #tpu.memory_space<vmem>>
    %dma_wait3A_506 = tpu.memref_squeeze %dma_wait3A_505 : memref<1x200x64xf32, #tpu.memory_space<vmem>> -> memref<200x64xf32, #tpu.memory_space<vmem>>
    tpu.wait_dma2 semaphore(%arg20 : memref<!tpu.dma_semaphore, #tpu.memory_space<semaphore_mem>>) src(%dma_wait3A_506 : memref<200x64xf32, #tpu.memory_space<vmem>>) dst(%dma_wait3A_502 : memref<200x64xf32, #tpu.memory_space<hbm>>)
    %dma_start3A_507 = arith.constant 13 : i32
    %dma_start3A_508 = arith.constant 5 : i32
    %dma_start3A_509 = arith.constant 0 : i32
    %dma_start3A_510 = arith.constant 0 : i32
    %dma_start3A_511 = tpu.memref_slice %arg6[%dma_start3A_508, %dma_start3A_509, %dma_start3A_510] : memref<8x200x64xf32, #tpu.memory_space<vmem>> -> memref<1x200x64xf32, #tpu.memory_space<vmem>>
    %dma_start3A_512 = tpu.memref_squeeze %dma_start3A_511 : memref<1x200x64xf32, #tpu.memory_space<vmem>> -> memref<200x64xf32, #tpu.memory_space<vmem>>
    %dma_start3A_513 = arith.constant 0 : i32
    %dma_start3A_514 = tpu.memref_slice %arg5[%dma_start3A_507, %dma_start3A_513] : memref<128x200xi32, #tpu.memory_space<vmem>> -> memref<1x200xi32, #tpu.memory_space<vmem>>
    %dma_start3A_515 = tpu.memref_squeeze %dma_start3A_514 : memref<1x200xi32, #tpu.memory_space<vmem>> -> memref<200xi32, #tpu.memory_space<vmem>>
    %dma_start3A_516 = arith.constant 0 : i32
    %dma_start3A_517 = arith.constant 0 : i32
    %dma_start3A_518 = tpu.memref_slice %arg3[%dma_start3A_516, %dma_start3A_517] : memref<1000000x64xf32, #tpu.memory_space<hbm>> -> memref<1000000x64xf32, #tpu.memory_space<hbm>>
    tpu.enqueue_indirect_dma source(%dma_start3A_518 : memref<1000000x64xf32, #tpu.memory_space<hbm>>) target(%dma_start3A_512 : memref<200x64xf32, #tpu.memory_space<vmem>>) offsets(%dma_start3A_515 : memref<200xi32, #tpu.memory_space<vmem>>) semaphore(%arg12 : memref<!tpu.dma_semaphore, #tpu.memory_space<semaphore_mem>>)
    %scan3A = arith.constant 0 : i32
    %scan3A_519 = arith.constant 1 : i32
    %scan3A_520 = arith.constant 14 : i32
    %scan3A_521 = arith.addi %scan3A_519, %scan3A_520 : i32
    %scan3A_522 = arith.constant 1 : i32
    scf.for %scan3A_966 = %scan3A_519 to %scan3A_521 step %scan3A_522  : i32 {
      %mul3A_967 = arith.constant 8 : i32
      %mul3A_968 = arith.muli %scan3A_966, %mul3A_967 : i32
      %add3A_969 = arith.constant 0 : i32
      %add3A_970 = arith.addi %mul3A_968, %add3A_969 : i32
      %dma_wait3A_971 = arith.constant 0 : i32
      %dma_wait3A_972 = arith.constant 0 : i32
      %dma_wait3A_973 = arith.constant 0 : i32
      %dma_wait3A_974 = arith.constant 0 : i32
      %dma_wait3A_975 = tpu.memref_slice %arg6[%dma_wait3A_972, %dma_wait3A_973, %dma_wait3A_974] : memref<8x200x64xf32, #tpu.memory_space<vmem>> -> memref<1x200x64xf32, #tpu.memory_space<vmem>>
      %dma_wait3A_976 = tpu.memref_squeeze %dma_wait3A_975 : memref<1x200x64xf32, #tpu.memory_space<vmem>> -> memref<200x64xf32, #tpu.memory_space<vmem>>
      %dma_wait3A_977 = arith.constant 0 : i32
      %dma_wait3A_978 = tpu.memref_slice %arg5[%dma_wait3A_971, %dma_wait3A_977] : memref<128x200xi32, #tpu.memory_space<vmem>> -> memref<1x200xi32, #tpu.memory_space<vmem>>
      %dma_wait3A_979 = tpu.memref_squeeze %dma_wait3A_978 : memref<1x200xi32, #tpu.memory_space<vmem>> -> memref<200xi32, #tpu.memory_space<vmem>>
      %dma_wait3A_980 = arith.constant 0 : i32
      %dma_wait3A_981 = arith.constant 0 : i32
      %dma_wait3A_982 = tpu.memref_slice %arg3[%dma_wait3A_980, %dma_wait3A_981] : memref<1000000x64xf32, #tpu.memory_space<hbm>> -> memref<1000000x64xf32, #tpu.memory_space<hbm>>
      tpu.wait_indirect_dma semaphore(%arg7 : memref<!tpu.dma_semaphore, #tpu.memory_space<semaphore_mem>>) src(%dma_wait3A_982 : memref<1000000x64xf32, #tpu.memory_space<hbm>>) dst(%dma_wait3A_976 : memref<200x64xf32, #tpu.memory_space<vmem>>)
      %add3A_983 = arith.addi %mul3A_2, %add3A_970 : i32
      %dma_start3A_984 = arith.constant 0 : i32
      %dma_start3A_985 = arith.constant 0 : i32
      %dma_start3A_986 = arith.constant 0 : i32
      %dma_start3A_987 = tpu.memref_slice %arg6[%dma_start3A_984, %dma_start3A_985, %dma_start3A_986] : memref<8x200x64xf32, #tpu.memory_space<vmem>> -> memref<1x200x64xf32, #tpu.memory_space<vmem>>
      %dma_start3A_988 = tpu.memref_squeeze %dma_start3A_987 : memref<1x200x64xf32, #tpu.memory_space<vmem>> -> memref<200x64xf32, #tpu.memory_space<vmem>>
      %dma_start3A_989 = arith.constant 0 : i32
      %dma_start3A_990 = arith.constant 0 : i32
      %dma_start3A_991 = tpu.memref_slice %arg4[%add3A_983, %dma_start3A_989, %dma_start3A_990] : memref<4096x200x64xf32, #tpu.memory_space<hbm>> -> memref<1x200x64xf32, #tpu.memory_space<hbm>>
      %dma_start3A_992 = tpu.memref_squeeze %dma_start3A_991 : memref<1x200x64xf32, #tpu.memory_space<hbm>> -> memref<200x64xf32, #tpu.memory_space<hbm>>
      %dma_start3A_993 = arith.constant 0 : i32
      %dma_start3A_994 = arith.constant 0 : i32
      %dma_start3A_995 = tpu.memref_slice %arg4[%add3A_983, %dma_start3A_993, %dma_start3A_994] : memref<4096x200x64xf32, #tpu.memory_space<hbm>> -> memref<1x200x64xf32, #tpu.memory_space<hbm>>
      %dma_start3A_996 = tpu.memref_squeeze %dma_start3A_995 : memref<1x200x64xf32, #tpu.memory_space<hbm>> -> memref<200x64xf32, #tpu.memory_space<hbm>>
      %dma_start3A_997 = arith.constant 0 : i32
      %dma_start3A_998 = arith.constant 0 : i32
      %dma_start3A_999 = tpu.memref_slice %arg6[%dma_start3A_984, %dma_start3A_997, %dma_start3A_998] : memref<8x200x64xf32, #tpu.memory_space<vmem>> -> memref<1x200x64xf32, #tpu.memory_space<vmem>>
      %dma_start3A_1000 = tpu.memref_squeeze %dma_start3A_999 : memref<1x200x64xf32, #tpu.memory_space<vmem>> -> memref<200x64xf32, #tpu.memory_space<vmem>>
      tpu.enqueue_dma source(%dma_start3A_1000 : memref<200x64xf32, #tpu.memory_space<vmem>>) target(%dma_start3A_996 : memref<200x64xf32, #tpu.memory_space<hbm>>) target_semaphore(%arg15 : memref<!tpu.dma_semaphore, #tpu.memory_space<semaphore_mem>>)
      %dma_wait3A_1001 = arith.constant 6 : i32
      %dma_wait3A_1002 = arith.constant 0 : i32
      %dma_wait3A_1003 = arith.constant 0 : i32
      %dma_wait3A_1004 = tpu.memref_slice %arg6[%dma_wait3A_1001, %dma_wait3A_1002, %dma_wait3A_1003] : memref<8x200x64xf32, #tpu.memory_space<vmem>> -> memref<1x200x64xf32, #tpu.memory_space<vmem>>
      %dma_wait3A_1005 = tpu.memref_squeeze %dma_wait3A_1004 : memref<1x200x64xf32, #tpu.memory_space<vmem>> -> memref<200x64xf32, #tpu.memory_space<vmem>>
      %dma_wait3A_1006 = arith.constant 0 : i32
      %dma_wait3A_1007 = arith.constant 0 : i32
      %dma_wait3A_1008 = tpu.memref_slice %arg4[%mul3A_2, %dma_wait3A_1006, %dma_wait3A_1007] : memref<4096x200x64xf32, #tpu.memory_space<hbm>> -> memref<1x200x64xf32, #tpu.memory_space<hbm>>
      %dma_wait3A_1009 = tpu.memref_squeeze %dma_wait3A_1008 : memref<1x200x64xf32, #tpu.memory_space<hbm>> -> memref<200x64xf32, #tpu.memory_space<hbm>>
      %dma_wait3A_1010 = arith.constant 0 : i32
      %dma_wait3A_1011 = arith.constant 0 : i32
      %dma_wait3A_1012 = tpu.memref_slice %arg4[%mul3A_2, %dma_wait3A_1010, %dma_wait3A_1011] : memref<4096x200x64xf32, #tpu.memory_space<hbm>> -> memref<1x200x64xf32, #tpu.memory_space<hbm>>
      %dma_wait3A_1013 = tpu.memref_squeeze %dma_wait3A_1012 : memref<1x200x64xf32, #tpu.memory_space<hbm>> -> memref<200x64xf32, #tpu.memory_space<hbm>>
      %dma_wait3A_1014 = arith.constant 0 : i32
      %dma_wait3A_1015 = arith.constant 0 : i32
      %dma_wait3A_1016 = tpu.memref_slice %arg6[%dma_wait3A_1001, %dma_wait3A_1014, %dma_wait3A_1015] : memref<8x200x64xf32, #tpu.memory_space<vmem>> -> memref<1x200x64xf32, #tpu.memory_space<vmem>>
      %dma_wait3A_1017 = tpu.memref_squeeze %dma_wait3A_1016 : memref<1x200x64xf32, #tpu.memory_space<vmem>> -> memref<200x64xf32, #tpu.memory_space<vmem>>
      tpu.wait_dma2 semaphore(%arg21 : memref<!tpu.dma_semaphore, #tpu.memory_space<semaphore_mem>>) src(%dma_wait3A_1017 : memref<200x64xf32, #tpu.memory_space<vmem>>) dst(%dma_wait3A_1013 : memref<200x64xf32, #tpu.memory_space<hbm>>)
      %add3A_1018 = arith.constant 6 : i32
      %add3A_1019 = arith.addi %add3A_970, %add3A_1018 : i32
      %dma_start3A_1020 = arith.constant 6 : i32
      %dma_start3A_1021 = arith.constant 0 : i32
      %dma_start3A_1022 = arith.constant 0 : i32
      %dma_start3A_1023 = tpu.memref_slice %arg6[%dma_start3A_1020, %dma_start3A_1021, %dma_start3A_1022] : memref<8x200x64xf32, #tpu.memory_space<vmem>> -> memref<1x200x64xf32, #tpu.memory_space<vmem>>
      %dma_start3A_1024 = tpu.memref_squeeze %dma_start3A_1023 : memref<1x200x64xf32, #tpu.memory_space<vmem>> -> memref<200x64xf32, #tpu.memory_space<vmem>>
      %dma_start3A_1025 = arith.constant 0 : i32
      %dma_start3A_1026 = tpu.memref_slice %arg5[%add3A_1019, %dma_start3A_1025] : memref<128x200xi32, #tpu.memory_space<vmem>> -> memref<1x200xi32, #tpu.memory_space<vmem>>
      %dma_start3A_1027 = tpu.memref_squeeze %dma_start3A_1026 : memref<1x200xi32, #tpu.memory_space<vmem>> -> memref<200xi32, #tpu.memory_space<vmem>>
      %dma_start3A_1028 = arith.constant 0 : i32
      %dma_start3A_1029 = arith.constant 0 : i32
      %dma_start3A_1030 = tpu.memref_slice %arg3[%dma_start3A_1028, %dma_start3A_1029] : memref<1000000x64xf32, #tpu.memory_space<hbm>> -> memref<1000000x64xf32, #tpu.memory_space<hbm>>
      tpu.enqueue_indirect_dma source(%dma_start3A_1030 : memref<1000000x64xf32, #tpu.memory_space<hbm>>) target(%dma_start3A_1024 : memref<200x64xf32, #tpu.memory_space<vmem>>) offsets(%dma_start3A_1027 : memref<200xi32, #tpu.memory_space<vmem>>) semaphore(%arg13 : memref<!tpu.dma_semaphore, #tpu.memory_space<semaphore_mem>>)
      %mul3A_1031 = arith.constant 8 : i32
      %mul3A_1032 = arith.muli %scan3A_966, %mul3A_1031 : i32
      %add3A_1033 = arith.constant 1 : i32
      %add3A_1034 = arith.addi %mul3A_1032, %add3A_1033 : i32
      %dma_wait3A_1035 = arith.constant 0 : i32
      %dma_wait3A_1036 = arith.constant 1 : i32
      %dma_wait3A_1037 = arith.constant 0 : i32
      %dma_wait3A_1038 = arith.constant 0 : i32
      %dma_wait3A_1039 = tpu.memref_slice %arg6[%dma_wait3A_1036, %dma_wait3A_1037, %dma_wait3A_1038] : memref<8x200x64xf32, #tpu.memory_space<vmem>> -> memref<1x200x64xf32, #tpu.memory_space<vmem>>
      %dma_wait3A_1040 = tpu.memref_squeeze %dma_wait3A_1039 : memref<1x200x64xf32, #tpu.memory_space<vmem>> -> memref<200x64xf32, #tpu.memory_space<vmem>>
      %dma_wait3A_1041 = arith.constant 0 : i32
      %dma_wait3A_1042 = tpu.memref_slice %arg5[%dma_wait3A_1035, %dma_wait3A_1041] : memref<128x200xi32, #tpu.memory_space<vmem>> -> memref<1x200xi32, #tpu.memory_space<vmem>>
      %dma_wait3A_1043 = tpu.memref_squeeze %dma_wait3A_1042 : memref<1x200xi32, #tpu.memory_space<vmem>> -> memref<200xi32, #tpu.memory_space<vmem>>
      %dma_wait3A_1044 = arith.constant 0 : i32
      %dma_wait3A_1045 = arith.constant 0 : i32
      %dma_wait3A_1046 = tpu.memref_slice %arg3[%dma_wait3A_1044, %dma_wait3A_1045] : memref<1000000x64xf32, #tpu.memory_space<hbm>> -> memref<1000000x64xf32, #tpu.memory_space<hbm>>
      tpu.wait_indirect_dma semaphore(%arg8 : memref<!tpu.dma_semaphore, #tpu.memory_space<semaphore_mem>>) src(%dma_wait3A_1046 : memref<1000000x64xf32, #tpu.memory_space<hbm>>) dst(%dma_wait3A_1040 : memref<200x64xf32, #tpu.memory_space<vmem>>)
      %add3A_1047 = arith.addi %mul3A_2, %add3A_1034 : i32
      %dma_start3A_1048 = arith.constant 1 : i32
      %dma_start3A_1049 = arith.constant 0 : i32
      %dma_start3A_1050 = arith.constant 0 : i32
      %dma_start3A_1051 = tpu.memref_slice %arg6[%dma_start3A_1048, %dma_start3A_1049, %dma_start3A_1050] : memref<8x200x64xf32, #tpu.memory_space<vmem>> -> memref<1x200x64xf32, #tpu.memory_space<vmem>>
      %dma_start3A_1052 = tpu.memref_squeeze %dma_start3A_1051 : memref<1x200x64xf32, #tpu.memory_space<vmem>> -> memref<200x64xf32, #tpu.memory_space<vmem>>
      %dma_start3A_1053 = arith.constant 0 : i32
      %dma_start3A_1054 = arith.constant 0 : i32
      %dma_start3A_1055 = tpu.memref_slice %arg4[%add3A_1047, %dma_start3A_1053, %dma_start3A_1054] : memref<4096x200x64xf32, #tpu.memory_space<hbm>> -> memref<1x200x64xf32, #tpu.memory_space<hbm>>
      %dma_start3A_1056 = tpu.memref_squeeze %dma_start3A_1055 : memref<1x200x64xf32, #tpu.memory_space<hbm>> -> memref<200x64xf32, #tpu.memory_space<hbm>>
      %dma_start3A_1057 = arith.constant 0 : i32
      %dma_start3A_1058 = arith.constant 0 : i32
      %dma_start3A_1059 = tpu.memref_slice %arg4[%add3A_1047, %dma_start3A_1057, %dma_start3A_1058] : memref<4096x200x64xf32, #tpu.memory_space<hbm>> -> memref<1x200x64xf32, #tpu.memory_space<hbm>>
      %dma_start3A_1060 = tpu.memref_squeeze %dma_start3A_1059 : memref<1x200x64xf32, #tpu.memory_space<hbm>> -> memref<200x64xf32, #tpu.memory_space<hbm>>
      %dma_start3A_1061 = arith.constant 0 : i32
      %dma_start3A_1062 = arith.constant 0 : i32
      %dma_start3A_1063 = tpu.memref_slice %arg6[%dma_start3A_1048, %dma_start3A_1061, %dma_start3A_1062] : memref<8x200x64xf32, #tpu.memory_space<vmem>> -> memref<1x200x64xf32, #tpu.memory_space<vmem>>
      %dma_start3A_1064 = tpu.memref_squeeze %dma_start3A_1063 : memref<1x200x64xf32, #tpu.memory_space<vmem>> -> memref<200x64xf32, #tpu.memory_space<vmem>>
      tpu.enqueue_dma source(%dma_start3A_1064 : memref<200x64xf32, #tpu.memory_space<vmem>>) target(%dma_start3A_1060 : memref<200x64xf32, #tpu.memory_space<hbm>>) target_semaphore(%arg16 : memref<!tpu.dma_semaphore, #tpu.memory_space<semaphore_mem>>)
      %dma_wait3A_1065 = arith.constant 7 : i32
      %dma_wait3A_1066 = arith.constant 0 : i32
      %dma_wait3A_1067 = arith.constant 0 : i32
      %dma_wait3A_1068 = tpu.memref_slice %arg6[%dma_wait3A_1065, %dma_wait3A_1066, %dma_wait3A_1067] : memref<8x200x64xf32, #tpu.memory_space<vmem>> -> memref<1x200x64xf32, #tpu.memory_space<vmem>>
      %dma_wait3A_1069 = tpu.memref_squeeze %dma_wait3A_1068 : memref<1x200x64xf32, #tpu.memory_space<vmem>> -> memref<200x64xf32, #tpu.memory_space<vmem>>
      %dma_wait3A_1070 = arith.constant 0 : i32
      %dma_wait3A_1071 = arith.constant 0 : i32
      %dma_wait3A_1072 = tpu.memref_slice %arg4[%mul3A_2, %dma_wait3A_1070, %dma_wait3A_1071] : memref<4096x200x64xf32, #tpu.memory_space<hbm>> -> memref<1x200x64xf32, #tpu.memory_space<hbm>>
      %dma_wait3A_1073 = tpu.memref_squeeze %dma_wait3A_1072 : memref<1x200x64xf32, #tpu.memory_space<hbm>> -> memref<200x64xf32, #tpu.memory_space<hbm>>
      %dma_wait3A_1074 = arith.constant 0 : i32
      %dma_wait3A_1075 = arith.constant 0 : i32
      %dma_wait3A_1076 = tpu.memref_slice %arg4[%mul3A_2, %dma_wait3A_1074, %dma_wait3A_1075] : memref<4096x200x64xf32, #tpu.memory_space<hbm>> -> memref<1x200x64xf32, #tpu.memory_space<hbm>>
      %dma_wait3A_1077 = tpu.memref_squeeze %dma_wait3A_1076 : memref<1x200x64xf32, #tpu.memory_space<hbm>> -> memref<200x64xf32, #tpu.memory_space<hbm>>
      %dma_wait3A_1078 = arith.constant 0 : i32
      %dma_wait3A_1079 = arith.constant 0 : i32
      %dma_wait3A_1080 = tpu.memref_slice %arg6[%dma_wait3A_1065, %dma_wait3A_1078, %dma_wait3A_1079] : memref<8x200x64xf32, #tpu.memory_space<vmem>> -> memref<1x200x64xf32, #tpu.memory_space<vmem>>
      %dma_wait3A_1081 = tpu.memref_squeeze %dma_wait3A_1080 : memref<1x200x64xf32, #tpu.memory_space<vmem>> -> memref<200x64xf32, #tpu.memory_space<vmem>>
      tpu.wait_dma2 semaphore(%arg22 : memref<!tpu.dma_semaphore, #tpu.memory_space<semaphore_mem>>) src(%dma_wait3A_1081 : memref<200x64xf32, #tpu.memory_space<vmem>>) dst(%dma_wait3A_1077 : memref<200x64xf32, #tpu.memory_space<hbm>>)
      %add3A_1082 = arith.constant 6 : i32
      %add3A_1083 = arith.addi %add3A_1034, %add3A_1082 : i32
      %dma_start3A_1084 = arith.constant 7 : i32
      %dma_start3A_1085 = arith.constant 0 : i32
      %dma_start3A_1086 = arith.constant 0 : i32
      %dma_start3A_1087 = tpu.memref_slice %arg6[%dma_start3A_1084, %dma_start3A_1085, %dma_start3A_1086] : memref<8x200x64xf32, #tpu.memory_space<vmem>> -> memref<1x200x64xf32, #tpu.memory_space<vmem>>
      %dma_start3A_1088 = tpu.memref_squeeze %dma_start3A_1087 : memref<1x200x64xf32, #tpu.memory_space<vmem>> -> memref<200x64xf32, #tpu.memory_space<vmem>>
      %dma_start3A_1089 = arith.constant 0 : i32
      %dma_start3A_1090 = tpu.memref_slice %arg5[%add3A_1083, %dma_start3A_1089] : memref<128x200xi32, #tpu.memory_space<vmem>> -> memref<1x200xi32, #tpu.memory_space<vmem>>
      %dma_start3A_1091 = tpu.memref_squeeze %dma_start3A_1090 : memref<1x200xi32, #tpu.memory_space<vmem>> -> memref<200xi32, #tpu.memory_space<vmem>>
      %dma_start3A_1092 = arith.constant 0 : i32
      %dma_start3A_1093 = arith.constant 0 : i32
      %dma_start3A_1094 = tpu.memref_slice %arg3[%dma_start3A_1092, %dma_start3A_1093] : memref<1000000x64xf32, #tpu.memory_space<hbm>> -> memref<1000000x64xf32, #tpu.memory_space<hbm>>
      tpu.enqueue_indirect_dma source(%dma_start3A_1094 : memref<1000000x64xf32, #tpu.memory_space<hbm>>) target(%dma_start3A_1088 : memref<200x64xf32, #tpu.memory_space<vmem>>) offsets(%dma_start3A_1091 : memref<200xi32, #tpu.memory_space<vmem>>) semaphore(%arg14 : memref<!tpu.dma_semaphore, #tpu.memory_space<semaphore_mem>>)
      %mul3A_1095 = arith.constant 8 : i32
      %mul3A_1096 = arith.muli %scan3A_966, %mul3A_1095 : i32
      %add3A_1097 = arith.constant 2 : i32
      %add3A_1098 = arith.addi %mul3A_1096, %add3A_1097 : i32
      %dma_wait3A_1099 = arith.constant 0 : i32
      %dma_wait3A_1100 = arith.constant 2 : i32
      %dma_wait3A_1101 = arith.constant 0 : i32
      %dma_wait3A_1102 = arith.constant 0 : i32
      %dma_wait3A_1103 = tpu.memref_slice %arg6[%dma_wait3A_1100, %dma_wait3A_1101, %dma_wait3A_1102] : memref<8x200x64xf32, #tpu.memory_space<vmem>> -> memref<1x200x64xf32, #tpu.memory_space<vmem>>
      %dma_wait3A_1104 = tpu.memref_squeeze %dma_wait3A_1103 : memref<1x200x64xf32, #tpu.memory_space<vmem>> -> memref<200x64xf32, #tpu.memory_space<vmem>>
      %dma_wait3A_1105 = arith.constant 0 : i32
      %dma_wait3A_1106 = tpu.memref_slice %arg5[%dma_wait3A_1099, %dma_wait3A_1105] : memref<128x200xi32, #tpu.memory_space<vmem>> -> memref<1x200xi32, #tpu.memory_space<vmem>>
      %dma_wait3A_1107 = tpu.memref_squeeze %dma_wait3A_1106 : memref<1x200xi32, #tpu.memory_space<vmem>> -> memref<200xi32, #tpu.memory_space<vmem>>
      %dma_wait3A_1108 = arith.constant 0 : i32
      %dma_wait3A_1109 = arith.constant 0 : i32
      %dma_wait3A_1110 = tpu.memref_slice %arg3[%dma_wait3A_1108, %dma_wait3A_1109] : memref<1000000x64xf32, #tpu.memory_space<hbm>> -> memref<1000000x64xf32, #tpu.memory_space<hbm>>
      tpu.wait_indirect_dma semaphore(%arg9 : memref<!tpu.dma_semaphore, #tpu.memory_space<semaphore_mem>>) src(%dma_wait3A_1110 : memref<1000000x64xf32, #tpu.memory_space<hbm>>) dst(%dma_wait3A_1104 : memref<200x64xf32, #tpu.memory_space<vmem>>)
      %add3A_1111 = arith.addi %mul3A_2, %add3A_1098 : i32
      %dma_start3A_1112 = arith.constant 2 : i32
      %dma_start3A_1113 = arith.constant 0 : i32
      %dma_start3A_1114 = arith.constant 0 : i32
      %dma_start3A_1115 = tpu.memref_slice %arg6[%dma_start3A_1112, %dma_start3A_1113, %dma_start3A_1114] : memref<8x200x64xf32, #tpu.memory_space<vmem>> -> memref<1x200x64xf32, #tpu.memory_space<vmem>>
      %dma_start3A_1116 = tpu.memref_squeeze %dma_start3A_1115 : memref<1x200x64xf32, #tpu.memory_space<vmem>> -> memref<200x64xf32, #tpu.memory_space<vmem>>
      %dma_start3A_1117 = arith.constant 0 : i32
      %dma_start3A_1118 = arith.constant 0 : i32
      %dma_start3A_1119 = tpu.memref_slice %arg4[%add3A_1111, %dma_start3A_1117, %dma_start3A_1118] : memref<4096x200x64xf32, #tpu.memory_space<hbm>> -> memref<1x200x64xf32, #tpu.memory_space<hbm>>
      %dma_start3A_1120 = tpu.memref_squeeze %dma_start3A_1119 : memref<1x200x64xf32, #tpu.memory_space<hbm>> -> memref<200x64xf32, #tpu.memory_space<hbm>>
      %dma_start3A_1121 = arith.constant 0 : i32
      %dma_start3A_1122 = arith.constant 0 : i32
      %dma_start3A_1123 = tpu.memref_slice %arg4[%add3A_1111, %dma_start3A_1121, %dma_start3A_1122] : memref<4096x200x64xf32, #tpu.memory_space<hbm>> -> memref<1x200x64xf32, #tpu.memory_space<hbm>>
      %dma_start3A_1124 = tpu.memref_squeeze %dma_start3A_1123 : memref<1x200x64xf32, #tpu.memory_space<hbm>> -> memref<200x64xf32, #tpu.memory_space<hbm>>
      %dma_start3A_1125 = arith.constant 0 : i32
      %dma_start3A_1126 = arith.constant 0 : i32
      %dma_start3A_1127 = tpu.memref_slice %arg6[%dma_start3A_1112, %dma_start3A_1125, %dma_start3A_1126] : memref<8x200x64xf32, #tpu.memory_space<vmem>> -> memref<1x200x64xf32, #tpu.memory_space<vmem>>
      %dma_start3A_1128 = tpu.memref_squeeze %dma_start3A_1127 : memref<1x200x64xf32, #tpu.memory_space<vmem>> -> memref<200x64xf32, #tpu.memory_space<vmem>>
      tpu.enqueue_dma source(%dma_start3A_1128 : memref<200x64xf32, #tpu.memory_space<vmem>>) target(%dma_start3A_1124 : memref<200x64xf32, #tpu.memory_space<hbm>>) target_semaphore(%arg17 : memref<!tpu.dma_semaphore, #tpu.memory_space<semaphore_mem>>)
      %dma_wait3A_1129 = arith.constant 0 : i32
      %dma_wait3A_1130 = arith.constant 0 : i32
      %dma_wait3A_1131 = arith.constant 0 : i32
      %dma_wait3A_1132 = tpu.memref_slice %arg6[%dma_wait3A_1129, %dma_wait3A_1130, %dma_wait3A_1131] : memref<8x200x64xf32, #tpu.memory_space<vmem>> -> memref<1x200x64xf32, #tpu.memory_space<vmem>>
      %dma_wait3A_1133 = tpu.memref_squeeze %dma_wait3A_1132 : memref<1x200x64xf32, #tpu.memory_space<vmem>> -> memref<200x64xf32, #tpu.memory_space<vmem>>
      %dma_wait3A_1134 = arith.constant 0 : i32
      %dma_wait3A_1135 = arith.constant 0 : i32
      %dma_wait3A_1136 = tpu.memref_slice %arg4[%mul3A_2, %dma_wait3A_1134, %dma_wait3A_1135] : memref<4096x200x64xf32, #tpu.memory_space<hbm>> -> memref<1x200x64xf32, #tpu.memory_space<hbm>>
      %dma_wait3A_1137 = tpu.memref_squeeze %dma_wait3A_1136 : memref<1x200x64xf32, #tpu.memory_space<hbm>> -> memref<200x64xf32, #tpu.memory_space<hbm>>
      %dma_wait3A_1138 = arith.constant 0 : i32
      %dma_wait3A_1139 = arith.constant 0 : i32
      %dma_wait3A_1140 = tpu.memref_slice %arg4[%mul3A_2, %dma_wait3A_1138, %dma_wait3A_1139] : memref<4096x200x64xf32, #tpu.memory_space<hbm>> -> memref<1x200x64xf32, #tpu.memory_space<hbm>>
      %dma_wait3A_1141 = tpu.memref_squeeze %dma_wait3A_1140 : memref<1x200x64xf32, #tpu.memory_space<hbm>> -> memref<200x64xf32, #tpu.memory_space<hbm>>
      %dma_wait3A_1142 = arith.constant 0 : i32
      %dma_wait3A_1143 = arith.constant 0 : i32
      %dma_wait3A_1144 = tpu.memref_slice %arg6[%dma_wait3A_1129, %dma_wait3A_1142, %dma_wait3A_1143] : memref<8x200x64xf32, #tpu.memory_space<vmem>> -> memref<1x200x64xf32, #tpu.memory_space<vmem>>
      %dma_wait3A_1145 = tpu.memref_squeeze %dma_wait3A_1144 : memref<1x200x64xf32, #tpu.memory_space<vmem>> -> memref<200x64xf32, #tpu.memory_space<vmem>>
      tpu.wait_dma2 semaphore(%arg15 : memref<!tpu.dma_semaphore, #tpu.memory_space<semaphore_mem>>) src(%dma_wait3A_1145 : memref<200x64xf32, #tpu.memory_space<vmem>>) dst(%dma_wait3A_1141 : memref<200x64xf32, #tpu.memory_space<hbm>>)
      %add3A_1146 = arith.constant 6 : i32
      %add3A_1147 = arith.addi %add3A_1098, %add3A_1146 : i32
      %dma_start3A_1148 = arith.constant 0 : i32
      %dma_start3A_1149 = arith.constant 0 : i32
      %dma_start3A_1150 = arith.constant 0 : i32
      %dma_start3A_1151 = tpu.memref_slice %arg6[%dma_start3A_1148, %dma_start3A_1149, %dma_start3A_1150] : memref<8x200x64xf32, #tpu.memory_space<vmem>> -> memref<1x200x64xf32, #tpu.memory_space<vmem>>
      %dma_start3A_1152 = tpu.memref_squeeze %dma_start3A_1151 : memref<1x200x64xf32, #tpu.memory_space<vmem>> -> memref<200x64xf32, #tpu.memory_space<vmem>>
      %dma_start3A_1153 = arith.constant 0 : i32
      %dma_start3A_1154 = tpu.memref_slice %arg5[%add3A_1147, %dma_start3A_1153] : memref<128x200xi32, #tpu.memory_space<vmem>> -> memref<1x200xi32, #tpu.memory_space<vmem>>
      %dma_start3A_1155 = tpu.memref_squeeze %dma_start3A_1154 : memref<1x200xi32, #tpu.memory_space<vmem>> -> memref<200xi32, #tpu.memory_space<vmem>>
      %dma_start3A_1156 = arith.constant 0 : i32
      %dma_start3A_1157 = arith.constant 0 : i32
      %dma_start3A_1158 = tpu.memref_slice %arg3[%dma_start3A_1156, %dma_start3A_1157] : memref<1000000x64xf32, #tpu.memory_space<hbm>> -> memref<1000000x64xf32, #tpu.memory_space<hbm>>
      tpu.enqueue_indirect_dma source(%dma_start3A_1158 : memref<1000000x64xf32, #tpu.memory_space<hbm>>) target(%dma_start3A_1152 : memref<200x64xf32, #tpu.memory_space<vmem>>) offsets(%dma_start3A_1155 : memref<200xi32, #tpu.memory_space<vmem>>) semaphore(%arg7 : memref<!tpu.dma_semaphore, #tpu.memory_space<semaphore_mem>>)
      %mul3A_1159 = arith.constant 8 : i32
      %mul3A_1160 = arith.muli %scan3A_966, %mul3A_1159 : i32
      %add3A_1161 = arith.constant 3 : i32
      %add3A_1162 = arith.addi %mul3A_1160, %add3A_1161 : i32
      %dma_wait3A_1163 = arith.constant 0 : i32
      %dma_wait3A_1164 = arith.constant 3 : i32
      %dma_wait3A_1165 = arith.constant 0 : i32
      %dma_wait3A_1166 = arith.constant 0 : i32
      %dma_wait3A_1167 = tpu.memref_slice %arg6[%dma_wait3A_1164, %dma_wait3A_1165, %dma_wait3A_1166] : memref<8x200x64xf32, #tpu.memory_space<vmem>> -> memref<1x200x64xf32, #tpu.memory_space<vmem>>
      %dma_wait3A_1168 = tpu.memref_squeeze %dma_wait3A_1167 : memref<1x200x64xf32, #tpu.memory_space<vmem>> -> memref<200x64xf32, #tpu.memory_space<vmem>>
      %dma_wait3A_1169 = arith.constant 0 : i32
      %dma_wait3A_1170 = tpu.memref_slice %arg5[%dma_wait3A_1163, %dma_wait3A_1169] : memref<128x200xi32, #tpu.memory_space<vmem>> -> memref<1x200xi32, #tpu.memory_space<vmem>>
      %dma_wait3A_1171 = tpu.memref_squeeze %dma_wait3A_1170 : memref<1x200xi32, #tpu.memory_space<vmem>> -> memref<200xi32, #tpu.memory_space<vmem>>
      %dma_wait3A_1172 = arith.constant 0 : i32
      %dma_wait3A_1173 = arith.constant 0 : i32
      %dma_wait3A_1174 = tpu.memref_slice %arg3[%dma_wait3A_1172, %dma_wait3A_1173] : memref<1000000x64xf32, #tpu.memory_space<hbm>> -> memref<1000000x64xf32, #tpu.memory_space<hbm>>
      tpu.wait_indirect_dma semaphore(%arg10 : memref<!tpu.dma_semaphore, #tpu.memory_space<semaphore_mem>>) src(%dma_wait3A_1174 : memref<1000000x64xf32, #tpu.memory_space<hbm>>) dst(%dma_wait3A_1168 : memref<200x64xf32, #tpu.memory_space<vmem>>)
      %add3A_1175 = arith.addi %mul3A_2, %add3A_1162 : i32
      %dma_start3A_1176 = arith.constant 3 : i32
      %dma_start3A_1177 = arith.constant 0 : i32
      %dma_start3A_1178 = arith.constant 0 : i32
      %dma_start3A_1179 = tpu.memref_slice %arg6[%dma_start3A_1176, %dma_start3A_1177, %dma_start3A_1178] : memref<8x200x64xf32, #tpu.memory_space<vmem>> -> memref<1x200x64xf32, #tpu.memory_space<vmem>>
      %dma_start3A_1180 = tpu.memref_squeeze %dma_start3A_1179 : memref<1x200x64xf32, #tpu.memory_space<vmem>> -> memref<200x64xf32, #tpu.memory_space<vmem>>
      %dma_start3A_1181 = arith.constant 0 : i32
      %dma_start3A_1182 = arith.constant 0 : i32
      %dma_start3A_1183 = tpu.memref_slice %arg4[%add3A_1175, %dma_start3A_1181, %dma_start3A_1182] : memref<4096x200x64xf32, #tpu.memory_space<hbm>> -> memref<1x200x64xf32, #tpu.memory_space<hbm>>
      %dma_start3A_1184 = tpu.memref_squeeze %dma_start3A_1183 : memref<1x200x64xf32, #tpu.memory_space<hbm>> -> memref<200x64xf32, #tpu.memory_space<hbm>>
      %dma_start3A_1185 = arith.constant 0 : i32
      %dma_start3A_1186 = arith.constant 0 : i32
      %dma_start3A_1187 = tpu.memref_slice %arg4[%add3A_1175, %dma_start3A_1185, %dma_start3A_1186] : memref<4096x200x64xf32, #tpu.memory_space<hbm>> -> memref<1x200x64xf32, #tpu.memory_space<hbm>>
      %dma_start3A_1188 = tpu.memref_squeeze %dma_start3A_1187 : memref<1x200x64xf32, #tpu.memory_space<hbm>> -> memref<200x64xf32, #tpu.memory_space<hbm>>
      %dma_start3A_1189 = arith.constant 0 : i32
      %dma_start3A_1190 = arith.constant 0 : i32
      %dma_start3A_1191 = tpu.memref_slice %arg6[%dma_start3A_1176, %dma_start3A_1189, %dma_start3A_1190] : memref<8x200x64xf32, #tpu.memory_space<vmem>> -> memref<1x200x64xf32, #tpu.memory_space<vmem>>
      %dma_start3A_1192 = tpu.memref_squeeze %dma_start3A_1191 : memref<1x200x64xf32, #tpu.memory_space<vmem>> -> memref<200x64xf32, #tpu.memory_space<vmem>>
      tpu.enqueue_dma source(%dma_start3A_1192 : memref<200x64xf32, #tpu.memory_space<vmem>>) target(%dma_start3A_1188 : memref<200x64xf32, #tpu.memory_space<hbm>>) target_semaphore(%arg18 : memref<!tpu.dma_semaphore, #tpu.memory_space<semaphore_mem>>)
      %dma_wait3A_1193 = arith.constant 1 : i32
      %dma_wait3A_1194 = arith.constant 0 : i32
      %dma_wait3A_1195 = arith.constant 0 : i32
      %dma_wait3A_1196 = tpu.memref_slice %arg6[%dma_wait3A_1193, %dma_wait3A_1194, %dma_wait3A_1195] : memref<8x200x64xf32, #tpu.memory_space<vmem>> -> memref<1x200x64xf32, #tpu.memory_space<vmem>>
      %dma_wait3A_1197 = tpu.memref_squeeze %dma_wait3A_1196 : memref<1x200x64xf32, #tpu.memory_space<vmem>> -> memref<200x64xf32, #tpu.memory_space<vmem>>
      %dma_wait3A_1198 = arith.constant 0 : i32
      %dma_wait3A_1199 = arith.constant 0 : i32
      %dma_wait3A_1200 = tpu.memref_slice %arg4[%mul3A_2, %dma_wait3A_1198, %dma_wait3A_1199] : memref<4096x200x64xf32, #tpu.memory_space<hbm>> -> memref<1x200x64xf32, #tpu.memory_space<hbm>>
      %dma_wait3A_1201 = tpu.memref_squeeze %dma_wait3A_1200 : memref<1x200x64xf32, #tpu.memory_space<hbm>> -> memref<200x64xf32, #tpu.memory_space<hbm>>
      %dma_wait3A_1202 = arith.constant 0 : i32
      %dma_wait3A_1203 = arith.constant 0 : i32
      %dma_wait3A_1204 = tpu.memref_slice %arg4[%mul3A_2, %dma_wait3A_1202, %dma_wait3A_1203] : memref<4096x200x64xf32, #tpu.memory_space<hbm>> -> memref<1x200x64xf32, #tpu.memory_space<hbm>>
      %dma_wait3A_1205 = tpu.memref_squeeze %dma_wait3A_1204 : memref<1x200x64xf32, #tpu.memory_space<hbm>> -> memref<200x64xf32, #tpu.memory_space<hbm>>
      %dma_wait3A_1206 = arith.constant 0 : i32
      %dma_wait3A_1207 = arith.constant 0 : i32
      %dma_wait3A_1208 = tpu.memref_slice %arg6[%dma_wait3A_1193, %dma_wait3A_1206, %dma_wait3A_1207] : memref<8x200x64xf32, #tpu.memory_space<vmem>> -> memref<1x200x64xf32, #tpu.memory_space<vmem>>
      %dma_wait3A_1209 = tpu.memref_squeeze %dma_wait3A_1208 : memref<1x200x64xf32, #tpu.memory_space<vmem>> -> memref<200x64xf32, #tpu.memory_space<vmem>>
      tpu.wait_dma2 semaphore(%arg16 : memref<!tpu.dma_semaphore, #tpu.memory_space<semaphore_mem>>) src(%dma_wait3A_1209 : memref<200x64xf32, #tpu.memory_space<vmem>>) dst(%dma_wait3A_1205 : memref<200x64xf32, #tpu.memory_space<hbm>>)
      %add3A_1210 = arith.constant 6 : i32
      %add3A_1211 = arith.addi %add3A_1162, %add3A_1210 : i32
      %dma_start3A_1212 = arith.constant 1 : i32
      %dma_start3A_1213 = arith.constant 0 : i32
      %dma_start3A_1214 = arith.constant 0 : i32
      %dma_start3A_1215 = tpu.memref_slice %arg6[%dma_start3A_1212, %dma_start3A_1213, %dma_start3A_1214] : memref<8x200x64xf32, #tpu.memory_space<vmem>> -> memref<1x200x64xf32, #tpu.memory_space<vmem>>
      %dma_start3A_1216 = tpu.memref_squeeze %dma_start3A_1215 : memref<1x200x64xf32, #tpu.memory_space<vmem>> -> memref<200x64xf32, #tpu.memory_space<vmem>>
      %dma_start3A_1217 = arith.constant 0 : i32
      %dma_start3A_1218 = tpu.memref_slice %arg5[%add3A_1211, %dma_start3A_1217] : memref<128x200xi32, #tpu.memory_space<vmem>> -> memref<1x200xi32, #tpu.memory_space<vmem>>
      %dma_start3A_1219 = tpu.memref_squeeze %dma_start3A_1218 : memref<1x200xi32, #tpu.memory_space<vmem>> -> memref<200xi32, #tpu.memory_space<vmem>>
      %dma_start3A_1220 = arith.constant 0 : i32
      %dma_start3A_1221 = arith.constant 0 : i32
      %dma_start3A_1222 = tpu.memref_slice %arg3[%dma_start3A_1220, %dma_start3A_1221] : memref<1000000x64xf32, #tpu.memory_space<hbm>> -> memref<1000000x64xf32, #tpu.memory_space<hbm>>
      tpu.enqueue_indirect_dma source(%dma_start3A_1222 : memref<1000000x64xf32, #tpu.memory_space<hbm>>) target(%dma_start3A_1216 : memref<200x64xf32, #tpu.memory_space<vmem>>) offsets(%dma_start3A_1219 : memref<200xi32, #tpu.memory_space<vmem>>) semaphore(%arg8 : memref<!tpu.dma_semaphore, #tpu.memory_space<semaphore_mem>>)
      %mul3A_1223 = arith.constant 8 : i32
      %mul3A_1224 = arith.muli %scan3A_966, %mul3A_1223 : i32
      %add3A_1225 = arith.constant 4 : i32
      %add3A_1226 = arith.addi %mul3A_1224, %add3A_1225 : i32
      %dma_wait3A_1227 = arith.constant 0 : i32
      %dma_wait3A_1228 = arith.constant 4 : i32
      %dma_wait3A_1229 = arith.constant 0 : i32
      %dma_wait3A_1230 = arith.constant 0 : i32
      %dma_wait3A_1231 = tpu.memref_slice %arg6[%dma_wait3A_1228, %dma_wait3A_1229, %dma_wait3A_1230] : memref<8x200x64xf32, #tpu.memory_space<vmem>> -> memref<1x200x64xf32, #tpu.memory_space<vmem>>
      %dma_wait3A_1232 = tpu.memref_squeeze %dma_wait3A_1231 : memref<1x200x64xf32, #tpu.memory_space<vmem>> -> memref<200x64xf32, #tpu.memory_space<vmem>>
      %dma_wait3A_1233 = arith.constant 0 : i32
      %dma_wait3A_1234 = tpu.memref_slice %arg5[%dma_wait3A_1227, %dma_wait3A_1233] : memref<128x200xi32, #tpu.memory_space<vmem>> -> memref<1x200xi32, #tpu.memory_space<vmem>>
      %dma_wait3A_1235 = tpu.memref_squeeze %dma_wait3A_1234 : memref<1x200xi32, #tpu.memory_space<vmem>> -> memref<200xi32, #tpu.memory_space<vmem>>
      %dma_wait3A_1236 = arith.constant 0 : i32
      %dma_wait3A_1237 = arith.constant 0 : i32
      %dma_wait3A_1238 = tpu.memref_slice %arg3[%dma_wait3A_1236, %dma_wait3A_1237] : memref<1000000x64xf32, #tpu.memory_space<hbm>> -> memref<1000000x64xf32, #tpu.memory_space<hbm>>
      tpu.wait_indirect_dma semaphore(%arg11 : memref<!tpu.dma_semaphore, #tpu.memory_space<semaphore_mem>>) src(%dma_wait3A_1238 : memref<1000000x64xf32, #tpu.memory_space<hbm>>) dst(%dma_wait3A_1232 : memref<200x64xf32, #tpu.memory_space<vmem>>)
      %add3A_1239 = arith.addi %mul3A_2, %add3A_1226 : i32
      %dma_start3A_1240 = arith.constant 4 : i32
      %dma_start3A_1241 = arith.constant 0 : i32
      %dma_start3A_1242 = arith.constant 0 : i32
      %dma_start3A_1243 = tpu.memref_slice %arg6[%dma_start3A_1240, %dma_start3A_1241, %dma_start3A_1242] : memref<8x200x64xf32, #tpu.memory_space<vmem>> -> memref<1x200x64xf32, #tpu.memory_space<vmem>>
      %dma_start3A_1244 = tpu.memref_squeeze %dma_start3A_1243 : memref<1x200x64xf32, #tpu.memory_space<vmem>> -> memref<200x64xf32, #tpu.memory_space<vmem>>
      %dma_start3A_1245 = arith.constant 0 : i32
      %dma_start3A_1246 = arith.constant 0 : i32
      %dma_start3A_1247 = tpu.memref_slice %arg4[%add3A_1239, %dma_start3A_1245, %dma_start3A_1246] : memref<4096x200x64xf32, #tpu.memory_space<hbm>> -> memref<1x200x64xf32, #tpu.memory_space<hbm>>
      %dma_start3A_1248 = tpu.memref_squeeze %dma_start3A_1247 : memref<1x200x64xf32, #tpu.memory_space<hbm>> -> memref<200x64xf32, #tpu.memory_space<hbm>>
      %dma_start3A_1249 = arith.constant 0 : i32
      %dma_start3A_1250 = arith.constant 0 : i32
      %dma_start3A_1251 = tpu.memref_slice %arg4[%add3A_1239, %dma_start3A_1249, %dma_start3A_1250] : memref<4096x200x64xf32, #tpu.memory_space<hbm>> -> memref<1x200x64xf32, #tpu.memory_space<hbm>>
      %dma_start3A_1252 = tpu.memref_squeeze %dma_start3A_1251 : memref<1x200x64xf32, #tpu.memory_space<hbm>> -> memref<200x64xf32, #tpu.memory_space<hbm>>
      %dma_start3A_1253 = arith.constant 0 : i32
      %dma_start3A_1254 = arith.constant 0 : i32
      %dma_start3A_1255 = tpu.memref_slice %arg6[%dma_start3A_1240, %dma_start3A_1253, %dma_start3A_1254] : memref<8x200x64xf32, #tpu.memory_space<vmem>> -> memref<1x200x64xf32, #tpu.memory_space<vmem>>
      %dma_start3A_1256 = tpu.memref_squeeze %dma_start3A_1255 : memref<1x200x64xf32, #tpu.memory_space<vmem>> -> memref<200x64xf32, #tpu.memory_space<vmem>>
      tpu.enqueue_dma source(%dma_start3A_1256 : memref<200x64xf32, #tpu.memory_space<vmem>>) target(%dma_start3A_1252 : memref<200x64xf32, #tpu.memory_space<hbm>>) target_semaphore(%arg19 : memref<!tpu.dma_semaphore, #tpu.memory_space<semaphore_mem>>)
      %dma_wait3A_1257 = arith.constant 2 : i32
      %dma_wait3A_1258 = arith.constant 0 : i32
      %dma_wait3A_1259 = arith.constant 0 : i32
      %dma_wait3A_1260 = tpu.memref_slice %arg6[%dma_wait3A_1257, %dma_wait3A_1258, %dma_wait3A_1259] : memref<8x200x64xf32, #tpu.memory_space<vmem>> -> memref<1x200x64xf32, #tpu.memory_space<vmem>>
      %dma_wait3A_1261 = tpu.memref_squeeze %dma_wait3A_1260 : memref<1x200x64xf32, #tpu.memory_space<vmem>> -> memref<200x64xf32, #tpu.memory_space<vmem>>
      %dma_wait3A_1262 = arith.constant 0 : i32
      %dma_wait3A_1263 = arith.constant 0 : i32
      %dma_wait3A_1264 = tpu.memref_slice %arg4[%mul3A_2, %dma_wait3A_1262, %dma_wait3A_1263] : memref<4096x200x64xf32, #tpu.memory_space<hbm>> -> memref<1x200x64xf32, #tpu.memory_space<hbm>>
      %dma_wait3A_1265 = tpu.memref_squeeze %dma_wait3A_1264 : memref<1x200x64xf32, #tpu.memory_space<hbm>> -> memref<200x64xf32, #tpu.memory_space<hbm>>
      %dma_wait3A_1266 = arith.constant 0 : i32
      %dma_wait3A_1267 = arith.constant 0 : i32
      %dma_wait3A_1268 = tpu.memref_slice %arg4[%mul3A_2, %dma_wait3A_1266, %dma_wait3A_1267] : memref<4096x200x64xf32, #tpu.memory_space<hbm>> -> memref<1x200x64xf32, #tpu.memory_space<hbm>>
      %dma_wait3A_1269 = tpu.memref_squeeze %dma_wait3A_1268 : memref<1x200x64xf32, #tpu.memory_space<hbm>> -> memref<200x64xf32, #tpu.memory_space<hbm>>
      %dma_wait3A_1270 = arith.constant 0 : i32
      %dma_wait3A_1271 = arith.constant 0 : i32
      %dma_wait3A_1272 = tpu.memref_slice %arg6[%dma_wait3A_1257, %dma_wait3A_1270, %dma_wait3A_1271] : memref<8x200x64xf32, #tpu.memory_space<vmem>> -> memref<1x200x64xf32, #tpu.memory_space<vmem>>
      %dma_wait3A_1273 = tpu.memref_squeeze %dma_wait3A_1272 : memref<1x200x64xf32, #tpu.memory_space<vmem>> -> memref<200x64xf32, #tpu.memory_space<vmem>>
      tpu.wait_dma2 semaphore(%arg17 : memref<!tpu.dma_semaphore, #tpu.memory_space<semaphore_mem>>) src(%dma_wait3A_1273 : memref<200x64xf32, #tpu.memory_space<vmem>>) dst(%dma_wait3A_1269 : memref<200x64xf32, #tpu.memory_space<hbm>>)
      %add3A_1274 = arith.constant 6 : i32
      %add3A_1275 = arith.addi %add3A_1226, %add3A_1274 : i32
      %dma_start3A_1276 = arith.constant 2 : i32
      %dma_start3A_1277 = arith.constant 0 : i32
      %dma_start3A_1278 = arith.constant 0 : i32
      %dma_start3A_1279 = tpu.memref_slice %arg6[%dma_start3A_1276, %dma_start3A_1277, %dma_start3A_1278] : memref<8x200x64xf32, #tpu.memory_space<vmem>> -> memref<1x200x64xf32, #tpu.memory_space<vmem>>
      %dma_start3A_1280 = tpu.memref_squeeze %dma_start3A_1279 : memref<1x200x64xf32, #tpu.memory_space<vmem>> -> memref<200x64xf32, #tpu.memory_space<vmem>>
      %dma_start3A_1281 = arith.constant 0 : i32
      %dma_start3A_1282 = tpu.memref_slice %arg5[%add3A_1275, %dma_start3A_1281] : memref<128x200xi32, #tpu.memory_space<vmem>> -> memref<1x200xi32, #tpu.memory_space<vmem>>
      %dma_start3A_1283 = tpu.memref_squeeze %dma_start3A_1282 : memref<1x200xi32, #tpu.memory_space<vmem>> -> memref<200xi32, #tpu.memory_space<vmem>>
      %dma_start3A_1284 = arith.constant 0 : i32
      %dma_start3A_1285 = arith.constant 0 : i32
      %dma_start3A_1286 = tpu.memref_slice %arg3[%dma_start3A_1284, %dma_start3A_1285] : memref<1000000x64xf32, #tpu.memory_space<hbm>> -> memref<1000000x64xf32, #tpu.memory_space<hbm>>
      tpu.enqueue_indirect_dma source(%dma_start3A_1286 : memref<1000000x64xf32, #tpu.memory_space<hbm>>) target(%dma_start3A_1280 : memref<200x64xf32, #tpu.memory_space<vmem>>) offsets(%dma_start3A_1283 : memref<200xi32, #tpu.memory_space<vmem>>) semaphore(%arg9 : memref<!tpu.dma_semaphore, #tpu.memory_space<semaphore_mem>>)
      %mul3A_1287 = arith.constant 8 : i32
      %mul3A_1288 = arith.muli %scan3A_966, %mul3A_1287 : i32
      %add3A_1289 = arith.constant 5 : i32
      %add3A_1290 = arith.addi %mul3A_1288, %add3A_1289 : i32
      %dma_wait3A_1291 = arith.constant 0 : i32
      %dma_wait3A_1292 = arith.constant 5 : i32
      %dma_wait3A_1293 = arith.constant 0 : i32
      %dma_wait3A_1294 = arith.constant 0 : i32
      %dma_wait3A_1295 = tpu.memref_slice %arg6[%dma_wait3A_1292, %dma_wait3A_1293, %dma_wait3A_1294] : memref<8x200x64xf32, #tpu.memory_space<vmem>> -> memref<1x200x64xf32, #tpu.memory_space<vmem>>
      %dma_wait3A_1296 = tpu.memref_squeeze %dma_wait3A_1295 : memref<1x200x64xf32, #tpu.memory_space<vmem>> -> memref<200x64xf32, #tpu.memory_space<vmem>>
      %dma_wait3A_1297 = arith.constant 0 : i32
      %dma_wait3A_1298 = tpu.memref_slice %arg5[%dma_wait3A_1291, %dma_wait3A_1297] : memref<128x200xi32, #tpu.memory_space<vmem>> -> memref<1x200xi32, #tpu.memory_space<vmem>>
      %dma_wait3A_1299 = tpu.memref_squeeze %dma_wait3A_1298 : memref<1x200xi32, #tpu.memory_space<vmem>> -> memref<200xi32, #tpu.memory_space<vmem>>
      %dma_wait3A_1300 = arith.constant 0 : i32
      %dma_wait3A_1301 = arith.constant 0 : i32
      %dma_wait3A_1302 = tpu.memref_slice %arg3[%dma_wait3A_1300, %dma_wait3A_1301] : memref<1000000x64xf32, #tpu.memory_space<hbm>> -> memref<1000000x64xf32, #tpu.memory_space<hbm>>
      tpu.wait_indirect_dma semaphore(%arg12 : memref<!tpu.dma_semaphore, #tpu.memory_space<semaphore_mem>>) src(%dma_wait3A_1302 : memref<1000000x64xf32, #tpu.memory_space<hbm>>) dst(%dma_wait3A_1296 : memref<200x64xf32, #tpu.memory_space<vmem>>)
      %add3A_1303 = arith.addi %mul3A_2, %add3A_1290 : i32
      %dma_start3A_1304 = arith.constant 5 : i32
      %dma_start3A_1305 = arith.constant 0 : i32
      %dma_start3A_1306 = arith.constant 0 : i32
      %dma_start3A_1307 = tpu.memref_slice %arg6[%dma_start3A_1304, %dma_start3A_1305, %dma_start3A_1306] : memref<8x200x64xf32, #tpu.memory_space<vmem>> -> memref<1x200x64xf32, #tpu.memory_space<vmem>>
      %dma_start3A_1308 = tpu.memref_squeeze %dma_start3A_1307 : memref<1x200x64xf32, #tpu.memory_space<vmem>> -> memref<200x64xf32, #tpu.memory_space<vmem>>
      %dma_start3A_1309 = arith.constant 0 : i32
      %dma_start3A_1310 = arith.constant 0 : i32
      %dma_start3A_1311 = tpu.memref_slice %arg4[%add3A_1303, %dma_start3A_1309, %dma_start3A_1310] : memref<4096x200x64xf32, #tpu.memory_space<hbm>> -> memref<1x200x64xf32, #tpu.memory_space<hbm>>
      %dma_start3A_1312 = tpu.memref_squeeze %dma_start3A_1311 : memref<1x200x64xf32, #tpu.memory_space<hbm>> -> memref<200x64xf32, #tpu.memory_space<hbm>>
      %dma_start3A_1313 = arith.constant 0 : i32
      %dma_start3A_1314 = arith.constant 0 : i32
      %dma_start3A_1315 = tpu.memref_slice %arg4[%add3A_1303, %dma_start3A_1313, %dma_start3A_1314] : memref<4096x200x64xf32, #tpu.memory_space<hbm>> -> memref<1x200x64xf32, #tpu.memory_space<hbm>>
      %dma_start3A_1316 = tpu.memref_squeeze %dma_start3A_1315 : memref<1x200x64xf32, #tpu.memory_space<hbm>> -> memref<200x64xf32, #tpu.memory_space<hbm>>
      %dma_start3A_1317 = arith.constant 0 : i32
      %dma_start3A_1318 = arith.constant 0 : i32
      %dma_start3A_1319 = tpu.memref_slice %arg6[%dma_start3A_1304, %dma_start3A_1317, %dma_start3A_1318] : memref<8x200x64xf32, #tpu.memory_space<vmem>> -> memref<1x200x64xf32, #tpu.memory_space<vmem>>
      %dma_start3A_1320 = tpu.memref_squeeze %dma_start3A_1319 : memref<1x200x64xf32, #tpu.memory_space<vmem>> -> memref<200x64xf32, #tpu.memory_space<vmem>>
      tpu.enqueue_dma source(%dma_start3A_1320 : memref<200x64xf32, #tpu.memory_space<vmem>>) target(%dma_start3A_1316 : memref<200x64xf32, #tpu.memory_space<hbm>>) target_semaphore(%arg20 : memref<!tpu.dma_semaphore, #tpu.memory_space<semaphore_mem>>)
      %dma_wait3A_1321 = arith.constant 3 : i32
      %dma_wait3A_1322 = arith.constant 0 : i32
      %dma_wait3A_1323 = arith.constant 0 : i32
      %dma_wait3A_1324 = tpu.memref_slice %arg6[%dma_wait3A_1321, %dma_wait3A_1322, %dma_wait3A_1323] : memref<8x200x64xf32, #tpu.memory_space<vmem>> -> memref<1x200x64xf32, #tpu.memory_space<vmem>>
      %dma_wait3A_1325 = tpu.memref_squeeze %dma_wait3A_1324 : memref<1x200x64xf32, #tpu.memory_space<vmem>> -> memref<200x64xf32, #tpu.memory_space<vmem>>
      %dma_wait3A_1326 = arith.constant 0 : i32
      %dma_wait3A_1327 = arith.constant 0 : i32
      %dma_wait3A_1328 = tpu.memref_slice %arg4[%mul3A_2, %dma_wait3A_1326, %dma_wait3A_1327] : memref<4096x200x64xf32, #tpu.memory_space<hbm>> -> memref<1x200x64xf32, #tpu.memory_space<hbm>>
      %dma_wait3A_1329 = tpu.memref_squeeze %dma_wait3A_1328 : memref<1x200x64xf32, #tpu.memory_space<hbm>> -> memref<200x64xf32, #tpu.memory_space<hbm>>
      %dma_wait3A_1330 = arith.constant 0 : i32
      %dma_wait3A_1331 = arith.constant 0 : i32
      %dma_wait3A_1332 = tpu.memref_slice %arg4[%mul3A_2, %dma_wait3A_1330, %dma_wait3A_1331] : memref<4096x200x64xf32, #tpu.memory_space<hbm>> -> memref<1x200x64xf32, #tpu.memory_space<hbm>>
      %dma_wait3A_1333 = tpu.memref_squeeze %dma_wait3A_1332 : memref<1x200x64xf32, #tpu.memory_space<hbm>> -> memref<200x64xf32, #tpu.memory_space<hbm>>
      %dma_wait3A_1334 = arith.constant 0 : i32
      %dma_wait3A_1335 = arith.constant 0 : i32
      %dma_wait3A_1336 = tpu.memref_slice %arg6[%dma_wait3A_1321, %dma_wait3A_1334, %dma_wait3A_1335] : memref<8x200x64xf32, #tpu.memory_space<vmem>> -> memref<1x200x64xf32, #tpu.memory_space<vmem>>
      %dma_wait3A_1337 = tpu.memref_squeeze %dma_wait3A_1336 : memref<1x200x64xf32, #tpu.memory_space<vmem>> -> memref<200x64xf32, #tpu.memory_space<vmem>>
      tpu.wait_dma2 semaphore(%arg18 : memref<!tpu.dma_semaphore, #tpu.memory_space<semaphore_mem>>) src(%dma_wait3A_1337 : memref<200x64xf32, #tpu.memory_space<vmem>>) dst(%dma_wait3A_1333 : memref<200x64xf32, #tpu.memory_space<hbm>>)
      %add3A_1338 = arith.constant 6 : i32
      %add3A_1339 = arith.addi %add3A_1290, %add3A_1338 : i32
      %dma_start3A_1340 = arith.constant 3 : i32
      %dma_start3A_1341 = arith.constant 0 : i32
      %dma_start3A_1342 = arith.constant 0 : i32
      %dma_start3A_1343 = tpu.memref_slice %arg6[%dma_start3A_1340, %dma_start3A_1341, %dma_start3A_1342] : memref<8x200x64xf32, #tpu.memory_space<vmem>> -> memref<1x200x64xf32, #tpu.memory_space<vmem>>
      %dma_start3A_1344 = tpu.memref_squeeze %dma_start3A_1343 : memref<1x200x64xf32, #tpu.memory_space<vmem>> -> memref<200x64xf32, #tpu.memory_space<vmem>>
      %dma_start3A_1345 = arith.constant 0 : i32
      %dma_start3A_1346 = tpu.memref_slice %arg5[%add3A_1339, %dma_start3A_1345] : memref<128x200xi32, #tpu.memory_space<vmem>> -> memref<1x200xi32, #tpu.memory_space<vmem>>
      %dma_start3A_1347 = tpu.memref_squeeze %dma_start3A_1346 : memref<1x200xi32, #tpu.memory_space<vmem>> -> memref<200xi32, #tpu.memory_space<vmem>>
      %dma_start3A_1348 = arith.constant 0 : i32
      %dma_start3A_1349 = arith.constant 0 : i32
      %dma_start3A_1350 = tpu.memref_slice %arg3[%dma_start3A_1348, %dma_start3A_1349] : memref<1000000x64xf32, #tpu.memory_space<hbm>> -> memref<1000000x64xf32, #tpu.memory_space<hbm>>
      tpu.enqueue_indirect_dma source(%dma_start3A_1350 : memref<1000000x64xf32, #tpu.memory_space<hbm>>) target(%dma_start3A_1344 : memref<200x64xf32, #tpu.memory_space<vmem>>) offsets(%dma_start3A_1347 : memref<200xi32, #tpu.memory_space<vmem>>) semaphore(%arg10 : memref<!tpu.dma_semaphore, #tpu.memory_space<semaphore_mem>>)
      %mul3A_1351 = arith.constant 8 : i32
      %mul3A_1352 = arith.muli %scan3A_966, %mul3A_1351 : i32
      %add3A_1353 = arith.constant 6 : i32
      %add3A_1354 = arith.addi %mul3A_1352, %add3A_1353 : i32
      %dma_wait3A_1355 = arith.constant 0 : i32
      %dma_wait3A_1356 = arith.constant 6 : i32
      %dma_wait3A_1357 = arith.constant 0 : i32
      %dma_wait3A_1358 = arith.constant 0 : i32
      %dma_wait3A_1359 = tpu.memref_slice %arg6[%dma_wait3A_1356, %dma_wait3A_1357, %dma_wait3A_1358] : memref<8x200x64xf32, #tpu.memory_space<vmem>> -> memref<1x200x64xf32, #tpu.memory_space<vmem>>
      %dma_wait3A_1360 = tpu.memref_squeeze %dma_wait3A_1359 : memref<1x200x64xf32, #tpu.memory_space<vmem>> -> memref<200x64xf32, #tpu.memory_space<vmem>>
      %dma_wait3A_1361 = arith.constant 0 : i32
      %dma_wait3A_1362 = tpu.memref_slice %arg5[%dma_wait3A_1355, %dma_wait3A_1361] : memref<128x200xi32, #tpu.memory_space<vmem>> -> memref<1x200xi32, #tpu.memory_space<vmem>>
      %dma_wait3A_1363 = tpu.memref_squeeze %dma_wait3A_1362 : memref<1x200xi32, #tpu.memory_space<vmem>> -> memref<200xi32, #tpu.memory_space<vmem>>
      %dma_wait3A_1364 = arith.constant 0 : i32
      %dma_wait3A_1365 = arith.constant 0 : i32
      %dma_wait3A_1366 = tpu.memref_slice %arg3[%dma_wait3A_1364, %dma_wait3A_1365] : memref<1000000x64xf32, #tpu.memory_space<hbm>> -> memref<1000000x64xf32, #tpu.memory_space<hbm>>
      tpu.wait_indirect_dma semaphore(%arg13 : memref<!tpu.dma_semaphore, #tpu.memory_space<semaphore_mem>>) src(%dma_wait3A_1366 : memref<1000000x64xf32, #tpu.memory_space<hbm>>) dst(%dma_wait3A_1360 : memref<200x64xf32, #tpu.memory_space<vmem>>)
      %add3A_1367 = arith.addi %mul3A_2, %add3A_1354 : i32
      %dma_start3A_1368 = arith.constant 6 : i32
      %dma_start3A_1369 = arith.constant 0 : i32
      %dma_start3A_1370 = arith.constant 0 : i32
      %dma_start3A_1371 = tpu.memref_slice %arg6[%dma_start3A_1368, %dma_start3A_1369, %dma_start3A_1370] : memref<8x200x64xf32, #tpu.memory_space<vmem>> -> memref<1x200x64xf32, #tpu.memory_space<vmem>>
      %dma_start3A_1372 = tpu.memref_squeeze %dma_start3A_1371 : memref<1x200x64xf32, #tpu.memory_space<vmem>> -> memref<200x64xf32, #tpu.memory_space<vmem>>
      %dma_start3A_1373 = arith.constant 0 : i32
      %dma_start3A_1374 = arith.constant 0 : i32
      %dma_start3A_1375 = tpu.memref_slice %arg4[%add3A_1367, %dma_start3A_1373, %dma_start3A_1374] : memref<4096x200x64xf32, #tpu.memory_space<hbm>> -> memref<1x200x64xf32, #tpu.memory_space<hbm>>
      %dma_start3A_1376 = tpu.memref_squeeze %dma_start3A_1375 : memref<1x200x64xf32, #tpu.memory_space<hbm>> -> memref<200x64xf32, #tpu.memory_space<hbm>>
      %dma_start3A_1377 = arith.constant 0 : i32
      %dma_start3A_1378 = arith.constant 0 : i32
      %dma_start3A_1379 = tpu.memref_slice %arg4[%add3A_1367, %dma_start3A_1377, %dma_start3A_1378] : memref<4096x200x64xf32, #tpu.memory_space<hbm>> -> memref<1x200x64xf32, #tpu.memory_space<hbm>>
      %dma_start3A_1380 = tpu.memref_squeeze %dma_start3A_1379 : memref<1x200x64xf32, #tpu.memory_space<hbm>> -> memref<200x64xf32, #tpu.memory_space<hbm>>
      %dma_start3A_1381 = arith.constant 0 : i32
      %dma_start3A_1382 = arith.constant 0 : i32
      %dma_start3A_1383 = tpu.memref_slice %arg6[%dma_start3A_1368, %dma_start3A_1381, %dma_start3A_1382] : memref<8x200x64xf32, #tpu.memory_space<vmem>> -> memref<1x200x64xf32, #tpu.memory_space<vmem>>
      %dma_start3A_1384 = tpu.memref_squeeze %dma_start3A_1383 : memref<1x200x64xf32, #tpu.memory_space<vmem>> -> memref<200x64xf32, #tpu.memory_space<vmem>>
      tpu.enqueue_dma source(%dma_start3A_1384 : memref<200x64xf32, #tpu.memory_space<vmem>>) target(%dma_start3A_1380 : memref<200x64xf32, #tpu.memory_space<hbm>>) target_semaphore(%arg21 : memref<!tpu.dma_semaphore, #tpu.memory_space<semaphore_mem>>)
      %dma_wait3A_1385 = arith.constant 4 : i32
      %dma_wait3A_1386 = arith.constant 0 : i32
      %dma_wait3A_1387 = arith.constant 0 : i32
      %dma_wait3A_1388 = tpu.memref_slice %arg6[%dma_wait3A_1385, %dma_wait3A_1386, %dma_wait3A_1387] : memref<8x200x64xf32, #tpu.memory_space<vmem>> -> memref<1x200x64xf32, #tpu.memory_space<vmem>>
      %dma_wait3A_1389 = tpu.memref_squeeze %dma_wait3A_1388 : memref<1x200x64xf32, #tpu.memory_space<vmem>> -> memref<200x64xf32, #tpu.memory_space<vmem>>
      %dma_wait3A_1390 = arith.constant 0 : i32
      %dma_wait3A_1391 = arith.constant 0 : i32
      %dma_wait3A_1392 = tpu.memref_slice %arg4[%mul3A_2, %dma_wait3A_1390, %dma_wait3A_1391] : memref<4096x200x64xf32, #tpu.memory_space<hbm>> -> memref<1x200x64xf32, #tpu.memory_space<hbm>>
      %dma_wait3A_1393 = tpu.memref_squeeze %dma_wait3A_1392 : memref<1x200x64xf32, #tpu.memory_space<hbm>> -> memref<200x64xf32, #tpu.memory_space<hbm>>
      %dma_wait3A_1394 = arith.constant 0 : i32
      %dma_wait3A_1395 = arith.constant 0 : i32
      %dma_wait3A_1396 = tpu.memref_slice %arg4[%mul3A_2, %dma_wait3A_1394, %dma_wait3A_1395] : memref<4096x200x64xf32, #tpu.memory_space<hbm>> -> memref<1x200x64xf32, #tpu.memory_space<hbm>>
      %dma_wait3A_1397 = tpu.memref_squeeze %dma_wait3A_1396 : memref<1x200x64xf32, #tpu.memory_space<hbm>> -> memref<200x64xf32, #tpu.memory_space<hbm>>
      %dma_wait3A_1398 = arith.constant 0 : i32
      %dma_wait3A_1399 = arith.constant 0 : i32
      %dma_wait3A_1400 = tpu.memref_slice %arg6[%dma_wait3A_1385, %dma_wait3A_1398, %dma_wait3A_1399] : memref<8x200x64xf32, #tpu.memory_space<vmem>> -> memref<1x200x64xf32, #tpu.memory_space<vmem>>
      %dma_wait3A_1401 = tpu.memref_squeeze %dma_wait3A_1400 : memref<1x200x64xf32, #tpu.memory_space<vmem>> -> memref<200x64xf32, #tpu.memory_space<vmem>>
      tpu.wait_dma2 semaphore(%arg19 : memref<!tpu.dma_semaphore, #tpu.memory_space<semaphore_mem>>) src(%dma_wait3A_1401 : memref<200x64xf32, #tpu.memory_space<vmem>>) dst(%dma_wait3A_1397 : memref<200x64xf32, #tpu.memory_space<hbm>>)
      %add3A_1402 = arith.constant 6 : i32
      %add3A_1403 = arith.addi %add3A_1354, %add3A_1402 : i32
      %dma_start3A_1404 = arith.constant 4 : i32
      %dma_start3A_1405 = arith.constant 0 : i32
      %dma_start3A_1406 = arith.constant 0 : i32
      %dma_start3A_1407 = tpu.memref_slice %arg6[%dma_start3A_1404, %dma_start3A_1405, %dma_start3A_1406] : memref<8x200x64xf32, #tpu.memory_space<vmem>> -> memref<1x200x64xf32, #tpu.memory_space<vmem>>
      %dma_start3A_1408 = tpu.memref_squeeze %dma_start3A_1407 : memref<1x200x64xf32, #tpu.memory_space<vmem>> -> memref<200x64xf32, #tpu.memory_space<vmem>>
      %dma_start3A_1409 = arith.constant 0 : i32
      %dma_start3A_1410 = tpu.memref_slice %arg5[%add3A_1403, %dma_start3A_1409] : memref<128x200xi32, #tpu.memory_space<vmem>> -> memref<1x200xi32, #tpu.memory_space<vmem>>
      %dma_start3A_1411 = tpu.memref_squeeze %dma_start3A_1410 : memref<1x200xi32, #tpu.memory_space<vmem>> -> memref<200xi32, #tpu.memory_space<vmem>>
      %dma_start3A_1412 = arith.constant 0 : i32
      %dma_start3A_1413 = arith.constant 0 : i32
      %dma_start3A_1414 = tpu.memref_slice %arg3[%dma_start3A_1412, %dma_start3A_1413] : memref<1000000x64xf32, #tpu.memory_space<hbm>> -> memref<1000000x64xf32, #tpu.memory_space<hbm>>
      tpu.enqueue_indirect_dma source(%dma_start3A_1414 : memref<1000000x64xf32, #tpu.memory_space<hbm>>) target(%dma_start3A_1408 : memref<200x64xf32, #tpu.memory_space<vmem>>) offsets(%dma_start3A_1411 : memref<200xi32, #tpu.memory_space<vmem>>) semaphore(%arg11 : memref<!tpu.dma_semaphore, #tpu.memory_space<semaphore_mem>>)
      %mul3A_1415 = arith.constant 8 : i32
      %mul3A_1416 = arith.muli %scan3A_966, %mul3A_1415 : i32
      %add3A_1417 = arith.constant 7 : i32
      %add3A_1418 = arith.addi %mul3A_1416, %add3A_1417 : i32
      %dma_wait3A_1419 = arith.constant 0 : i32
      %dma_wait3A_1420 = arith.constant 7 : i32
      %dma_wait3A_1421 = arith.constant 0 : i32
      %dma_wait3A_1422 = arith.constant 0 : i32
      %dma_wait3A_1423 = tpu.memref_slice %arg6[%dma_wait3A_1420, %dma_wait3A_1421, %dma_wait3A_1422] : memref<8x200x64xf32, #tpu.memory_space<vmem>> -> memref<1x200x64xf32, #tpu.memory_space<vmem>>
      %dma_wait3A_1424 = tpu.memref_squeeze %dma_wait3A_1423 : memref<1x200x64xf32, #tpu.memory_space<vmem>> -> memref<200x64xf32, #tpu.memory_space<vmem>>
      %dma_wait3A_1425 = arith.constant 0 : i32
      %dma_wait3A_1426 = tpu.memref_slice %arg5[%dma_wait3A_1419, %dma_wait3A_1425] : memref<128x200xi32, #tpu.memory_space<vmem>> -> memref<1x200xi32, #tpu.memory_space<vmem>>
      %dma_wait3A_1427 = tpu.memref_squeeze %dma_wait3A_1426 : memref<1x200xi32, #tpu.memory_space<vmem>> -> memref<200xi32, #tpu.memory_space<vmem>>
      %dma_wait3A_1428 = arith.constant 0 : i32
      %dma_wait3A_1429 = arith.constant 0 : i32
      %dma_wait3A_1430 = tpu.memref_slice %arg3[%dma_wait3A_1428, %dma_wait3A_1429] : memref<1000000x64xf32, #tpu.memory_space<hbm>> -> memref<1000000x64xf32, #tpu.memory_space<hbm>>
      tpu.wait_indirect_dma semaphore(%arg14 : memref<!tpu.dma_semaphore, #tpu.memory_space<semaphore_mem>>) src(%dma_wait3A_1430 : memref<1000000x64xf32, #tpu.memory_space<hbm>>) dst(%dma_wait3A_1424 : memref<200x64xf32, #tpu.memory_space<vmem>>)
      %add3A_1431 = arith.addi %mul3A_2, %add3A_1418 : i32
      %dma_start3A_1432 = arith.constant 7 : i32
      %dma_start3A_1433 = arith.constant 0 : i32
      %dma_start3A_1434 = arith.constant 0 : i32
      %dma_start3A_1435 = tpu.memref_slice %arg6[%dma_start3A_1432, %dma_start3A_1433, %dma_start3A_1434] : memref<8x200x64xf32, #tpu.memory_space<vmem>> -> memref<1x200x64xf32, #tpu.memory_space<vmem>>
      %dma_start3A_1436 = tpu.memref_squeeze %dma_start3A_1435 : memref<1x200x64xf32, #tpu.memory_space<vmem>> -> memref<200x64xf32, #tpu.memory_space<vmem>>
      %dma_start3A_1437 = arith.constant 0 : i32
      %dma_start3A_1438 = arith.constant 0 : i32
      %dma_start3A_1439 = tpu.memref_slice %arg4[%add3A_1431, %dma_start3A_1437, %dma_start3A_1438] : memref<4096x200x64xf32, #tpu.memory_space<hbm>> -> memref<1x200x64xf32, #tpu.memory_space<hbm>>
      %dma_start3A_1440 = tpu.memref_squeeze %dma_start3A_1439 : memref<1x200x64xf32, #tpu.memory_space<hbm>> -> memref<200x64xf32, #tpu.memory_space<hbm>>
      %dma_start3A_1441 = arith.constant 0 : i32
      %dma_start3A_1442 = arith.constant 0 : i32
      %dma_start3A_1443 = tpu.memref_slice %arg4[%add3A_1431, %dma_start3A_1441, %dma_start3A_1442] : memref<4096x200x64xf32, #tpu.memory_space<hbm>> -> memref<1x200x64xf32, #tpu.memory_space<hbm>>
      %dma_start3A_1444 = tpu.memref_squeeze %dma_start3A_1443 : memref<1x200x64xf32, #tpu.memory_space<hbm>> -> memref<200x64xf32, #tpu.memory_space<hbm>>
      %dma_start3A_1445 = arith.constant 0 : i32
      %dma_start3A_1446 = arith.constant 0 : i32
      %dma_start3A_1447 = tpu.memref_slice %arg6[%dma_start3A_1432, %dma_start3A_1445, %dma_start3A_1446] : memref<8x200x64xf32, #tpu.memory_space<vmem>> -> memref<1x200x64xf32, #tpu.memory_space<vmem>>
      %dma_start3A_1448 = tpu.memref_squeeze %dma_start3A_1447 : memref<1x200x64xf32, #tpu.memory_space<vmem>> -> memref<200x64xf32, #tpu.memory_space<vmem>>
      tpu.enqueue_dma source(%dma_start3A_1448 : memref<200x64xf32, #tpu.memory_space<vmem>>) target(%dma_start3A_1444 : memref<200x64xf32, #tpu.memory_space<hbm>>) target_semaphore(%arg22 : memref<!tpu.dma_semaphore, #tpu.memory_space<semaphore_mem>>)
      %dma_wait3A_1449 = arith.constant 5 : i32
      %dma_wait3A_1450 = arith.constant 0 : i32
      %dma_wait3A_1451 = arith.constant 0 : i32
      %dma_wait3A_1452 = tpu.memref_slice %arg6[%dma_wait3A_1449, %dma_wait3A_1450, %dma_wait3A_1451] : memref<8x200x64xf32, #tpu.memory_space<vmem>> -> memref<1x200x64xf32, #tpu.memory_space<vmem>>
      %dma_wait3A_1453 = tpu.memref_squeeze %dma_wait3A_1452 : memref<1x200x64xf32, #tpu.memory_space<vmem>> -> memref<200x64xf32, #tpu.memory_space<vmem>>
      %dma_wait3A_1454 = arith.constant 0 : i32
      %dma_wait3A_1455 = arith.constant 0 : i32
      %dma_wait3A_1456 = tpu.memref_slice %arg4[%mul3A_2, %dma_wait3A_1454, %dma_wait3A_1455] : memref<4096x200x64xf32, #tpu.memory_space<hbm>> -> memref<1x200x64xf32, #tpu.memory_space<hbm>>
      %dma_wait3A_1457 = tpu.memref_squeeze %dma_wait3A_1456 : memref<1x200x64xf32, #tpu.memory_space<hbm>> -> memref<200x64xf32, #tpu.memory_space<hbm>>
      %dma_wait3A_1458 = arith.constant 0 : i32
      %dma_wait3A_1459 = arith.constant 0 : i32
      %dma_wait3A_1460 = tpu.memref_slice %arg4[%mul3A_2, %dma_wait3A_1458, %dma_wait3A_1459] : memref<4096x200x64xf32, #tpu.memory_space<hbm>> -> memref<1x200x64xf32, #tpu.memory_space<hbm>>
      %dma_wait3A_1461 = tpu.memref_squeeze %dma_wait3A_1460 : memref<1x200x64xf32, #tpu.memory_space<hbm>> -> memref<200x64xf32, #tpu.memory_space<hbm>>
      %dma_wait3A_1462 = arith.constant 0 : i32
      %dma_wait3A_1463 = arith.constant 0 : i32
      %dma_wait3A_1464 = tpu.memref_slice %arg6[%dma_wait3A_1449, %dma_wait3A_1462, %dma_wait3A_1463] : memref<8x200x64xf32, #tpu.memory_space<vmem>> -> memref<1x200x64xf32, #tpu.memory_space<vmem>>
      %dma_wait3A_1465 = tpu.memref_squeeze %dma_wait3A_1464 : memref<1x200x64xf32, #tpu.memory_space<vmem>> -> memref<200x64xf32, #tpu.memory_space<vmem>>
      tpu.wait_dma2 semaphore(%arg20 : memref<!tpu.dma_semaphore, #tpu.memory_space<semaphore_mem>>) src(%dma_wait3A_1465 : memref<200x64xf32, #tpu.memory_space<vmem>>) dst(%dma_wait3A_1461 : memref<200x64xf32, #tpu.memory_space<hbm>>)
      %add3A_1466 = arith.constant 6 : i32
      %add3A_1467 = arith.addi %add3A_1418, %add3A_1466 : i32
      %dma_start3A_1468 = arith.constant 5 : i32
      %dma_start3A_1469 = arith.constant 0 : i32
      %dma_start3A_1470 = arith.constant 0 : i32
      %dma_start3A_1471 = tpu.memref_slice %arg6[%dma_start3A_1468, %dma_start3A_1469, %dma_start3A_1470] : memref<8x200x64xf32, #tpu.memory_space<vmem>> -> memref<1x200x64xf32, #tpu.memory_space<vmem>>
      %dma_start3A_1472 = tpu.memref_squeeze %dma_start3A_1471 : memref<1x200x64xf32, #tpu.memory_space<vmem>> -> memref<200x64xf32, #tpu.memory_space<vmem>>
      %dma_start3A_1473 = arith.constant 0 : i32
      %dma_start3A_1474 = tpu.memref_slice %arg5[%add3A_1467, %dma_start3A_1473] : memref<128x200xi32, #tpu.memory_space<vmem>> -> memref<1x200xi32, #tpu.memory_space<vmem>>
      %dma_start3A_1475 = tpu.memref_squeeze %dma_start3A_1474 : memref<1x200xi32, #tpu.memory_space<vmem>> -> memref<200xi32, #tpu.memory_space<vmem>>
      %dma_start3A_1476 = arith.constant 0 : i32
      %dma_start3A_1477 = arith.constant 0 : i32
      %dma_start3A_1478 = tpu.memref_slice %arg3[%dma_start3A_1476, %dma_start3A_1477] : memref<1000000x64xf32, #tpu.memory_space<hbm>> -> memref<1000000x64xf32, #tpu.memory_space<hbm>>
      tpu.enqueue_indirect_dma source(%dma_start3A_1478 : memref<1000000x64xf32, #tpu.memory_space<hbm>>) target(%dma_start3A_1472 : memref<200x64xf32, #tpu.memory_space<vmem>>) offsets(%dma_start3A_1475 : memref<200xi32, #tpu.memory_space<vmem>>) semaphore(%arg12 : memref<!tpu.dma_semaphore, #tpu.memory_space<semaphore_mem>>)
    }
    %scan3A_523 = arith.constant 14 : i32
    %dma_wait3A_524 = arith.constant 0 : i32
    %dma_wait3A_525 = arith.constant 0 : i32
    %dma_wait3A_526 = arith.constant 0 : i32
    %dma_wait3A_527 = arith.constant 0 : i32
    %dma_wait3A_528 = tpu.memref_slice %arg6[%dma_wait3A_525, %dma_wait3A_526, %dma_wait3A_527] : memref<8x200x64xf32, #tpu.memory_space<vmem>> -> memref<1x200x64xf32, #tpu.memory_space<vmem>>
    %dma_wait3A_529 = tpu.memref_squeeze %dma_wait3A_528 : memref<1x200x64xf32, #tpu.memory_space<vmem>> -> memref<200x64xf32, #tpu.memory_space<vmem>>
    %dma_wait3A_530 = arith.constant 0 : i32
    %dma_wait3A_531 = tpu.memref_slice %arg5[%dma_wait3A_524, %dma_wait3A_530] : memref<128x200xi32, #tpu.memory_space<vmem>> -> memref<1x200xi32, #tpu.memory_space<vmem>>
    %dma_wait3A_532 = tpu.memref_squeeze %dma_wait3A_531 : memref<1x200xi32, #tpu.memory_space<vmem>> -> memref<200xi32, #tpu.memory_space<vmem>>
    %dma_wait3A_533 = arith.constant 0 : i32
    %dma_wait3A_534 = arith.constant 0 : i32
    %dma_wait3A_535 = tpu.memref_slice %arg3[%dma_wait3A_533, %dma_wait3A_534] : memref<1000000x64xf32, #tpu.memory_space<hbm>> -> memref<1000000x64xf32, #tpu.memory_space<hbm>>
    tpu.wait_indirect_dma semaphore(%arg7 : memref<!tpu.dma_semaphore, #tpu.memory_space<semaphore_mem>>) src(%dma_wait3A_535 : memref<1000000x64xf32, #tpu.memory_space<hbm>>) dst(%dma_wait3A_529 : memref<200x64xf32, #tpu.memory_space<vmem>>)
    %add3A_536 = arith.constant 120 : i32
    %add3A_537 = arith.addi %mul3A_2, %add3A_536 : i32
    %dma_start3A_538 = arith.constant 0 : i32
    %dma_start3A_539 = arith.constant 0 : i32
    %dma_start3A_540 = arith.constant 0 : i32
    %dma_start3A_541 = tpu.memref_slice %arg6[%dma_start3A_538, %dma_start3A_539, %dma_start3A_540] : memref<8x200x64xf32, #tpu.memory_space<vmem>> -> memref<1x200x64xf32, #tpu.memory_space<vmem>>
    %dma_start3A_542 = tpu.memref_squeeze %dma_start3A_541 : memref<1x200x64xf32, #tpu.memory_space<vmem>> -> memref<200x64xf32, #tpu.memory_space<vmem>>
    %dma_start3A_543 = arith.constant 0 : i32
    %dma_start3A_544 = arith.constant 0 : i32
    %dma_start3A_545 = tpu.memref_slice %arg4[%add3A_537, %dma_start3A_543, %dma_start3A_544] : memref<4096x200x64xf32, #tpu.memory_space<hbm>> -> memref<1x200x64xf32, #tpu.memory_space<hbm>>
    %dma_start3A_546 = tpu.memref_squeeze %dma_start3A_545 : memref<1x200x64xf32, #tpu.memory_space<hbm>> -> memref<200x64xf32, #tpu.memory_space<hbm>>
    %dma_start3A_547 = arith.constant 0 : i32
    %dma_start3A_548 = arith.constant 0 : i32
    %dma_start3A_549 = tpu.memref_slice %arg4[%add3A_537, %dma_start3A_547, %dma_start3A_548] : memref<4096x200x64xf32, #tpu.memory_space<hbm>> -> memref<1x200x64xf32, #tpu.memory_space<hbm>>
    %dma_start3A_550 = tpu.memref_squeeze %dma_start3A_549 : memref<1x200x64xf32, #tpu.memory_space<hbm>> -> memref<200x64xf32, #tpu.memory_space<hbm>>
    %dma_start3A_551 = arith.constant 0 : i32
    %dma_start3A_552 = arith.constant 0 : i32
    %dma_start3A_553 = tpu.memref_slice %arg6[%dma_start3A_538, %dma_start3A_551, %dma_start3A_552] : memref<8x200x64xf32, #tpu.memory_space<vmem>> -> memref<1x200x64xf32, #tpu.memory_space<vmem>>
    %dma_start3A_554 = tpu.memref_squeeze %dma_start3A_553 : memref<1x200x64xf32, #tpu.memory_space<vmem>> -> memref<200x64xf32, #tpu.memory_space<vmem>>
    tpu.enqueue_dma source(%dma_start3A_554 : memref<200x64xf32, #tpu.memory_space<vmem>>) target(%dma_start3A_550 : memref<200x64xf32, #tpu.memory_space<hbm>>) target_semaphore(%arg15 : memref<!tpu.dma_semaphore, #tpu.memory_space<semaphore_mem>>)
    %dma_wait3A_555 = arith.constant 6 : i32
    %dma_wait3A_556 = arith.constant 0 : i32
    %dma_wait3A_557 = arith.constant 0 : i32
    %dma_wait3A_558 = tpu.memref_slice %arg6[%dma_wait3A_555, %dma_wait3A_556, %dma_wait3A_557] : memref<8x200x64xf32, #tpu.memory_space<vmem>> -> memref<1x200x64xf32, #tpu.memory_space<vmem>>
    %dma_wait3A_559 = tpu.memref_squeeze %dma_wait3A_558 : memref<1x200x64xf32, #tpu.memory_space<vmem>> -> memref<200x64xf32, #tpu.memory_space<vmem>>
    %dma_wait3A_560 = arith.constant 0 : i32
    %dma_wait3A_561 = arith.constant 0 : i32
    %dma_wait3A_562 = tpu.memref_slice %arg4[%mul3A_2, %dma_wait3A_560, %dma_wait3A_561] : memref<4096x200x64xf32, #tpu.memory_space<hbm>> -> memref<1x200x64xf32, #tpu.memory_space<hbm>>
    %dma_wait3A_563 = tpu.memref_squeeze %dma_wait3A_562 : memref<1x200x64xf32, #tpu.memory_space<hbm>> -> memref<200x64xf32, #tpu.memory_space<hbm>>
    %dma_wait3A_564 = arith.constant 0 : i32
    %dma_wait3A_565 = arith.constant 0 : i32
    %dma_wait3A_566 = tpu.memref_slice %arg4[%mul3A_2, %dma_wait3A_564, %dma_wait3A_565] : memref<4096x200x64xf32, #tpu.memory_space<hbm>> -> memref<1x200x64xf32, #tpu.memory_space<hbm>>
    %dma_wait3A_567 = tpu.memref_squeeze %dma_wait3A_566 : memref<1x200x64xf32, #tpu.memory_space<hbm>> -> memref<200x64xf32, #tpu.memory_space<hbm>>
    %dma_wait3A_568 = arith.constant 0 : i32
    %dma_wait3A_569 = arith.constant 0 : i32
    %dma_wait3A_570 = tpu.memref_slice %arg6[%dma_wait3A_555, %dma_wait3A_568, %dma_wait3A_569] : memref<8x200x64xf32, #tpu.memory_space<vmem>> -> memref<1x200x64xf32, #tpu.memory_space<vmem>>
    %dma_wait3A_571 = tpu.memref_squeeze %dma_wait3A_570 : memref<1x200x64xf32, #tpu.memory_space<vmem>> -> memref<200x64xf32, #tpu.memory_space<vmem>>
    tpu.wait_dma2 semaphore(%arg21 : memref<!tpu.dma_semaphore, #tpu.memory_space<semaphore_mem>>) src(%dma_wait3A_571 : memref<200x64xf32, #tpu.memory_space<vmem>>) dst(%dma_wait3A_567 : memref<200x64xf32, #tpu.memory_space<hbm>>)
    %dma_start3A_572 = arith.constant 126 : i32
    %dma_start3A_573 = arith.constant 6 : i32
    %dma_start3A_574 = arith.constant 0 : i32
    %dma_start3A_575 = arith.constant 0 : i32
    %dma_start3A_576 = tpu.memref_slice %arg6[%dma_start3A_573, %dma_start3A_574, %dma_start3A_575] : memref<8x200x64xf32, #tpu.memory_space<vmem>> -> memref<1x200x64xf32, #tpu.memory_space<vmem>>
    %dma_start3A_577 = tpu.memref_squeeze %dma_start3A_576 : memref<1x200x64xf32, #tpu.memory_space<vmem>> -> memref<200x64xf32, #tpu.memory_space<vmem>>
    %dma_start3A_578 = arith.constant 0 : i32
    %dma_start3A_579 = tpu.memref_slice %arg5[%dma_start3A_572, %dma_start3A_578] : memref<128x200xi32, #tpu.memory_space<vmem>> -> memref<1x200xi32, #tpu.memory_space<vmem>>
    %dma_start3A_580 = tpu.memref_squeeze %dma_start3A_579 : memref<1x200xi32, #tpu.memory_space<vmem>> -> memref<200xi32, #tpu.memory_space<vmem>>
    %dma_start3A_581 = arith.constant 0 : i32
    %dma_start3A_582 = arith.constant 0 : i32
    %dma_start3A_583 = tpu.memref_slice %arg3[%dma_start3A_581, %dma_start3A_582] : memref<1000000x64xf32, #tpu.memory_space<hbm>> -> memref<1000000x64xf32, #tpu.memory_space<hbm>>
    tpu.enqueue_indirect_dma source(%dma_start3A_583 : memref<1000000x64xf32, #tpu.memory_space<hbm>>) target(%dma_start3A_577 : memref<200x64xf32, #tpu.memory_space<vmem>>) offsets(%dma_start3A_580 : memref<200xi32, #tpu.memory_space<vmem>>) semaphore(%arg13 : memref<!tpu.dma_semaphore, #tpu.memory_space<semaphore_mem>>)
    %dma_wait3A_584 = arith.constant 0 : i32
    %dma_wait3A_585 = arith.constant 1 : i32
    %dma_wait3A_586 = arith.constant 0 : i32
    %dma_wait3A_587 = arith.constant 0 : i32
    %dma_wait3A_588 = tpu.memref_slice %arg6[%dma_wait3A_585, %dma_wait3A_586, %dma_wait3A_587] : memref<8x200x64xf32, #tpu.memory_space<vmem>> -> memref<1x200x64xf32, #tpu.memory_space<vmem>>
    %dma_wait3A_589 = tpu.memref_squeeze %dma_wait3A_588 : memref<1x200x64xf32, #tpu.memory_space<vmem>> -> memref<200x64xf32, #tpu.memory_space<vmem>>
    %dma_wait3A_590 = arith.constant 0 : i32
    %dma_wait3A_591 = tpu.memref_slice %arg5[%dma_wait3A_584, %dma_wait3A_590] : memref<128x200xi32, #tpu.memory_space<vmem>> -> memref<1x200xi32, #tpu.memory_space<vmem>>
    %dma_wait3A_592 = tpu.memref_squeeze %dma_wait3A_591 : memref<1x200xi32, #tpu.memory_space<vmem>> -> memref<200xi32, #tpu.memory_space<vmem>>
    %dma_wait3A_593 = arith.constant 0 : i32
    %dma_wait3A_594 = arith.constant 0 : i32
    %dma_wait3A_595 = tpu.memref_slice %arg3[%dma_wait3A_593, %dma_wait3A_594] : memref<1000000x64xf32, #tpu.memory_space<hbm>> -> memref<1000000x64xf32, #tpu.memory_space<hbm>>
    tpu.wait_indirect_dma semaphore(%arg8 : memref<!tpu.dma_semaphore, #tpu.memory_space<semaphore_mem>>) src(%dma_wait3A_595 : memref<1000000x64xf32, #tpu.memory_space<hbm>>) dst(%dma_wait3A_589 : memref<200x64xf32, #tpu.memory_space<vmem>>)
    %add3A_596 = arith.constant 121 : i32
    %add3A_597 = arith.addi %mul3A_2, %add3A_596 : i32
    %dma_start3A_598 = arith.constant 1 : i32
    %dma_start3A_599 = arith.constant 0 : i32
    %dma_start3A_600 = arith.constant 0 : i32
    %dma_start3A_601 = tpu.memref_slice %arg6[%dma_start3A_598, %dma_start3A_599, %dma_start3A_600] : memref<8x200x64xf32, #tpu.memory_space<vmem>> -> memref<1x200x64xf32, #tpu.memory_space<vmem>>
    %dma_start3A_602 = tpu.memref_squeeze %dma_start3A_601 : memref<1x200x64xf32, #tpu.memory_space<vmem>> -> memref<200x64xf32, #tpu.memory_space<vmem>>
    %dma_start3A_603 = arith.constant 0 : i32
    %dma_start3A_604 = arith.constant 0 : i32
    %dma_start3A_605 = tpu.memref_slice %arg4[%add3A_597, %dma_start3A_603, %dma_start3A_604] : memref<4096x200x64xf32, #tpu.memory_space<hbm>> -> memref<1x200x64xf32, #tpu.memory_space<hbm>>
    %dma_start3A_606 = tpu.memref_squeeze %dma_start3A_605 : memref<1x200x64xf32, #tpu.memory_space<hbm>> -> memref<200x64xf32, #tpu.memory_space<hbm>>
    %dma_start3A_607 = arith.constant 0 : i32
    %dma_start3A_608 = arith.constant 0 : i32
    %dma_start3A_609 = tpu.memref_slice %arg4[%add3A_597, %dma_start3A_607, %dma_start3A_608] : memref<4096x200x64xf32, #tpu.memory_space<hbm>> -> memref<1x200x64xf32, #tpu.memory_space<hbm>>
    %dma_start3A_610 = tpu.memref_squeeze %dma_start3A_609 : memref<1x200x64xf32, #tpu.memory_space<hbm>> -> memref<200x64xf32, #tpu.memory_space<hbm>>
    %dma_start3A_611 = arith.constant 0 : i32
    %dma_start3A_612 = arith.constant 0 : i32
    %dma_start3A_613 = tpu.memref_slice %arg6[%dma_start3A_598, %dma_start3A_611, %dma_start3A_612] : memref<8x200x64xf32, #tpu.memory_space<vmem>> -> memref<1x200x64xf32, #tpu.memory_space<vmem>>
    %dma_start3A_614 = tpu.memref_squeeze %dma_start3A_613 : memref<1x200x64xf32, #tpu.memory_space<vmem>> -> memref<200x64xf32, #tpu.memory_space<vmem>>
    tpu.enqueue_dma source(%dma_start3A_614 : memref<200x64xf32, #tpu.memory_space<vmem>>) target(%dma_start3A_610 : memref<200x64xf32, #tpu.memory_space<hbm>>) target_semaphore(%arg16 : memref<!tpu.dma_semaphore, #tpu.memory_space<semaphore_mem>>)
    %dma_wait3A_615 = arith.constant 7 : i32
    %dma_wait3A_616 = arith.constant 0 : i32
    %dma_wait3A_617 = arith.constant 0 : i32
    %dma_wait3A_618 = tpu.memref_slice %arg6[%dma_wait3A_615, %dma_wait3A_616, %dma_wait3A_617] : memref<8x200x64xf32, #tpu.memory_space<vmem>> -> memref<1x200x64xf32, #tpu.memory_space<vmem>>
    %dma_wait3A_619 = tpu.memref_squeeze %dma_wait3A_618 : memref<1x200x64xf32, #tpu.memory_space<vmem>> -> memref<200x64xf32, #tpu.memory_space<vmem>>
    %dma_wait3A_620 = arith.constant 0 : i32
    %dma_wait3A_621 = arith.constant 0 : i32
    %dma_wait3A_622 = tpu.memref_slice %arg4[%mul3A_2, %dma_wait3A_620, %dma_wait3A_621] : memref<4096x200x64xf32, #tpu.memory_space<hbm>> -> memref<1x200x64xf32, #tpu.memory_space<hbm>>
    %dma_wait3A_623 = tpu.memref_squeeze %dma_wait3A_622 : memref<1x200x64xf32, #tpu.memory_space<hbm>> -> memref<200x64xf32, #tpu.memory_space<hbm>>
    %dma_wait3A_624 = arith.constant 0 : i32
    %dma_wait3A_625 = arith.constant 0 : i32
    %dma_wait3A_626 = tpu.memref_slice %arg4[%mul3A_2, %dma_wait3A_624, %dma_wait3A_625] : memref<4096x200x64xf32, #tpu.memory_space<hbm>> -> memref<1x200x64xf32, #tpu.memory_space<hbm>>
    %dma_wait3A_627 = tpu.memref_squeeze %dma_wait3A_626 : memref<1x200x64xf32, #tpu.memory_space<hbm>> -> memref<200x64xf32, #tpu.memory_space<hbm>>
    %dma_wait3A_628 = arith.constant 0 : i32
    %dma_wait3A_629 = arith.constant 0 : i32
    %dma_wait3A_630 = tpu.memref_slice %arg6[%dma_wait3A_615, %dma_wait3A_628, %dma_wait3A_629] : memref<8x200x64xf32, #tpu.memory_space<vmem>> -> memref<1x200x64xf32, #tpu.memory_space<vmem>>
    %dma_wait3A_631 = tpu.memref_squeeze %dma_wait3A_630 : memref<1x200x64xf32, #tpu.memory_space<vmem>> -> memref<200x64xf32, #tpu.memory_space<vmem>>
    tpu.wait_dma2 semaphore(%arg22 : memref<!tpu.dma_semaphore, #tpu.memory_space<semaphore_mem>>) src(%dma_wait3A_631 : memref<200x64xf32, #tpu.memory_space<vmem>>) dst(%dma_wait3A_627 : memref<200x64xf32, #tpu.memory_space<hbm>>)
    %dma_start3A_632 = arith.constant 127 : i32
    %dma_start3A_633 = arith.constant 7 : i32
    %dma_start3A_634 = arith.constant 0 : i32
    %dma_start3A_635 = arith.constant 0 : i32
    %dma_start3A_636 = tpu.memref_slice %arg6[%dma_start3A_633, %dma_start3A_634, %dma_start3A_635] : memref<8x200x64xf32, #tpu.memory_space<vmem>> -> memref<1x200x64xf32, #tpu.memory_space<vmem>>
    %dma_start3A_637 = tpu.memref_squeeze %dma_start3A_636 : memref<1x200x64xf32, #tpu.memory_space<vmem>> -> memref<200x64xf32, #tpu.memory_space<vmem>>
    %dma_start3A_638 = arith.constant 0 : i32
    %dma_start3A_639 = tpu.memref_slice %arg5[%dma_start3A_632, %dma_start3A_638] : memref<128x200xi32, #tpu.memory_space<vmem>> -> memref<1x200xi32, #tpu.memory_space<vmem>>
    %dma_start3A_640 = tpu.memref_squeeze %dma_start3A_639 : memref<1x200xi32, #tpu.memory_space<vmem>> -> memref<200xi32, #tpu.memory_space<vmem>>
    %dma_start3A_641 = arith.constant 0 : i32
    %dma_start3A_642 = arith.constant 0 : i32
    %dma_start3A_643 = tpu.memref_slice %arg3[%dma_start3A_641, %dma_start3A_642] : memref<1000000x64xf32, #tpu.memory_space<hbm>> -> memref<1000000x64xf32, #tpu.memory_space<hbm>>
    tpu.enqueue_indirect_dma source(%dma_start3A_643 : memref<1000000x64xf32, #tpu.memory_space<hbm>>) target(%dma_start3A_637 : memref<200x64xf32, #tpu.memory_space<vmem>>) offsets(%dma_start3A_640 : memref<200xi32, #tpu.memory_space<vmem>>) semaphore(%arg14 : memref<!tpu.dma_semaphore, #tpu.memory_space<semaphore_mem>>)
    %dma_wait3A_644 = arith.constant 0 : i32
    %dma_wait3A_645 = arith.constant 2 : i32
    %dma_wait3A_646 = arith.constant 0 : i32
    %dma_wait3A_647 = arith.constant 0 : i32
    %dma_wait3A_648 = tpu.memref_slice %arg6[%dma_wait3A_645, %dma_wait3A_646, %dma_wait3A_647] : memref<8x200x64xf32, #tpu.memory_space<vmem>> -> memref<1x200x64xf32, #tpu.memory_space<vmem>>
    %dma_wait3A_649 = tpu.memref_squeeze %dma_wait3A_648 : memref<1x200x64xf32, #tpu.memory_space<vmem>> -> memref<200x64xf32, #tpu.memory_space<vmem>>
    %dma_wait3A_650 = arith.constant 0 : i32
    %dma_wait3A_651 = tpu.memref_slice %arg5[%dma_wait3A_644, %dma_wait3A_650] : memref<128x200xi32, #tpu.memory_space<vmem>> -> memref<1x200xi32, #tpu.memory_space<vmem>>
    %dma_wait3A_652 = tpu.memref_squeeze %dma_wait3A_651 : memref<1x200xi32, #tpu.memory_space<vmem>> -> memref<200xi32, #tpu.memory_space<vmem>>
    %dma_wait3A_653 = arith.constant 0 : i32
    %dma_wait3A_654 = arith.constant 0 : i32
    %dma_wait3A_655 = tpu.memref_slice %arg3[%dma_wait3A_653, %dma_wait3A_654] : memref<1000000x64xf32, #tpu.memory_space<hbm>> -> memref<1000000x64xf32, #tpu.memory_space<hbm>>
    tpu.wait_indirect_dma semaphore(%arg9 : memref<!tpu.dma_semaphore, #tpu.memory_space<semaphore_mem>>) src(%dma_wait3A_655 : memref<1000000x64xf32, #tpu.memory_space<hbm>>) dst(%dma_wait3A_649 : memref<200x64xf32, #tpu.memory_space<vmem>>)
    %add3A_656 = arith.constant 122 : i32
    %add3A_657 = arith.addi %mul3A_2, %add3A_656 : i32
    %dma_start3A_658 = arith.constant 2 : i32
    %dma_start3A_659 = arith.constant 0 : i32
    %dma_start3A_660 = arith.constant 0 : i32
    %dma_start3A_661 = tpu.memref_slice %arg6[%dma_start3A_658, %dma_start3A_659, %dma_start3A_660] : memref<8x200x64xf32, #tpu.memory_space<vmem>> -> memref<1x200x64xf32, #tpu.memory_space<vmem>>
    %dma_start3A_662 = tpu.memref_squeeze %dma_start3A_661 : memref<1x200x64xf32, #tpu.memory_space<vmem>> -> memref<200x64xf32, #tpu.memory_space<vmem>>
    %dma_start3A_663 = arith.constant 0 : i32
    %dma_start3A_664 = arith.constant 0 : i32
    %dma_start3A_665 = tpu.memref_slice %arg4[%add3A_657, %dma_start3A_663, %dma_start3A_664] : memref<4096x200x64xf32, #tpu.memory_space<hbm>> -> memref<1x200x64xf32, #tpu.memory_space<hbm>>
    %dma_start3A_666 = tpu.memref_squeeze %dma_start3A_665 : memref<1x200x64xf32, #tpu.memory_space<hbm>> -> memref<200x64xf32, #tpu.memory_space<hbm>>
    %dma_start3A_667 = arith.constant 0 : i32
    %dma_start3A_668 = arith.constant 0 : i32
    %dma_start3A_669 = tpu.memref_slice %arg4[%add3A_657, %dma_start3A_667, %dma_start3A_668] : memref<4096x200x64xf32, #tpu.memory_space<hbm>> -> memref<1x200x64xf32, #tpu.memory_space<hbm>>
    %dma_start3A_670 = tpu.memref_squeeze %dma_start3A_669 : memref<1x200x64xf32, #tpu.memory_space<hbm>> -> memref<200x64xf32, #tpu.memory_space<hbm>>
    %dma_start3A_671 = arith.constant 0 : i32
    %dma_start3A_672 = arith.constant 0 : i32
    %dma_start3A_673 = tpu.memref_slice %arg6[%dma_start3A_658, %dma_start3A_671, %dma_start3A_672] : memref<8x200x64xf32, #tpu.memory_space<vmem>> -> memref<1x200x64xf32, #tpu.memory_space<vmem>>
    %dma_start3A_674 = tpu.memref_squeeze %dma_start3A_673 : memref<1x200x64xf32, #tpu.memory_space<vmem>> -> memref<200x64xf32, #tpu.memory_space<vmem>>
    tpu.enqueue_dma source(%dma_start3A_674 : memref<200x64xf32, #tpu.memory_space<vmem>>) target(%dma_start3A_670 : memref<200x64xf32, #tpu.memory_space<hbm>>) target_semaphore(%arg17 : memref<!tpu.dma_semaphore, #tpu.memory_space<semaphore_mem>>)
    %dma_wait3A_675 = arith.constant 0 : i32
    %dma_wait3A_676 = arith.constant 3 : i32
    %dma_wait3A_677 = arith.constant 0 : i32
    %dma_wait3A_678 = arith.constant 0 : i32
    %dma_wait3A_679 = tpu.memref_slice %arg6[%dma_wait3A_676, %dma_wait3A_677, %dma_wait3A_678] : memref<8x200x64xf32, #tpu.memory_space<vmem>> -> memref<1x200x64xf32, #tpu.memory_space<vmem>>
    %dma_wait3A_680 = tpu.memref_squeeze %dma_wait3A_679 : memref<1x200x64xf32, #tpu.memory_space<vmem>> -> memref<200x64xf32, #tpu.memory_space<vmem>>
    %dma_wait3A_681 = arith.constant 0 : i32
    %dma_wait3A_682 = tpu.memref_slice %arg5[%dma_wait3A_675, %dma_wait3A_681] : memref<128x200xi32, #tpu.memory_space<vmem>> -> memref<1x200xi32, #tpu.memory_space<vmem>>
    %dma_wait3A_683 = tpu.memref_squeeze %dma_wait3A_682 : memref<1x200xi32, #tpu.memory_space<vmem>> -> memref<200xi32, #tpu.memory_space<vmem>>
    %dma_wait3A_684 = arith.constant 0 : i32
    %dma_wait3A_685 = arith.constant 0 : i32
    %dma_wait3A_686 = tpu.memref_slice %arg3[%dma_wait3A_684, %dma_wait3A_685] : memref<1000000x64xf32, #tpu.memory_space<hbm>> -> memref<1000000x64xf32, #tpu.memory_space<hbm>>
    tpu.wait_indirect_dma semaphore(%arg10 : memref<!tpu.dma_semaphore, #tpu.memory_space<semaphore_mem>>) src(%dma_wait3A_686 : memref<1000000x64xf32, #tpu.memory_space<hbm>>) dst(%dma_wait3A_680 : memref<200x64xf32, #tpu.memory_space<vmem>>)
    %add3A_687 = arith.constant 123 : i32
    %add3A_688 = arith.addi %mul3A_2, %add3A_687 : i32
    %dma_start3A_689 = arith.constant 3 : i32
    %dma_start3A_690 = arith.constant 0 : i32
    %dma_start3A_691 = arith.constant 0 : i32
    %dma_start3A_692 = tpu.memref_slice %arg6[%dma_start3A_689, %dma_start3A_690, %dma_start3A_691] : memref<8x200x64xf32, #tpu.memory_space<vmem>> -> memref<1x200x64xf32, #tpu.memory_space<vmem>>
    %dma_start3A_693 = tpu.memref_squeeze %dma_start3A_692 : memref<1x200x64xf32, #tpu.memory_space<vmem>> -> memref<200x64xf32, #tpu.memory_space<vmem>>
    %dma_start3A_694 = arith.constant 0 : i32
    %dma_start3A_695 = arith.constant 0 : i32
    %dma_start3A_696 = tpu.memref_slice %arg4[%add3A_688, %dma_start3A_694, %dma_start3A_695] : memref<4096x200x64xf32, #tpu.memory_space<hbm>> -> memref<1x200x64xf32, #tpu.memory_space<hbm>>
    %dma_start3A_697 = tpu.memref_squeeze %dma_start3A_696 : memref<1x200x64xf32, #tpu.memory_space<hbm>> -> memref<200x64xf32, #tpu.memory_space<hbm>>
    %dma_start3A_698 = arith.constant 0 : i32
    %dma_start3A_699 = arith.constant 0 : i32
    %dma_start3A_700 = tpu.memref_slice %arg4[%add3A_688, %dma_start3A_698, %dma_start3A_699] : memref<4096x200x64xf32, #tpu.memory_space<hbm>> -> memref<1x200x64xf32, #tpu.memory_space<hbm>>
    %dma_start3A_701 = tpu.memref_squeeze %dma_start3A_700 : memref<1x200x64xf32, #tpu.memory_space<hbm>> -> memref<200x64xf32, #tpu.memory_space<hbm>>
    %dma_start3A_702 = arith.constant 0 : i32
    %dma_start3A_703 = arith.constant 0 : i32
    %dma_start3A_704 = tpu.memref_slice %arg6[%dma_start3A_689, %dma_start3A_702, %dma_start3A_703] : memref<8x200x64xf32, #tpu.memory_space<vmem>> -> memref<1x200x64xf32, #tpu.memory_space<vmem>>
    %dma_start3A_705 = tpu.memref_squeeze %dma_start3A_704 : memref<1x200x64xf32, #tpu.memory_space<vmem>> -> memref<200x64xf32, #tpu.memory_space<vmem>>
    tpu.enqueue_dma source(%dma_start3A_705 : memref<200x64xf32, #tpu.memory_space<vmem>>) target(%dma_start3A_701 : memref<200x64xf32, #tpu.memory_space<hbm>>) target_semaphore(%arg18 : memref<!tpu.dma_semaphore, #tpu.memory_space<semaphore_mem>>)
    %dma_wait3A_706 = arith.constant 0 : i32
    %dma_wait3A_707 = arith.constant 4 : i32
    %dma_wait3A_708 = arith.constant 0 : i32
    %dma_wait3A_709 = arith.constant 0 : i32
    %dma_wait3A_710 = tpu.memref_slice %arg6[%dma_wait3A_707, %dma_wait3A_708, %dma_wait3A_709] : memref<8x200x64xf32, #tpu.memory_space<vmem>> -> memref<1x200x64xf32, #tpu.memory_space<vmem>>
    %dma_wait3A_711 = tpu.memref_squeeze %dma_wait3A_710 : memref<1x200x64xf32, #tpu.memory_space<vmem>> -> memref<200x64xf32, #tpu.memory_space<vmem>>
    %dma_wait3A_712 = arith.constant 0 : i32
    %dma_wait3A_713 = tpu.memref_slice %arg5[%dma_wait3A_706, %dma_wait3A_712] : memref<128x200xi32, #tpu.memory_space<vmem>> -> memref<1x200xi32, #tpu.memory_space<vmem>>
    %dma_wait3A_714 = tpu.memref_squeeze %dma_wait3A_713 : memref<1x200xi32, #tpu.memory_space<vmem>> -> memref<200xi32, #tpu.memory_space<vmem>>
    %dma_wait3A_715 = arith.constant 0 : i32
    %dma_wait3A_716 = arith.constant 0 : i32
    %dma_wait3A_717 = tpu.memref_slice %arg3[%dma_wait3A_715, %dma_wait3A_716] : memref<1000000x64xf32, #tpu.memory_space<hbm>> -> memref<1000000x64xf32, #tpu.memory_space<hbm>>
    tpu.wait_indirect_dma semaphore(%arg11 : memref<!tpu.dma_semaphore, #tpu.memory_space<semaphore_mem>>) src(%dma_wait3A_717 : memref<1000000x64xf32, #tpu.memory_space<hbm>>) dst(%dma_wait3A_711 : memref<200x64xf32, #tpu.memory_space<vmem>>)
    %add3A_718 = arith.constant 124 : i32
    %add3A_719 = arith.addi %mul3A_2, %add3A_718 : i32
    %dma_start3A_720 = arith.constant 4 : i32
    %dma_start3A_721 = arith.constant 0 : i32
    %dma_start3A_722 = arith.constant 0 : i32
    %dma_start3A_723 = tpu.memref_slice %arg6[%dma_start3A_720, %dma_start3A_721, %dma_start3A_722] : memref<8x200x64xf32, #tpu.memory_space<vmem>> -> memref<1x200x64xf32, #tpu.memory_space<vmem>>
    %dma_start3A_724 = tpu.memref_squeeze %dma_start3A_723 : memref<1x200x64xf32, #tpu.memory_space<vmem>> -> memref<200x64xf32, #tpu.memory_space<vmem>>
    %dma_start3A_725 = arith.constant 0 : i32
    %dma_start3A_726 = arith.constant 0 : i32
    %dma_start3A_727 = tpu.memref_slice %arg4[%add3A_719, %dma_start3A_725, %dma_start3A_726] : memref<4096x200x64xf32, #tpu.memory_space<hbm>> -> memref<1x200x64xf32, #tpu.memory_space<hbm>>
    %dma_start3A_728 = tpu.memref_squeeze %dma_start3A_727 : memref<1x200x64xf32, #tpu.memory_space<hbm>> -> memref<200x64xf32, #tpu.memory_space<hbm>>
    %dma_start3A_729 = arith.constant 0 : i32
    %dma_start3A_730 = arith.constant 0 : i32
    %dma_start3A_731 = tpu.memref_slice %arg4[%add3A_719, %dma_start3A_729, %dma_start3A_730] : memref<4096x200x64xf32, #tpu.memory_space<hbm>> -> memref<1x200x64xf32, #tpu.memory_space<hbm>>
    %dma_start3A_732 = tpu.memref_squeeze %dma_start3A_731 : memref<1x200x64xf32, #tpu.memory_space<hbm>> -> memref<200x64xf32, #tpu.memory_space<hbm>>
    %dma_start3A_733 = arith.constant 0 : i32
    %dma_start3A_734 = arith.constant 0 : i32
    %dma_start3A_735 = tpu.memref_slice %arg6[%dma_start3A_720, %dma_start3A_733, %dma_start3A_734] : memref<8x200x64xf32, #tpu.memory_space<vmem>> -> memref<1x200x64xf32, #tpu.memory_space<vmem>>
    %dma_start3A_736 = tpu.memref_squeeze %dma_start3A_735 : memref<1x200x64xf32, #tpu.memory_space<vmem>> -> memref<200x64xf32, #tpu.memory_space<vmem>>
    tpu.enqueue_dma source(%dma_start3A_736 : memref<200x64xf32, #tpu.memory_space<vmem>>) target(%dma_start3A_732 : memref<200x64xf32, #tpu.memory_space<hbm>>) target_semaphore(%arg19 : memref<!tpu.dma_semaphore, #tpu.memory_space<semaphore_mem>>)
    %dma_wait3A_737 = arith.constant 0 : i32
    %dma_wait3A_738 = arith.constant 5 : i32
    %dma_wait3A_739 = arith.constant 0 : i32
    %dma_wait3A_740 = arith.constant 0 : i32
    %dma_wait3A_741 = tpu.memref_slice %arg6[%dma_wait3A_738, %dma_wait3A_739, %dma_wait3A_740] : memref<8x200x64xf32, #tpu.memory_space<vmem>> -> memref<1x200x64xf32, #tpu.memory_space<vmem>>
    %dma_wait3A_742 = tpu.memref_squeeze %dma_wait3A_741 : memref<1x200x64xf32, #tpu.memory_space<vmem>> -> memref<200x64xf32, #tpu.memory_space<vmem>>
    %dma_wait3A_743 = arith.constant 0 : i32
    %dma_wait3A_744 = tpu.memref_slice %arg5[%dma_wait3A_737, %dma_wait3A_743] : memref<128x200xi32, #tpu.memory_space<vmem>> -> memref<1x200xi32, #tpu.memory_space<vmem>>
    %dma_wait3A_745 = tpu.memref_squeeze %dma_wait3A_744 : memref<1x200xi32, #tpu.memory_space<vmem>> -> memref<200xi32, #tpu.memory_space<vmem>>
    %dma_wait3A_746 = arith.constant 0 : i32
    %dma_wait3A_747 = arith.constant 0 : i32
    %dma_wait3A_748 = tpu.memref_slice %arg3[%dma_wait3A_746, %dma_wait3A_747] : memref<1000000x64xf32, #tpu.memory_space<hbm>> -> memref<1000000x64xf32, #tpu.memory_space<hbm>>
    tpu.wait_indirect_dma semaphore(%arg12 : memref<!tpu.dma_semaphore, #tpu.memory_space<semaphore_mem>>) src(%dma_wait3A_748 : memref<1000000x64xf32, #tpu.memory_space<hbm>>) dst(%dma_wait3A_742 : memref<200x64xf32, #tpu.memory_space<vmem>>)
    %add3A_749 = arith.constant 125 : i32
    %add3A_750 = arith.addi %mul3A_2, %add3A_749 : i32
    %dma_start3A_751 = arith.constant 5 : i32
    %dma_start3A_752 = arith.constant 0 : i32
    %dma_start3A_753 = arith.constant 0 : i32
    %dma_start3A_754 = tpu.memref_slice %arg6[%dma_start3A_751, %dma_start3A_752, %dma_start3A_753] : memref<8x200x64xf32, #tpu.memory_space<vmem>> -> memref<1x200x64xf32, #tpu.memory_space<vmem>>
    %dma_start3A_755 = tpu.memref_squeeze %dma_start3A_754 : memref<1x200x64xf32, #tpu.memory_space<vmem>> -> memref<200x64xf32, #tpu.memory_space<vmem>>
    %dma_start3A_756 = arith.constant 0 : i32
    %dma_start3A_757 = arith.constant 0 : i32
    %dma_start3A_758 = tpu.memref_slice %arg4[%add3A_750, %dma_start3A_756, %dma_start3A_757] : memref<4096x200x64xf32, #tpu.memory_space<hbm>> -> memref<1x200x64xf32, #tpu.memory_space<hbm>>
    %dma_start3A_759 = tpu.memref_squeeze %dma_start3A_758 : memref<1x200x64xf32, #tpu.memory_space<hbm>> -> memref<200x64xf32, #tpu.memory_space<hbm>>
    %dma_start3A_760 = arith.constant 0 : i32
    %dma_start3A_761 = arith.constant 0 : i32
    %dma_start3A_762 = tpu.memref_slice %arg4[%add3A_750, %dma_start3A_760, %dma_start3A_761] : memref<4096x200x64xf32, #tpu.memory_space<hbm>> -> memref<1x200x64xf32, #tpu.memory_space<hbm>>
    %dma_start3A_763 = tpu.memref_squeeze %dma_start3A_762 : memref<1x200x64xf32, #tpu.memory_space<hbm>> -> memref<200x64xf32, #tpu.memory_space<hbm>>
    %dma_start3A_764 = arith.constant 0 : i32
    %dma_start3A_765 = arith.constant 0 : i32
    %dma_start3A_766 = tpu.memref_slice %arg6[%dma_start3A_751, %dma_start3A_764, %dma_start3A_765] : memref<8x200x64xf32, #tpu.memory_space<vmem>> -> memref<1x200x64xf32, #tpu.memory_space<vmem>>
    %dma_start3A_767 = tpu.memref_squeeze %dma_start3A_766 : memref<1x200x64xf32, #tpu.memory_space<vmem>> -> memref<200x64xf32, #tpu.memory_space<vmem>>
    tpu.enqueue_dma source(%dma_start3A_767 : memref<200x64xf32, #tpu.memory_space<vmem>>) target(%dma_start3A_763 : memref<200x64xf32, #tpu.memory_space<hbm>>) target_semaphore(%arg20 : memref<!tpu.dma_semaphore, #tpu.memory_space<semaphore_mem>>)
    %dma_wait3A_768 = arith.constant 0 : i32
    %dma_wait3A_769 = arith.constant 6 : i32
    %dma_wait3A_770 = arith.constant 0 : i32
    %dma_wait3A_771 = arith.constant 0 : i32
    %dma_wait3A_772 = tpu.memref_slice %arg6[%dma_wait3A_769, %dma_wait3A_770, %dma_wait3A_771] : memref<8x200x64xf32, #tpu.memory_space<vmem>> -> memref<1x200x64xf32, #tpu.memory_space<vmem>>
    %dma_wait3A_773 = tpu.memref_squeeze %dma_wait3A_772 : memref<1x200x64xf32, #tpu.memory_space<vmem>> -> memref<200x64xf32, #tpu.memory_space<vmem>>
    %dma_wait3A_774 = arith.constant 0 : i32
    %dma_wait3A_775 = tpu.memref_slice %arg5[%dma_wait3A_768, %dma_wait3A_774] : memref<128x200xi32, #tpu.memory_space<vmem>> -> memref<1x200xi32, #tpu.memory_space<vmem>>
    %dma_wait3A_776 = tpu.memref_squeeze %dma_wait3A_775 : memref<1x200xi32, #tpu.memory_space<vmem>> -> memref<200xi32, #tpu.memory_space<vmem>>
    %dma_wait3A_777 = arith.constant 0 : i32
    %dma_wait3A_778 = arith.constant 0 : i32
    %dma_wait3A_779 = tpu.memref_slice %arg3[%dma_wait3A_777, %dma_wait3A_778] : memref<1000000x64xf32, #tpu.memory_space<hbm>> -> memref<1000000x64xf32, #tpu.memory_space<hbm>>
    tpu.wait_indirect_dma semaphore(%arg13 : memref<!tpu.dma_semaphore, #tpu.memory_space<semaphore_mem>>) src(%dma_wait3A_779 : memref<1000000x64xf32, #tpu.memory_space<hbm>>) dst(%dma_wait3A_773 : memref<200x64xf32, #tpu.memory_space<vmem>>)
    %add3A_780 = arith.constant 126 : i32
    %add3A_781 = arith.addi %mul3A_2, %add3A_780 : i32
    %dma_start3A_782 = arith.constant 6 : i32
    %dma_start3A_783 = arith.constant 0 : i32
    %dma_start3A_784 = arith.constant 0 : i32
    %dma_start3A_785 = tpu.memref_slice %arg6[%dma_start3A_782, %dma_start3A_783, %dma_start3A_784] : memref<8x200x64xf32, #tpu.memory_space<vmem>> -> memref<1x200x64xf32, #tpu.memory_space<vmem>>
    %dma_start3A_786 = tpu.memref_squeeze %dma_start3A_785 : memref<1x200x64xf32, #tpu.memory_space<vmem>> -> memref<200x64xf32, #tpu.memory_space<vmem>>
    %dma_start3A_787 = arith.constant 0 : i32
    %dma_start3A_788 = arith.constant 0 : i32
    %dma_start3A_789 = tpu.memref_slice %arg4[%add3A_781, %dma_start3A_787, %dma_start3A_788] : memref<4096x200x64xf32, #tpu.memory_space<hbm>> -> memref<1x200x64xf32, #tpu.memory_space<hbm>>
    %dma_start3A_790 = tpu.memref_squeeze %dma_start3A_789 : memref<1x200x64xf32, #tpu.memory_space<hbm>> -> memref<200x64xf32, #tpu.memory_space<hbm>>
    %dma_start3A_791 = arith.constant 0 : i32
    %dma_start3A_792 = arith.constant 0 : i32
    %dma_start3A_793 = tpu.memref_slice %arg4[%add3A_781, %dma_start3A_791, %dma_start3A_792] : memref<4096x200x64xf32, #tpu.memory_space<hbm>> -> memref<1x200x64xf32, #tpu.memory_space<hbm>>
    %dma_start3A_794 = tpu.memref_squeeze %dma_start3A_793 : memref<1x200x64xf32, #tpu.memory_space<hbm>> -> memref<200x64xf32, #tpu.memory_space<hbm>>
    %dma_start3A_795 = arith.constant 0 : i32
    %dma_start3A_796 = arith.constant 0 : i32
    %dma_start3A_797 = tpu.memref_slice %arg6[%dma_start3A_782, %dma_start3A_795, %dma_start3A_796] : memref<8x200x64xf32, #tpu.memory_space<vmem>> -> memref<1x200x64xf32, #tpu.memory_space<vmem>>
    %dma_start3A_798 = tpu.memref_squeeze %dma_start3A_797 : memref<1x200x64xf32, #tpu.memory_space<vmem>> -> memref<200x64xf32, #tpu.memory_space<vmem>>
    tpu.enqueue_dma source(%dma_start3A_798 : memref<200x64xf32, #tpu.memory_space<vmem>>) target(%dma_start3A_794 : memref<200x64xf32, #tpu.memory_space<hbm>>) target_semaphore(%arg21 : memref<!tpu.dma_semaphore, #tpu.memory_space<semaphore_mem>>)
    %dma_wait3A_799 = arith.constant 0 : i32
    %dma_wait3A_800 = arith.constant 7 : i32
    %dma_wait3A_801 = arith.constant 0 : i32
    %dma_wait3A_802 = arith.constant 0 : i32
    %dma_wait3A_803 = tpu.memref_slice %arg6[%dma_wait3A_800, %dma_wait3A_801, %dma_wait3A_802] : memref<8x200x64xf32, #tpu.memory_space<vmem>> -> memref<1x200x64xf32, #tpu.memory_space<vmem>>
    %dma_wait3A_804 = tpu.memref_squeeze %dma_wait3A_803 : memref<1x200x64xf32, #tpu.memory_space<vmem>> -> memref<200x64xf32, #tpu.memory_space<vmem>>
    %dma_wait3A_805 = arith.constant 0 : i32
    %dma_wait3A_806 = tpu.memref_slice %arg5[%dma_wait3A_799, %dma_wait3A_805] : memref<128x200xi32, #tpu.memory_space<vmem>> -> memref<1x200xi32, #tpu.memory_space<vmem>>
    %dma_wait3A_807 = tpu.memref_squeeze %dma_wait3A_806 : memref<1x200xi32, #tpu.memory_space<vmem>> -> memref<200xi32, #tpu.memory_space<vmem>>
    %dma_wait3A_808 = arith.constant 0 : i32
    %dma_wait3A_809 = arith.constant 0 : i32
    %dma_wait3A_810 = tpu.memref_slice %arg3[%dma_wait3A_808, %dma_wait3A_809] : memref<1000000x64xf32, #tpu.memory_space<hbm>> -> memref<1000000x64xf32, #tpu.memory_space<hbm>>
    tpu.wait_indirect_dma semaphore(%arg14 : memref<!tpu.dma_semaphore, #tpu.memory_space<semaphore_mem>>) src(%dma_wait3A_810 : memref<1000000x64xf32, #tpu.memory_space<hbm>>) dst(%dma_wait3A_804 : memref<200x64xf32, #tpu.memory_space<vmem>>)
    %add3A_811 = arith.constant 127 : i32
    %add3A_812 = arith.addi %mul3A_2, %add3A_811 : i32
    %dma_start3A_813 = arith.constant 7 : i32
    %dma_start3A_814 = arith.constant 0 : i32
    %dma_start3A_815 = arith.constant 0 : i32
    %dma_start3A_816 = tpu.memref_slice %arg6[%dma_start3A_813, %dma_start3A_814, %dma_start3A_815] : memref<8x200x64xf32, #tpu.memory_space<vmem>> -> memref<1x200x64xf32, #tpu.memory_space<vmem>>
    %dma_start3A_817 = tpu.memref_squeeze %dma_start3A_816 : memref<1x200x64xf32, #tpu.memory_space<vmem>> -> memref<200x64xf32, #tpu.memory_space<vmem>>
    %dma_start3A_818 = arith.constant 0 : i32
    %dma_start3A_819 = arith.constant 0 : i32
    %dma_start3A_820 = tpu.memref_slice %arg4[%add3A_812, %dma_start3A_818, %dma_start3A_819] : memref<4096x200x64xf32, #tpu.memory_space<hbm>> -> memref<1x200x64xf32, #tpu.memory_space<hbm>>
    %dma_start3A_821 = tpu.memref_squeeze %dma_start3A_820 : memref<1x200x64xf32, #tpu.memory_space<hbm>> -> memref<200x64xf32, #tpu.memory_space<hbm>>
    %dma_start3A_822 = arith.constant 0 : i32
    %dma_start3A_823 = arith.constant 0 : i32
    %dma_start3A_824 = tpu.memref_slice %arg4[%add3A_812, %dma_start3A_822, %dma_start3A_823] : memref<4096x200x64xf32, #tpu.memory_space<hbm>> -> memref<1x200x64xf32, #tpu.memory_space<hbm>>
    %dma_start3A_825 = tpu.memref_squeeze %dma_start3A_824 : memref<1x200x64xf32, #tpu.memory_space<hbm>> -> memref<200x64xf32, #tpu.memory_space<hbm>>
    %dma_start3A_826 = arith.constant 0 : i32
    %dma_start3A_827 = arith.constant 0 : i32
    %dma_start3A_828 = tpu.memref_slice %arg6[%dma_start3A_813, %dma_start3A_826, %dma_start3A_827] : memref<8x200x64xf32, #tpu.memory_space<vmem>> -> memref<1x200x64xf32, #tpu.memory_space<vmem>>
    %dma_start3A_829 = tpu.memref_squeeze %dma_start3A_828 : memref<1x200x64xf32, #tpu.memory_space<vmem>> -> memref<200x64xf32, #tpu.memory_space<vmem>>
    tpu.enqueue_dma source(%dma_start3A_829 : memref<200x64xf32, #tpu.memory_space<vmem>>) target(%dma_start3A_825 : memref<200x64xf32, #tpu.memory_space<hbm>>) target_semaphore(%arg22 : memref<!tpu.dma_semaphore, #tpu.memory_space<semaphore_mem>>)
    %dma_wait3A_830 = arith.constant 0 : i32
    %dma_wait3A_831 = arith.constant 0 : i32
    %dma_wait3A_832 = arith.constant 0 : i32
    %dma_wait3A_833 = tpu.memref_slice %arg6[%dma_wait3A_830, %dma_wait3A_831, %dma_wait3A_832] : memref<8x200x64xf32, #tpu.memory_space<vmem>> -> memref<1x200x64xf32, #tpu.memory_space<vmem>>
    %dma_wait3A_834 = tpu.memref_squeeze %dma_wait3A_833 : memref<1x200x64xf32, #tpu.memory_space<vmem>> -> memref<200x64xf32, #tpu.memory_space<vmem>>
    %dma_wait3A_835 = arith.constant 0 : i32
    %dma_wait3A_836 = arith.constant 0 : i32
    %dma_wait3A_837 = tpu.memref_slice %arg4[%mul3A_2, %dma_wait3A_835, %dma_wait3A_836] : memref<4096x200x64xf32, #tpu.memory_space<hbm>> -> memref<1x200x64xf32, #tpu.memory_space<hbm>>
    %dma_wait3A_838 = tpu.memref_squeeze %dma_wait3A_837 : memref<1x200x64xf32, #tpu.memory_space<hbm>> -> memref<200x64xf32, #tpu.memory_space<hbm>>
    %dma_wait3A_839 = arith.constant 0 : i32
    %dma_wait3A_840 = arith.constant 0 : i32
    %dma_wait3A_841 = tpu.memref_slice %arg4[%mul3A_2, %dma_wait3A_839, %dma_wait3A_840] : memref<4096x200x64xf32, #tpu.memory_space<hbm>> -> memref<1x200x64xf32, #tpu.memory_space<hbm>>
    %dma_wait3A_842 = tpu.memref_squeeze %dma_wait3A_841 : memref<1x200x64xf32, #tpu.memory_space<hbm>> -> memref<200x64xf32, #tpu.memory_space<hbm>>
    %dma_wait3A_843 = arith.constant 0 : i32
    %dma_wait3A_844 = arith.constant 0 : i32
    %dma_wait3A_845 = tpu.memref_slice %arg6[%dma_wait3A_830, %dma_wait3A_843, %dma_wait3A_844] : memref<8x200x64xf32, #tpu.memory_space<vmem>> -> memref<1x200x64xf32, #tpu.memory_space<vmem>>
    %dma_wait3A_846 = tpu.memref_squeeze %dma_wait3A_845 : memref<1x200x64xf32, #tpu.memory_space<vmem>> -> memref<200x64xf32, #tpu.memory_space<vmem>>
    tpu.wait_dma2 semaphore(%arg15 : memref<!tpu.dma_semaphore, #tpu.memory_space<semaphore_mem>>) src(%dma_wait3A_846 : memref<200x64xf32, #tpu.memory_space<vmem>>) dst(%dma_wait3A_842 : memref<200x64xf32, #tpu.memory_space<hbm>>)
    %dma_wait3A_847 = arith.constant 1 : i32
    %dma_wait3A_848 = arith.constant 0 : i32
    %dma_wait3A_849 = arith.constant 0 : i32
    %dma_wait3A_850 = tpu.memref_slice %arg6[%dma_wait3A_847, %dma_wait3A_848, %dma_wait3A_849] : memref<8x200x64xf32, #tpu.memory_space<vmem>> -> memref<1x200x64xf32, #tpu.memory_space<vmem>>
    %dma_wait3A_851 = tpu.memref_squeeze %dma_wait3A_850 : memref<1x200x64xf32, #tpu.memory_space<vmem>> -> memref<200x64xf32, #tpu.memory_space<vmem>>
    %dma_wait3A_852 = arith.constant 0 : i32
    %dma_wait3A_853 = arith.constant 0 : i32
    %dma_wait3A_854 = tpu.memref_slice %arg4[%mul3A_2, %dma_wait3A_852, %dma_wait3A_853] : memref<4096x200x64xf32, #tpu.memory_space<hbm>> -> memref<1x200x64xf32, #tpu.memory_space<hbm>>
    %dma_wait3A_855 = tpu.memref_squeeze %dma_wait3A_854 : memref<1x200x64xf32, #tpu.memory_space<hbm>> -> memref<200x64xf32, #tpu.memory_space<hbm>>
    %dma_wait3A_856 = arith.constant 0 : i32
    %dma_wait3A_857 = arith.constant 0 : i32
    %dma_wait3A_858 = tpu.memref_slice %arg4[%mul3A_2, %dma_wait3A_856, %dma_wait3A_857] : memref<4096x200x64xf32, #tpu.memory_space<hbm>> -> memref<1x200x64xf32, #tpu.memory_space<hbm>>
    %dma_wait3A_859 = tpu.memref_squeeze %dma_wait3A_858 : memref<1x200x64xf32, #tpu.memory_space<hbm>> -> memref<200x64xf32, #tpu.memory_space<hbm>>
    %dma_wait3A_860 = arith.constant 0 : i32
    %dma_wait3A_861 = arith.constant 0 : i32
    %dma_wait3A_862 = tpu.memref_slice %arg6[%dma_wait3A_847, %dma_wait3A_860, %dma_wait3A_861] : memref<8x200x64xf32, #tpu.memory_space<vmem>> -> memref<1x200x64xf32, #tpu.memory_space<vmem>>
    %dma_wait3A_863 = tpu.memref_squeeze %dma_wait3A_862 : memref<1x200x64xf32, #tpu.memory_space<vmem>> -> memref<200x64xf32, #tpu.memory_space<vmem>>
    tpu.wait_dma2 semaphore(%arg16 : memref<!tpu.dma_semaphore, #tpu.memory_space<semaphore_mem>>) src(%dma_wait3A_863 : memref<200x64xf32, #tpu.memory_space<vmem>>) dst(%dma_wait3A_859 : memref<200x64xf32, #tpu.memory_space<hbm>>)
    %dma_wait3A_864 = arith.constant 2 : i32
    %dma_wait3A_865 = arith.constant 0 : i32
    %dma_wait3A_866 = arith.constant 0 : i32
    %dma_wait3A_867 = tpu.memref_slice %arg6[%dma_wait3A_864, %dma_wait3A_865, %dma_wait3A_866] : memref<8x200x64xf32, #tpu.memory_space<vmem>> -> memref<1x200x64xf32, #tpu.memory_space<vmem>>
    %dma_wait3A_868 = tpu.memref_squeeze %dma_wait3A_867 : memref<1x200x64xf32, #tpu.memory_space<vmem>> -> memref<200x64xf32, #tpu.memory_space<vmem>>
    %dma_wait3A_869 = arith.constant 0 : i32
    %dma_wait3A_870 = arith.constant 0 : i32
    %dma_wait3A_871 = tpu.memref_slice %arg4[%mul3A_2, %dma_wait3A_869, %dma_wait3A_870] : memref<4096x200x64xf32, #tpu.memory_space<hbm>> -> memref<1x200x64xf32, #tpu.memory_space<hbm>>
    %dma_wait3A_872 = tpu.memref_squeeze %dma_wait3A_871 : memref<1x200x64xf32, #tpu.memory_space<hbm>> -> memref<200x64xf32, #tpu.memory_space<hbm>>
    %dma_wait3A_873 = arith.constant 0 : i32
    %dma_wait3A_874 = arith.constant 0 : i32
    %dma_wait3A_875 = tpu.memref_slice %arg4[%mul3A_2, %dma_wait3A_873, %dma_wait3A_874] : memref<4096x200x64xf32, #tpu.memory_space<hbm>> -> memref<1x200x64xf32, #tpu.memory_space<hbm>>
    %dma_wait3A_876 = tpu.memref_squeeze %dma_wait3A_875 : memref<1x200x64xf32, #tpu.memory_space<hbm>> -> memref<200x64xf32, #tpu.memory_space<hbm>>
    %dma_wait3A_877 = arith.constant 0 : i32
    %dma_wait3A_878 = arith.constant 0 : i32
    %dma_wait3A_879 = tpu.memref_slice %arg6[%dma_wait3A_864, %dma_wait3A_877, %dma_wait3A_878] : memref<8x200x64xf32, #tpu.memory_space<vmem>> -> memref<1x200x64xf32, #tpu.memory_space<vmem>>
    %dma_wait3A_880 = tpu.memref_squeeze %dma_wait3A_879 : memref<1x200x64xf32, #tpu.memory_space<vmem>> -> memref<200x64xf32, #tpu.memory_space<vmem>>
    tpu.wait_dma2 semaphore(%arg17 : memref<!tpu.dma_semaphore, #tpu.memory_space<semaphore_mem>>) src(%dma_wait3A_880 : memref<200x64xf32, #tpu.memory_space<vmem>>) dst(%dma_wait3A_876 : memref<200x64xf32, #tpu.memory_space<hbm>>)
    %dma_wait3A_881 = arith.constant 3 : i32
    %dma_wait3A_882 = arith.constant 0 : i32
    %dma_wait3A_883 = arith.constant 0 : i32
    %dma_wait3A_884 = tpu.memref_slice %arg6[%dma_wait3A_881, %dma_wait3A_882, %dma_wait3A_883] : memref<8x200x64xf32, #tpu.memory_space<vmem>> -> memref<1x200x64xf32, #tpu.memory_space<vmem>>
    %dma_wait3A_885 = tpu.memref_squeeze %dma_wait3A_884 : memref<1x200x64xf32, #tpu.memory_space<vmem>> -> memref<200x64xf32, #tpu.memory_space<vmem>>
    %dma_wait3A_886 = arith.constant 0 : i32
    %dma_wait3A_887 = arith.constant 0 : i32
    %dma_wait3A_888 = tpu.memref_slice %arg4[%mul3A_2, %dma_wait3A_886, %dma_wait3A_887] : memref<4096x200x64xf32, #tpu.memory_space<hbm>> -> memref<1x200x64xf32, #tpu.memory_space<hbm>>
    %dma_wait3A_889 = tpu.memref_squeeze %dma_wait3A_888 : memref<1x200x64xf32, #tpu.memory_space<hbm>> -> memref<200x64xf32, #tpu.memory_space<hbm>>
    %dma_wait3A_890 = arith.constant 0 : i32
    %dma_wait3A_891 = arith.constant 0 : i32
    %dma_wait3A_892 = tpu.memref_slice %arg4[%mul3A_2, %dma_wait3A_890, %dma_wait3A_891] : memref<4096x200x64xf32, #tpu.memory_space<hbm>> -> memref<1x200x64xf32, #tpu.memory_space<hbm>>
    %dma_wait3A_893 = tpu.memref_squeeze %dma_wait3A_892 : memref<1x200x64xf32, #tpu.memory_space<hbm>> -> memref<200x64xf32, #tpu.memory_space<hbm>>
    %dma_wait3A_894 = arith.constant 0 : i32
    %dma_wait3A_895 = arith.constant 0 : i32
    %dma_wait3A_896 = tpu.memref_slice %arg6[%dma_wait3A_881, %dma_wait3A_894, %dma_wait3A_895] : memref<8x200x64xf32, #tpu.memory_space<vmem>> -> memref<1x200x64xf32, #tpu.memory_space<vmem>>
    %dma_wait3A_897 = tpu.memref_squeeze %dma_wait3A_896 : memref<1x200x64xf32, #tpu.memory_space<vmem>> -> memref<200x64xf32, #tpu.memory_space<vmem>>
    tpu.wait_dma2 semaphore(%arg18 : memref<!tpu.dma_semaphore, #tpu.memory_space<semaphore_mem>>) src(%dma_wait3A_897 : memref<200x64xf32, #tpu.memory_space<vmem>>) dst(%dma_wait3A_893 : memref<200x64xf32, #tpu.memory_space<hbm>>)
    %dma_wait3A_898 = arith.constant 4 : i32
    %dma_wait3A_899 = arith.constant 0 : i32
    %dma_wait3A_900 = arith.constant 0 : i32
    %dma_wait3A_901 = tpu.memref_slice %arg6[%dma_wait3A_898, %dma_wait3A_899, %dma_wait3A_900] : memref<8x200x64xf32, #tpu.memory_space<vmem>> -> memref<1x200x64xf32, #tpu.memory_space<vmem>>
    %dma_wait3A_902 = tpu.memref_squeeze %dma_wait3A_901 : memref<1x200x64xf32, #tpu.memory_space<vmem>> -> memref<200x64xf32, #tpu.memory_space<vmem>>
    %dma_wait3A_903 = arith.constant 0 : i32
    %dma_wait3A_904 = arith.constant 0 : i32
    %dma_wait3A_905 = tpu.memref_slice %arg4[%mul3A_2, %dma_wait3A_903, %dma_wait3A_904] : memref<4096x200x64xf32, #tpu.memory_space<hbm>> -> memref<1x200x64xf32, #tpu.memory_space<hbm>>
    %dma_wait3A_906 = tpu.memref_squeeze %dma_wait3A_905 : memref<1x200x64xf32, #tpu.memory_space<hbm>> -> memref<200x64xf32, #tpu.memory_space<hbm>>
    %dma_wait3A_907 = arith.constant 0 : i32
    %dma_wait3A_908 = arith.constant 0 : i32
    %dma_wait3A_909 = tpu.memref_slice %arg4[%mul3A_2, %dma_wait3A_907, %dma_wait3A_908] : memref<4096x200x64xf32, #tpu.memory_space<hbm>> -> memref<1x200x64xf32, #tpu.memory_space<hbm>>
    %dma_wait3A_910 = tpu.memref_squeeze %dma_wait3A_909 : memref<1x200x64xf32, #tpu.memory_space<hbm>> -> memref<200x64xf32, #tpu.memory_space<hbm>>
    %dma_wait3A_911 = arith.constant 0 : i32
    %dma_wait3A_912 = arith.constant 0 : i32
    %dma_wait3A_913 = tpu.memref_slice %arg6[%dma_wait3A_898, %dma_wait3A_911, %dma_wait3A_912] : memref<8x200x64xf32, #tpu.memory_space<vmem>> -> memref<1x200x64xf32, #tpu.memory_space<vmem>>
    %dma_wait3A_914 = tpu.memref_squeeze %dma_wait3A_913 : memref<1x200x64xf32, #tpu.memory_space<vmem>> -> memref<200x64xf32, #tpu.memory_space<vmem>>
    tpu.wait_dma2 semaphore(%arg19 : memref<!tpu.dma_semaphore, #tpu.memory_space<semaphore_mem>>) src(%dma_wait3A_914 : memref<200x64xf32, #tpu.memory_space<vmem>>) dst(%dma_wait3A_910 : memref<200x64xf32, #tpu.memory_space<hbm>>)
    %dma_wait3A_915 = arith.constant 5 : i32
    %dma_wait3A_916 = arith.constant 0 : i32
    %dma_wait3A_917 = arith.constant 0 : i32
    %dma_wait3A_918 = tpu.memref_slice %arg6[%dma_wait3A_915, %dma_wait3A_916, %dma_wait3A_917] : memref<8x200x64xf32, #tpu.memory_space<vmem>> -> memref<1x200x64xf32, #tpu.memory_space<vmem>>
    %dma_wait3A_919 = tpu.memref_squeeze %dma_wait3A_918 : memref<1x200x64xf32, #tpu.memory_space<vmem>> -> memref<200x64xf32, #tpu.memory_space<vmem>>
    %dma_wait3A_920 = arith.constant 0 : i32
    %dma_wait3A_921 = arith.constant 0 : i32
    %dma_wait3A_922 = tpu.memref_slice %arg4[%mul3A_2, %dma_wait3A_920, %dma_wait3A_921] : memref<4096x200x64xf32, #tpu.memory_space<hbm>> -> memref<1x200x64xf32, #tpu.memory_space<hbm>>
    %dma_wait3A_923 = tpu.memref_squeeze %dma_wait3A_922 : memref<1x200x64xf32, #tpu.memory_space<hbm>> -> memref<200x64xf32, #tpu.memory_space<hbm>>
    %dma_wait3A_924 = arith.constant 0 : i32
    %dma_wait3A_925 = arith.constant 0 : i32
    %dma_wait3A_926 = tpu.memref_slice %arg4[%mul3A_2, %dma_wait3A_924, %dma_wait3A_925] : memref<4096x200x64xf32, #tpu.memory_space<hbm>> -> memref<1x200x64xf32, #tpu.memory_space<hbm>>
    %dma_wait3A_927 = tpu.memref_squeeze %dma_wait3A_926 : memref<1x200x64xf32, #tpu.memory_space<hbm>> -> memref<200x64xf32, #tpu.memory_space<hbm>>
    %dma_wait3A_928 = arith.constant 0 : i32
    %dma_wait3A_929 = arith.constant 0 : i32
    %dma_wait3A_930 = tpu.memref_slice %arg6[%dma_wait3A_915, %dma_wait3A_928, %dma_wait3A_929] : memref<8x200x64xf32, #tpu.memory_space<vmem>> -> memref<1x200x64xf32, #tpu.memory_space<vmem>>
    %dma_wait3A_931 = tpu.memref_squeeze %dma_wait3A_930 : memref<1x200x64xf32, #tpu.memory_space<vmem>> -> memref<200x64xf32, #tpu.memory_space<vmem>>
    tpu.wait_dma2 semaphore(%arg20 : memref<!tpu.dma_semaphore, #tpu.memory_space<semaphore_mem>>) src(%dma_wait3A_931 : memref<200x64xf32, #tpu.memory_space<vmem>>) dst(%dma_wait3A_927 : memref<200x64xf32, #tpu.memory_space<hbm>>)
    %dma_wait3A_932 = arith.constant 6 : i32
    %dma_wait3A_933 = arith.constant 0 : i32
    %dma_wait3A_934 = arith.constant 0 : i32
    %dma_wait3A_935 = tpu.memref_slice %arg6[%dma_wait3A_932, %dma_wait3A_933, %dma_wait3A_934] : memref<8x200x64xf32, #tpu.memory_space<vmem>> -> memref<1x200x64xf32, #tpu.memory_space<vmem>>
    %dma_wait3A_936 = tpu.memref_squeeze %dma_wait3A_935 : memref<1x200x64xf32, #tpu.memory_space<vmem>> -> memref<200x64xf32, #tpu.memory_space<vmem>>
    %dma_wait3A_937 = arith.constant 0 : i32
    %dma_wait3A_938 = arith.constant 0 : i32
    %dma_wait3A_939 = tpu.memref_slice %arg4[%mul3A_2, %dma_wait3A_937, %dma_wait3A_938] : memref<4096x200x64xf32, #tpu.memory_space<hbm>> -> memref<1x200x64xf32, #tpu.memory_space<hbm>>
    %dma_wait3A_940 = tpu.memref_squeeze %dma_wait3A_939 : memref<1x200x64xf32, #tpu.memory_space<hbm>> -> memref<200x64xf32, #tpu.memory_space<hbm>>
    %dma_wait3A_941 = arith.constant 0 : i32
    %dma_wait3A_942 = arith.constant 0 : i32
    %dma_wait3A_943 = tpu.memref_slice %arg4[%mul3A_2, %dma_wait3A_941, %dma_wait3A_942] : memref<4096x200x64xf32, #tpu.memory_space<hbm>> -> memref<1x200x64xf32, #tpu.memory_space<hbm>>
    %dma_wait3A_944 = tpu.memref_squeeze %dma_wait3A_943 : memref<1x200x64xf32, #tpu.memory_space<hbm>> -> memref<200x64xf32, #tpu.memory_space<hbm>>
    %dma_wait3A_945 = arith.constant 0 : i32
    %dma_wait3A_946 = arith.constant 0 : i32
    %dma_wait3A_947 = tpu.memref_slice %arg6[%dma_wait3A_932, %dma_wait3A_945, %dma_wait3A_946] : memref<8x200x64xf32, #tpu.memory_space<vmem>> -> memref<1x200x64xf32, #tpu.memory_space<vmem>>
    %dma_wait3A_948 = tpu.memref_squeeze %dma_wait3A_947 : memref<1x200x64xf32, #tpu.memory_space<vmem>> -> memref<200x64xf32, #tpu.memory_space<vmem>>
    tpu.wait_dma2 semaphore(%arg21 : memref<!tpu.dma_semaphore, #tpu.memory_space<semaphore_mem>>) src(%dma_wait3A_948 : memref<200x64xf32, #tpu.memory_space<vmem>>) dst(%dma_wait3A_944 : memref<200x64xf32, #tpu.memory_space<hbm>>)
    %dma_wait3A_949 = arith.constant 7 : i32
    %dma_wait3A_950 = arith.constant 0 : i32
    %dma_wait3A_951 = arith.constant 0 : i32
    %dma_wait3A_952 = tpu.memref_slice %arg6[%dma_wait3A_949, %dma_wait3A_950, %dma_wait3A_951] : memref<8x200x64xf32, #tpu.memory_space<vmem>> -> memref<1x200x64xf32, #tpu.memory_space<vmem>>
    %dma_wait3A_953 = tpu.memref_squeeze %dma_wait3A_952 : memref<1x200x64xf32, #tpu.memory_space<vmem>> -> memref<200x64xf32, #tpu.memory_space<vmem>>
    %dma_wait3A_954 = arith.constant 0 : i32
    %dma_wait3A_955 = arith.constant 0 : i32
    %dma_wait3A_956 = tpu.memref_slice %arg4[%mul3A_2, %dma_wait3A_954, %dma_wait3A_955] : memref<4096x200x64xf32, #tpu.memory_space<hbm>> -> memref<1x200x64xf32, #tpu.memory_space<hbm>>
    %dma_wait3A_957 = tpu.memref_squeeze %dma_wait3A_956 : memref<1x200x64xf32, #tpu.memory_space<hbm>> -> memref<200x64xf32, #tpu.memory_space<hbm>>
    %dma_wait3A_958 = arith.constant 0 : i32
    %dma_wait3A_959 = arith.constant 0 : i32
    %dma_wait3A_960 = tpu.memref_slice %arg4[%mul3A_2, %dma_wait3A_958, %dma_wait3A_959] : memref<4096x200x64xf32, #tpu.memory_space<hbm>> -> memref<1x200x64xf32, #tpu.memory_space<hbm>>
    %dma_wait3A_961 = tpu.memref_squeeze %dma_wait3A_960 : memref<1x200x64xf32, #tpu.memory_space<hbm>> -> memref<200x64xf32, #tpu.memory_space<hbm>>
    %dma_wait3A_962 = arith.constant 0 : i32
    %dma_wait3A_963 = arith.constant 0 : i32
    %dma_wait3A_964 = tpu.memref_slice %arg6[%dma_wait3A_949, %dma_wait3A_962, %dma_wait3A_963] : memref<8x200x64xf32, #tpu.memory_space<vmem>> -> memref<1x200x64xf32, #tpu.memory_space<vmem>>
    %dma_wait3A_965 = tpu.memref_squeeze %dma_wait3A_964 : memref<1x200x64xf32, #tpu.memory_space<vmem>> -> memref<200x64xf32, #tpu.memory_space<vmem>>
    tpu.wait_dma2 semaphore(%arg22 : memref<!tpu.dma_semaphore, #tpu.memory_space<semaphore_mem>>) src(%dma_wait3A_965 : memref<200x64xf32, #tpu.memory_space<vmem>>) dst(%dma_wait3A_961 : memref<200x64xf32, #tpu.memory_space<hbm>>)
    return
  }
}

</mosaic_0001>

<sc_bundles>
// kernel: kernel.3.cloned.1.call-start
scs
__scs_entry_jumppad:
0x0: {  	(pc) =	sbr.rel $0x88, $3  }
0x1: {  	(tag) =	ssettag $0x0;
	lr =	simm.s32 $0x1  }
0x2: {  	[smem:$0x3F9F] =	sst lr;
	_ =	strace $0xD0000000  }
0x3: {  	_ = 	snop  }
0x4: {  	_ = 	snop  }
0x5: {  	_ = 	snop  }
0x6: {  	_ = 	snop  }
0x7: {  	_ = 	snop  }
__scs_overlays_trampoline_lowered:
0x8: {  	[smem:$0x3FAE] =	sst s0  }
0x9: {  	[smem:$0x3FAF] =	sst s1  }
0xa: {  	[smem:$0x3FB0] =	sst s2  }
0xb: {  	[smem:$0x3FB1] =	sst s3  }
0xc: {  	[smem:$0x3FB2] =	sst s4  }
0xd: {  	[smem:$0x3FB3] =	sst s5  }
0xe: {  	[smem:$0x3FB4] =	sst s6  }
0xf: {  	[smem:$0x3FB5] =	sst s7  }
0x10: {  	[smem:$0x3FB6] =	sst s8  }
0x11: {  	[smem:$0x3FB7] =	sst s9;
	s0 =	simm.s32 @!p0 $0x0  }
0x12: {  	s1 =	sld [smem:$0x3F9D];
	s0 =	simm.s32 @p0 $0x1  }
0x13: {  	[smem:$0x3FB8] =	sst s0;
	s0 =	simm.s32 @!p1 $0x0  }
0x14: {  	s2 =	sld [smem:$0x3F9C];
	s0 =	simm.s32 @p1 $0x1  }
0x15: {  	[smem:$0x3FB9] =	sst s0;
	s0 =	simm.s32 @!p2 $0x0  }
0x16: {  	s3 =	sld [smem:$0x3FDB];
	s0 =	simm.s32 @p2 $0x1  }
0x17: {  	s4 =	simm.s32 $0x1BF5;
	[smem:$0x3FBB] =	sst s0  }
0x18: {  	s0 =	sld [smem:$0x3F9E];
	_ =	swait.ge [sflag:s4], $0x0  }
0x19: {  	s7 =	sld [smem:$0x3F9F]  }
0x1a: {  	s8 =	sadd.s32 $0xFFFFE003, lr  }
0x1b: {  	s9 =	sadd.s32 $0xFFFFFEF7, lr;
	s5 =	simm.s32 $0xFFFFFFFF;
	p2 =	slt.u32 s8, $0xFFFFF086  }
0x1c: {  	p1 =	slt.u32 s9, $0xF7A;
	s5 =	simm.s32 @!p2 $0x0  }
0x1d: {  	s5 =	simm.s32 @p1 $0x1;
	p0 =	seq.s32 s7, s2  }
0x1e: {  	s7 =	smul.u32 @!p0 $0xF7A, s2;
	p2 =	seq.s32 @!p0 s5, $0x0  }
0x1f: {  	s9 =	smul.u32 $0xF7A, s1;
	s8 =	simm.s32 @!p0 $0x1BF5;
	p2 =	por !p2, p0  }
0x20: {  	[sflag:s8] =	ssyncset.s32 @!p0 $0xFFFFF086;
	s6 =	sadd.s32 @!p0 s3, s7;
	s7 =	simm.s32 @!p0 $0x108  }
0x21: {  	s3 =	sadd.s32 s3, s9;
	s6 =	sadd.s32 @!p0 $0x88, s6;
	s7 =	simm.s32 @p2 $0x1082  }
0x22: {  	[simem:s7], [sflag:s8] =	dma.local @!p0 [hbm:s6], $0xF7A  }
0x23: {  	s9 =	sor.u32 $0xD0000000, s2;
	s6 =	simm.s32 $0x108;
	_ =	swait.ge @!p0 [sflag:s8], $0x0  }
0x24: {  	s3 =	sadd.s32 $0x88, s3;
	s6 =	simm.s32 @!p1 $0x1082;
	[sflag:s4] =	ssyncset.s32 $0xFFFFF086  }
0x25: {  	[simem:s6], [sflag:s4] =	dma.local [hbm:s3], $0xF7A  }
0x26: {  	[smem:$0x3F9F] =	sst s1;
	(tag) =	ssettag s2;
	_ =	strace s9  }
0x27: {  	s1 =	sld [smem:$0x3FAF]  }
0x28: {  	s2 =	sld [smem:$0x3FB0]  }
0x29: {  	s4 =	sld [smem:$0x3FB2]  }
0x2a: {  	p0 =	seq.s32 s5, $0x0;
	s5 =	sld [smem:$0x3FB3]  }
0x2b: {  	s6 =	sld [smem:$0x3FB4]  }
0x2c: {  	s7 =	sld [smem:$0x3FB5]  }
0x2d: {  	s3 =	simm.s32 $0x108;
	s8 =	sld [smem:$0x3FB6]  }
0x2e: {  	s3 =	simm.s32 @!p0 $0x1082;
	s9 =	sld [smem:$0x3FB7]  }
0x2f: {  	lr =	sadd.s32 s0, s3;
	s0 =	sld [smem:$0x3FAE]  }
0x30: {  	s3 =	sld [smem:$0x3FB1]  }
0x31: {  	[smem:$0x3FBA] =	sst s10  }
0x32: {  	s10 =	sld [smem:$0x3FB8];
	_ =	sdelay $0x3  }
0x33: {  	p0 =	seq.s32 s10, $0x1;
	s10 =	sld [smem:$0x3FBA];
	_ =	sdelay $0x3  }
0x34: {  	[smem:$0x3FBA] =	sst s10  }
0x35: {  	s10 =	sld [smem:$0x3FB9];
	_ =	sdelay $0x3  }
0x36: {  	p1 =	seq.s32 s10, $0x1;
	s10 =	sld [smem:$0x3FBA];
	_ =	sdelay $0x3  }
0x37: {  	[smem:$0x3FBA] =	sst s10  }
0x38: {  	s10 =	sld [smem:$0x3FBB]  }
0x39: {  	_ = 	snop;
	(pc) =	sbr.ind lr, $3  }
0x3a: {  	_ = 	snop  }
0x3b: {  	_ = 	snop  }
0x3c: {  	p2 =	seq.s32 s10, $0x1;
	s10 =	sld [smem:$0x3FBA]  }
0x3d: {  	_ =	shalt  }
0x3e: {  	_ =	shalt  }
0x3f: {  	_ =	shalt  }
0x40: {  	_ =	shalt  }
0x41: {  	_ =	shalt  }
0x42: {  	_ =	shalt  }
0x43: {  	_ =	shalt  }
0x44: {  	_ =	shalt  }
0x45: {  	_ =	shalt  }
0x46: {  	_ =	shalt  }
0x47: {  	_ =	shalt  }
0x48: {  	_ =	shalt  }
0x49: {  	_ =	shalt  }
0x4a: {  	_ =	shalt  }
0x4b: {  	_ =	shalt  }
0x4c: {  	_ =	shalt  }
0x4d: {  	_ =	shalt  }
0x4e: {  	_ =	shalt  }
0x4f: {  	_ =	shalt  }
0x50: {  	_ =	shalt  }
0x51: {  	_ =	shalt  }
0x52: {  	_ =	shalt  }
0x53: {  	_ =	shalt  }
0x54: {  	_ =	shalt  }
0x55: {  	_ =	shalt  }
0x56: {  	_ =	shalt  }
0x57: {  	_ =	shalt  }
0x58: {  	_ =	shalt  }
0x59: {  	_ =	shalt  }
0x5a: {  	_ =	shalt  }
0x5b: {  	_ =	shalt  }
0x5c: {  	_ =	shalt  }
0x5d: {  	_ =	shalt  }
0x5e: {  	_ =	shalt  }
0x5f: {  	_ =	shalt  }
0x60: {  	_ =	shalt  }
0x61: {  	_ =	shalt  }
0x62: {  	_ =	shalt  }
0x63: {  	_ =	shalt  }
0x64: {  	_ =	shalt  }
0x65: {  	_ =	shalt  }
0x66: {  	_ =	shalt  }
0x67: {  	_ =	shalt  }
0x68: {  	_ =	shalt  }
0x69: {  	_ =	shalt  }
0x6a: {  	_ =	shalt  }
0x6b: {  	_ =	shalt  }
0x6c: {  	_ =	shalt  }
0x6d: {  	_ =	shalt  }
0x6e: {  	_ =	shalt  }
0x6f: {  	_ =	shalt  }
0x70: {  	_ =	shalt  }
0x71: {  	_ =	shalt  }
0x72: {  	_ =	shalt  }
0x73: {  	_ =	shalt  }
0x74: {  	_ =	shalt  }
0x75: {  	_ =	shalt  }
0x76: {  	_ =	shalt  }
0x77: {  	_ =	shalt  }
0x78: {  	_ =	shalt  }
0x79: {  	_ =	shalt  }
0x7a: {  	_ =	shalt  }
0x7b: {  	_ =	shalt  }
0x7c: {  	_ =	shalt  }
0x7d: {  	_ =	shalt  }
0x7e: {  	_ =	shalt  }
0x7f: {  	_ =	shalt  }
0x80: {  	_ =	shalt  }
0x81: {  	_ =	shalt  }
0x82: {  	_ =	shalt  }
0x83: {  	_ =	shalt  }
0x84: {  	_ =	shalt  }
0x85: {  	_ =	shalt  }
0x86: {  	_ =	shalt  }
0x87: {  	_ =	shalt  }
.Lfunc_end0:
.L_simem_size_0:
called_computation.1_lowered:
.L_overlay_start_0:
0x88: {  	s2 =	sld [smem:$0x3FD9]  }
0x89: {  	s3 =	sld [smem:$0x3FFE];
	_ =	sdelay $0x1  }
0x8a: {  	s1 =	srdreg.scid  }
0x8b: {  	s0 =	sand.u32 $0x1, s1  }
0x8c: {  	s17 =	sshll.u32 s0, $0xA;
	s2 =	sadd.s32 s3, s2  }
0x8d: {  	s2 =	sadd.s32 s2, s17  }
0x8e: {  	[smem:$0x3FC6] =	sst s2  }
0x8f: {  	_ = 	snop  }
0x90: {  	s2 =	sld [smem:$0x3FD0];
	(tm) =	ssettm $0x1  }
0x91: {  	s18 =	sld [smem:$0x3FFB];
	_ =	sdelay $0x3  }
0x92: {  	_ =	strace s18  }
0x93: {  	s3 =	sld [smem:$0x3FFC];
	_ =	sdelay $0x3  }
0x94: {  	_ =	strace s3  }
0x95: {  	s3 =	sld [smem:$0x3FFD];
	_ =	sdelay $0x3  }
0x96: {  	_ =	strace s3  }
0x97: {  	_ =	strace $0x8FFFFFFF  }
0x98: {  	s19 =	sld [smem:$0x3FDB];
	_ =	sdelay $0x1  }
0x99: {  	s4 =	simm.s32 $_scs_section_size  }
0x9a: {  	s5 =	simm.s32 $_size__tile_overlayer_lowered;
	s6 =	simm.s32 $_tile_overlayer_lowered  }
0x9b: {  	s22 =	simm.s32 $0x1BFF;
	s21 =	sshll.u32 s6, $0x1;
	s3 =	sadd.s32 s4, s19  }
0x9c: {  	s7 =	simm.s32 $0x0;
	s20 =	sshll.u32 s5, $0x1;
	s5 =	sadd.s32 s21, s3  }
0x9d: {  	[timem:s7], [sflag:s22] =	dma.local [hbm:s5], s20  }
0x9e: {  	_ =	swait.ge [sflag:s22], s20  }
0x9f: {  	s4 =	ssub.s32 $0x0, s20;
	[sflag:s22] =	ssyncset.done $0x0  }
0xa0: {  	[sflag:s22] =	ssyncadd.s32 s4;
	_ =	sdelay $0x1  }
0xa1: {  	s23 =	simm.s32 $0x1B8B  }
0xa2: {  	_ =	swait.ge [sflag:s23], $0x1  }
0xa3: {  	[sflag:s23] =	ssyncset.done $0x0  }
0xa4: {  	s25 =	simm.s32 $0x1B8E;
	s24 =	sld [smem:$0x3FFE];
	[sflag:s23] =	ssyncadd.s32 $0xFFFFFFFF  }
0xa5: {  	s26 =	simm.s32 $execute0_lowered;
	[smem:$0x3FD2] =	sst s25  }
0xa6: {  	s5 =	sshll.u32 s26, $0x1;
	_ =	strace $0x80000046;
	[dreg:$0x1] =	wrdreg $0xFFFFFFFF  }
0xa7: {  	s28 =	simm.s32 $_size_execute0_lowered;
	s3 =	sadd.s32 s3, s5;
	[dreg:$0x0] =	wrdreg $0x0  }
0xa8: {  	s5 =	sshll.u32 s28, $0x1;
	[dreg:$0x2] =	wrdreg s3  }
0xa9: {  	[dreg:$0x3] =	wrdreg s5  }
0xaa: {  	[dreg:$0x4] =	wrdreg $0xC0  }
0xab: {  	_ =	task [dreg:s7], $0x5FFFF  }
0xac: {  	[dreg:$0x1] =	wrdreg $0xFFFFFFFF  }
0xad: {  	[dreg:$0x0] =	wrdreg $0x60  }
0xae: {  	[dreg:$0x2] =	wrdreg s24  }
0xaf: {  	[dreg:$0x3] =	wrdreg s2  }
0xb0: {  	[dreg:$0x4] =	wrdreg $0x9  }
0xb1: {  	_ =	task.clear_ibuf [dreg:s7], $0x5FFFF;
	_ =	strace $0x90000046  }
0xb2: {  	s29 =	simm.s32 $0x9;
	_ =	strace $0x80000048  }
0xb3: {  	_ =	swait.ge [sflag:s29], $0x1  }
0xb4: {  	[sflag:s29] =	ssyncadd.s32 $0xFFFFFFFF  }
0xb5: {  	_ =	strace $0x90000048  }
0xb6: {  	_ =	sfence  }
0xb7: {  	s30 =	sld [smem:$0x0];
	_ =	sdelay $0x2  }
0xb8: {  	s31 =	sshll.u32 s1, $0xD;
	s1 =	sshrl.u32 s1, $0x2  }
0xb9: {  	s3 =	sand.u32 $0x4000, s31;
	s1 =	sadd.s32 s1, s30  }
0xba: {  	s0 =	sor.u32 s3, s0;
	s1 =	sshll.u32 s1, $0x11  }
0xbb: {  	s0 =	sor.u32 s1, s0  }
0xbc: {  	s0 =	sadd.s32 $0x8F2B, s0  }
0xbd: {  	[sflag:s0] =	ssyncadd.remote.s32 $0x1  }
0xbe: {  	_ =	sfence.sel $0xFFFF  }
0xbf: {  	[dreg:$0x0] =	wrdreg $0xFFFFFFFF;
	(pc) =	sbr.abs _section_cstart, $3  }
0xc0: {  	[dreg:$0x1] =	wrdreg $0xFFFFFFFF  }
0xc1: {  	_ =	task.clear_ibuf [dreg:s7], $0x2FFFF;
	_ =	strace $0x9FFFFFFF  }
0xc2: {  	(tm) =	ssettm $0x7FFFFFFF  }
0xc3: {  	_ =	shalt  }
tec
execute0_lowered:
.L_overlay_start_1:
0x0: {  	(tag) =	ssettag $0x1  }
0x1: {  	s0 =	srdreg.scid;
	s1 =	rddreg [dreg:$0x0]  }
0x2: {  	s9 =	stileid.u32;
	s4 =	rddreg [dreg:$0x1];
	s0 =	sand.u32 $0x1, s0  }
0x3: {  	s2 =	simm.s32 $0x0;
	s3 =	sshll.u32 s9, $0x8;
	s5 =	sshll.u32 s0, $0x7  }
0x4: {  	s29 =	simm.s32 $0xC800;
	s31 =	simm.s32 $0xFA00;
	s5 =	sor.u32 s5, s3  }
0x5: {  	s30 =	simm.s32 $0x15E00;
	s28 =	simm.s32 $0x19000;
	s3 =	smul.u32 $0x19, s5  }
0x6: {  	s10 =	simm.s32 $0xA;
	s11 =	simm.s32 $0x5;
	s6 =	smul.u32 $0x640, s5  }
0x7: {  	[smem:$0x7FF] =	sst s2;
	s22 =	smul.u32 $0x64000, s9;
	s9 =	simm.s32 $0x4  }
0x8: {  	_ =	strace $0x80000047;
	s7 =	sadd.s32 s3, s1;
	s6 =	sadd.s32 s4, s6  }
0x9: {  	s12 =	ssub.s32 $0x2, s0;
	s7 =	sadd.s32 $0xA00, s7;
	[dreg:$0x3] =	wrdreg s6  }
0xa: {  	s8 =	sshrl.u32 s12, $0x1;
	s13 =	sadd.s32 $0x640, s6;
	[dreg:$0x4] =	wrdreg s7  }
0xb: {  	s5 =	smul.u32 $0x3200, s5;
	s14 =	sadd.s32 $0xC80, s6;
	[dreg:$0x5] =	wrdreg s13  }
0xc: {  	s3 =	sadd.s32 $0xF42E00, s1;
	s15 =	sadd.s32 $0x12C0, s6;
	[dreg:$0x6] =	wrdreg s14  }
0xd: {  	s1 =	ssub.s32 s12, s8;
	s16 =	sadd.s32 $0x1900, s6;
	[dreg:$0x7] =	wrdreg s15  }
0xe: {  	s5 =	sshrl.u32 s5, $0x3;
	s6 =	sadd.s32 $0x1F40, s6;
	[dreg:$0x8] =	wrdreg s16  }
0xf: {  	s5 =	sadd.s32 s4, s5;
	s1 =	smax.u32 s1, $0x1;
	[dreg:$0x9] =	wrdreg s6  }
0x10: {  	s0 =	smul.u32 $0x32000, s0;
	s17 =	sadd.s32 $0x2580, s5;
	[dreg:$0x14] =	wrdreg s1  }
0x11: {  	s8 =	simm.s32 $0x9;
	s18 =	sadd.s32 $0x2BC0, s5;
	[dreg:$0xa] =	wrdreg s17  }
0x12: {  	s12 =	simm.s32 $0xB;
	s19 =	sadd.s32 $0x2EE00, s5;
	[dreg:$0xb] =	wrdreg s18  }
0x13: {  	s4 =	sadd.s32 s22, s4;
	s20 =	sadd.s32 $0x2F440, s5;
	[dreg:$0xc] =	wrdreg s19  }
0x14: {  	s21 =	sadd.s32 $0x2FA80, s5;
	s23 =	sadd.s32 $0x300C0, s5;
	[dreg:$0xd] =	wrdreg s20  }
0x15: {  	s24 =	sadd.s32 $0x30700, s5;
	s25 =	sadd.s32 $0x30D40, s5;
	[dreg:$0xe] =	wrdreg s21  }
0x16: {  	s26 =	sadd.s32 $0x31380, s5;
	s5 =	sadd.s32 $0x319C0, s5;
	[dreg:$0xf] =	wrdreg s23  }
0x17: {  	s0 =	sadd.s32 s0, s4;
	s1 =	simm.s32 $0x1;
	[dreg:$0x10] =	wrdreg s24  }
0x18: {  	s6 =	simm.s32 $0x1C200;
	s7 =	simm.s32 $0x3;
	[dreg:$0x11] =	wrdreg s25  }
0x19: {  	s13 =	simm.s32 $0x6;
	s14 =	simm.s32 $0xC;
	[dreg:$0x12] =	wrdreg s26  }
0x1a: {  	s15 =	simm.s32 $0x7;
	s16 =	simm.s32 $0xD;
	[dreg:$0x13] =	wrdreg s5  }
0x1b: {  	s0 =	sadd.s32 $0x3200, s0;
	s24 =	simm.s32 $0xC8;
	s25 =	simm.s32 $0x6400  }
0x1c: {  	s26 =	simm.s32 $0x9600;
	s5 =	simm.s32 $0x2;
	s17 =	simm.s32 $0x8  }
0x1d: {  	s18 =	simm.s32 $0xE;
	s19 =	simm.s32 $0xF;
	s20 =	simm.s32 $0x10  }
0x1e: {  	s21 =	simm.s32 $0x0;
	[dreg:$0x15] =	wrdreg s0;
	s0 =	simm.s32 $0x12C00  }
.LBB2_1:
0x1f: {  	[dreg:$0x16] =	wrdreg s21  }
0x20: {  	s4 =	rddreg [dreg:$0x4];
	s21 =	simm.s32 $0x11  }
0x21: {  	[tilespmem:s2], [sflag:$0x11] =	stream.linear.gather [hbm4b:s4+s2], $0x6400, $0x38;
	[tilespmem:$0x1F400] =	vst v63  }
0x22: {  	_ =	swait.ge [sflag:s21], $0x6400  }
0x23: {  	[sflag:s21] =	ssyncset.done $0x0  }
0x24: {  	[sflag:s21] =	ssyncadd.s32 $0xFFFF9C00  }
0x25: {  	[tilespmem:s25], [sflag:$0x1] =	stream.indirect.gather [hbm4b:s3+s24], $0x40, s2, s24, $0xb8;
	[tilespmem:$0x1F400] =	vst v63  }
0x26: {  	_ = 	snop  }
0x27: {  	[tilespmem:s26], [sflag:$0x2] =	stream.indirect.gather [hbm4b:s3+s24], $0x40, s24, s24, $0xb8;
	[tilespmem:$0x1F400] =	vst v63  }
0x28: {  	s22 =	simm.s32 $0x190  }
0x29: {  	[tilespmem:s29], [sflag:$0x3] =	stream.indirect.gather [hbm4b:s3+s24], $0x40, s22, s24, $0xb8;
	[tilespmem:$0x1F400] =	vst v63  }
0x2a: {  	s23 =	simm.s32 $0x258  }
0x2b: {  	[tilespmem:s31], [sflag:$0x4] =	stream.indirect.gather [hbm4b:s3+s24], $0x40, s23, s24, $0xb8;
	[tilespmem:$0x1F400] =	vst v63  }
0x2c: {  	s21 =	simm.s32 $0x320  }
0x2d: {  	[tilespmem:s0], [sflag:$0x5] =	stream.indirect.gather [hbm4b:s3+s24], $0x40, s21, s24, $0xb8;
	[tilespmem:$0x1F400] =	vst v63  }
0x2e: {  	s22 =	simm.s32 $0x3E8  }
0x2f: {  	[tilespmem:s30], [sflag:$0x6] =	stream.indirect.gather [hbm4b:s3+s24], $0x40, s22, s24, $0xb8;
	[tilespmem:$0x1F400] =	vst v63  }
0x30: {  	_ =	swait.ge [sflag:s1], $0x3200  }
0x31: {  	[sflag:s1] =	ssyncset.done $0x0  }
0x32: {  	s23 =	rddreg [dreg:$0x3];
	[sflag:s1] =	ssyncadd.s32 $0xFFFFCE00  }
0x33: {  	[hbm4b:s23+s2] =	stream.linear.scatter [tilespmem:s25], [sflag:$0x9], $0x3200, $0x38;
	[tilespmem:$0x1F400] =	vst v63  }
0x34: {  	s21 =	simm.s32 $0x4B0  }
0x35: {  	[tilespmem:s28], [sflag:$0x7] =	stream.indirect.gather [hbm4b:s3+s24], $0x40, s21, s24, $0xb8;
	[tilespmem:$0x1F400] =	vst v63  }
0x36: {  	_ =	swait.ge [sflag:s5], $0x3200  }
0x37: {  	[sflag:s5] =	ssyncset.done $0x0  }
0x38: {  	s22 =	rddreg [dreg:$0x5];
	[sflag:s5] =	ssyncadd.s32 $0xFFFFCE00  }
0x39: {  	[hbm4b:s22+s2] =	stream.linear.scatter [tilespmem:s26], [sflag:$0xA], $0x3200, $0x38;
	[tilespmem:$0x1F400] =	vst v63  }
0x3a: {  	s23 =	simm.s32 $0x578  }
0x3b: {  	[tilespmem:s6], [sflag:$0x8] =	stream.indirect.gather [hbm4b:s3+s24], $0x40, s23, s24, $0xb8;
	[tilespmem:$0x1F400] =	vst v63  }
0x3c: {  	_ =	swait.ge [sflag:s7], $0x3200  }
0x3d: {  	[sflag:s7] =	ssyncset.done $0x0  }
0x3e: {  	s21 =	rddreg [dreg:$0x6];
	[sflag:s7] =	ssyncadd.s32 $0xFFFFCE00  }
0x3f: {  	[hbm4b:s21+s2] =	stream.linear.scatter [tilespmem:s29], [sflag:$0xB], $0x3200, $0x38;
	[tilespmem:$0x1F400] =	vst v63  }
0x40: {  	_ =	swait.ge [sflag:s8], $0x3200  }
0x41: {  	[sflag:s8] =	ssyncset.done $0x0  }
0x42: {  	s22 =	simm.s32 $0x640;
	[sflag:s8] =	ssyncadd.s32 $0xFFFFCE00  }
0x43: {  	[tilespmem:s25], [sflag:$0x1] =	stream.indirect.gather [hbm4b:s3+s24], $0x40, s22, s24, $0xb8;
	[tilespmem:$0x1F400] =	vst v63  }
0x44: {  	_ =	swait.ge [sflag:s9], $0x3200  }
0x45: {  	[sflag:s9] =	ssyncset.done $0x0  }
0x46: {  	s23 =	rddreg [dreg:$0x7];
	[sflag:s9] =	ssyncadd.s32 $0xFFFFCE00  }
0x47: {  	[hbm4b:s23+s2] =	stream.linear.scatter [tilespmem:s31], [sflag:$0xC], $0x3200, $0x38;
	[tilespmem:$0x1F400] =	vst v63  }
0x48: {  	_ =	swait.ge [sflag:s10], $0x3200  }
0x49: {  	[sflag:s10] =	ssyncset.done $0x0  }
0x4a: {  	s21 =	simm.s32 $0x708;
	[sflag:s10] =	ssyncadd.s32 $0xFFFFCE00  }
0x4b: {  	[tilespmem:s26], [sflag:$0x2] =	stream.indirect.gather [hbm4b:s3+s24], $0x40, s21, s24, $0xb8;
	[tilespmem:$0x1F400] =	vst v63  }
0x4c: {  	_ =	swait.ge [sflag:s11], $0x3200  }
0x4d: {  	[sflag:s11] =	ssyncset.done $0x0  }
0x4e: {  	s22 =	rddreg [dreg:$0x8];
	[sflag:s11] =	ssyncadd.s32 $0xFFFFCE00  }
0x4f: {  	[hbm4b:s22+s2] =	stream.linear.scatter [tilespmem:s0], [sflag:$0xD], $0x3200, $0x38;
	[tilespmem:$0x1F400] =	vst v63  }
0x50: {  	_ =	swait.ge [sflag:s12], $0x3200  }
0x51: {  	[sflag:s12] =	ssyncset.done $0x0  }
0x52: {  	s23 =	simm.s32 $0x7D0;
	[sflag:s12] =	ssyncadd.s32 $0xFFFFCE00  }
0x53: {  	[tilespmem:s29], [sflag:$0x3] =	stream.indirect.gather [hbm4b:s3+s24], $0x40, s23, s24, $0xb8;
	[tilespmem:$0x1F400] =	vst v63  }
0x54: {  	_ =	swait.ge [sflag:s13], $0x3200  }
0x55: {  	[sflag:s13] =	ssyncset.done $0x0  }
0x56: {  	s21 =	rddreg [dreg:$0x9];
	[sflag:s13] =	ssyncadd.s32 $0xFFFFCE00  }
0x57: {  	[hbm4b:s21+s2] =	stream.linear.scatter [tilespmem:s30], [sflag:$0xE], $0x3200, $0x38;
	[tilespmem:$0x1F400] =	vst v63  }
0x58: {  	_ =	swait.ge [sflag:s14], $0x3200  }
0x59: {  	[sflag:s14] =	ssyncset.done $0x0  }
0x5a: {  	s22 =	simm.s32 $0x898;
	[sflag:s14] =	ssyncadd.s32 $0xFFFFCE00  }
0x5b: {  	[tilespmem:s31], [sflag:$0x4] =	stream.indirect.gather [hbm4b:s3+s24], $0x40, s22, s24, $0xb8;
	[tilespmem:$0x1F400] =	vst v63  }
0x5c: {  	_ =	swait.ge [sflag:s15], $0x3200  }
0x5d: {  	[sflag:s15] =	ssyncset.done $0x0  }
0x5e: {  	s23 =	rddreg [dreg:$0xa];
	[sflag:s15] =	ssyncadd.s32 $0xFFFFCE00  }
0x5f: {  	[hbm4b:s23+s2] =	stream.linear.scatter [tilespmem:s28], [sflag:$0xF], $0x3200, $0x38;
	[tilespmem:$0x1F400] =	vst v63  }
0x60: {  	_ =	swait.ge [sflag:s16], $0x3200  }
0x61: {  	[sflag:s16] =	ssyncset.done $0x0  }
0x62: {  	s21 =	simm.s32 $0x960;
	[sflag:s16] =	ssyncadd.s32 $0xFFFFCE00  }
0x63: {  	[tilespmem:s0], [sflag:$0x5] =	stream.indirect.gather [hbm4b:s3+s24], $0x40, s21, s24, $0xb8;
	[tilespmem:$0x1F400] =	vst v63  }
0x64: {  	_ =	swait.ge [sflag:s17], $0x3200  }
0x65: {  	[sflag:s17] =	ssyncset.done $0x0  }
0x66: {  	s22 =	rddreg [dreg:$0xb];
	[sflag:s17] =	ssyncadd.s32 $0xFFFFCE00  }
0x67: {  	[hbm4b:s22+s2] =	stream.linear.scatter [tilespmem:s6], [sflag:$0x10], $0x3200, $0x38;
	[tilespmem:$0x1F400] =	vst v63  }
0x68: {  	_ =	swait.ge [sflag:s18], $0x3200  }
0x69: {  	[sflag:s18] =	ssyncset.done $0x0  }
0x6a: {  	s23 =	simm.s32 $0xA28;
	[sflag:s18] =	ssyncadd.s32 $0xFFFFCE00  }
0x6b: {  	[tilespmem:s30], [sflag:$0x6] =	stream.indirect.gather [hbm4b:s3+s24], $0x40, s23, s24, $0xb8;
	[tilespmem:$0x1F400] =	vst v63  }
0x6c: {  	_ =	swait.ge [sflag:s1], $0x3200  }
0x6d: {  	[sflag:s1] =	ssyncset.done $0x0  }
0x6e: {  	s22 =	rddreg [dreg:$0x15];
	[sflag:s1] =	ssyncadd.s32 $0xFFFFCE00  }
0x6f: {  	[hbm4b:s22+s2] =	stream.linear.scatter [tilespmem:s25], [sflag:$0x9], $0x3200, $0x38;
	[tilespmem:$0x1F400] =	vst v63  }
0x70: {  	_ =	swait.ge [sflag:s19], $0x3200  }
0x71: {  	[sflag:s19] =	ssyncset.done $0x0  }
0x72: {  	s21 =	simm.s32 $0xAF0;
	[sflag:s19] =	ssyncadd.s32 $0xFFFFCE00  }
0x73: {  	[tilespmem:s28], [sflag:$0x7] =	stream.indirect.gather [hbm4b:s3+s24], $0x40, s21, s24, $0xb8;
	[tilespmem:$0x1F400] =	vst v63  }
0x74: {  	_ =	swait.ge [sflag:s5], $0x3200  }
0x75: {  	[sflag:s5] =	ssyncset.done $0x0  }
0x76: {  	s23 =	sadd.s32 $0x640, s22;
	[sflag:s5] =	ssyncadd.s32 $0xFFFFCE00  }
0x77: {  	[hbm4b:s23+s2] =	stream.linear.scatter [tilespmem:s26], [sflag:$0xA], $0x3200, $0x38;
	[tilespmem:$0x1F400] =	vst v63  }
0x78: {  	_ =	swait.ge [sflag:s20], $0x3200  }
0x79: {  	[sflag:s20] =	ssyncset.done $0x0  }
0x7a: {  	s21 =	simm.s32 $0xBB8;
	[sflag:s20] =	ssyncadd.s32 $0xFFFFCE00  }
0x7b: {  	[tilespmem:s6], [sflag:$0x8] =	stream.indirect.gather [hbm4b:s3+s24], $0x40, s21, s24, $0xb8;
	[tilespmem:$0x1F400] =	vst v63  }
0x7c: {  	_ =	swait.ge [sflag:s7], $0x3200  }
0x7d: {  	[sflag:s7] =	ssyncset.done $0x0  }
0x7e: {  	s23 =	sadd.s32 $0xC80, s22;
	[sflag:s7] =	ssyncadd.s32 $0xFFFFCE00  }
0x7f: {  	[hbm4b:s23+s2] =	stream.linear.scatter [tilespmem:s29], [sflag:$0xB], $0x3200, $0x38;
	[tilespmem:$0x1F400] =	vst v63  }
0x80: {  	_ =	swait.ge [sflag:s8], $0x3200  }
0x81: {  	[sflag:s8] =	ssyncset.done $0x0  }
0x82: {  	s21 =	simm.s32 $0xC80;
	[sflag:s8] =	ssyncadd.s32 $0xFFFFCE00  }
0x83: {  	[tilespmem:s25], [sflag:$0x1] =	stream.indirect.gather [hbm4b:s3+s24], $0x40, s21, s24, $0xb8;
	[tilespmem:$0x1F400] =	vst v63  }
0x84: {  	_ =	swait.ge [sflag:s9], $0x3200  }
0x85: {  	[sflag:s9] =	ssyncset.done $0x0  }
0x86: {  	s23 =	sadd.s32 $0x12C0, s22;
	[sflag:s9] =	ssyncadd.s32 $0xFFFFCE00  }
0x87: {  	[hbm4b:s23+s2] =	stream.linear.scatter [tilespmem:s31], [sflag:$0xC], $0x3200, $0x38;
	[tilespmem:$0x1F400] =	vst v63  }
0x88: {  	_ =	swait.ge [sflag:s10], $0x3200  }
0x89: {  	[sflag:s10] =	ssyncset.done $0x0  }
0x8a: {  	s21 =	simm.s32 $0xD48;
	[sflag:s10] =	ssyncadd.s32 $0xFFFFCE00  }
0x8b: {  	[tilespmem:s26], [sflag:$0x2] =	stream.indirect.gather [hbm4b:s3+s24], $0x40, s21, s24, $0xb8;
	[tilespmem:$0x1F400] =	vst v63  }
0x8c: {  	_ =	swait.ge [sflag:s11], $0x3200  }
0x8d: {  	[sflag:s11] =	ssyncset.done $0x0  }
0x8e: {  	s23 =	sadd.s32 $0x1900, s22;
	[sflag:s11] =	ssyncadd.s32 $0xFFFFCE00  }
0x8f: {  	[hbm4b:s23+s2] =	stream.linear.scatter [tilespmem:s0], [sflag:$0xD], $0x3200, $0x38;
	[tilespmem:$0x1F400] =	vst v63  }
0x90: {  	_ =	swait.ge [sflag:s12], $0x3200  }
0x91: {  	[sflag:s12] =	ssyncset.done $0x0  }
0x92: {  	s21 =	simm.s32 $0xE10;
	[sflag:s12] =	ssyncadd.s32 $0xFFFFCE00  }
0x93: {  	[tilespmem:s29], [sflag:$0x3] =	stream.indirect.gather [hbm4b:s3+s24], $0x40, s21, s24, $0xb8;
	[tilespmem:$0x1F400] =	vst v63  }
0x94: {  	_ =	swait.ge [sflag:s13], $0x3200  }
0x95: {  	[sflag:s13] =	ssyncset.done $0x0  }
0x96: {  	s23 =	sadd.s32 $0x1F40, s22;
	[sflag:s13] =	ssyncadd.s32 $0xFFFFCE00  }
0x97: {  	[hbm4b:s23+s2] =	stream.linear.scatter [tilespmem:s30], [sflag:$0xE], $0x3200, $0x38;
	[tilespmem:$0x1F400] =	vst v63  }
0x98: {  	_ =	swait.ge [sflag:s14], $0x3200  }
0x99: {  	[sflag:s14] =	ssyncset.done $0x0  }
0x9a: {  	s21 =	simm.s32 $0xED8;
	[sflag:s14] =	ssyncadd.s32 $0xFFFFCE00  }
0x9b: {  	[tilespmem:s31], [sflag:$0x4] =	stream.indirect.gather [hbm4b:s3+s24], $0x40, s21, s24, $0xb8;
	[tilespmem:$0x1F400] =	vst v63  }
0x9c: {  	_ =	swait.ge [sflag:s15], $0x3200  }
0x9d: {  	[sflag:s15] =	ssyncset.done $0x0  }
0x9e: {  	s23 =	sadd.s32 $0x2580, s22;
	[sflag:s15] =	ssyncadd.s32 $0xFFFFCE00  }
0x9f: {  	[hbm4b:s23+s2] =	stream.linear.scatter [tilespmem:s28], [sflag:$0xF], $0x3200, $0x38;
	[tilespmem:$0x1F400] =	vst v63  }
0xa0: {  	_ =	swait.ge [sflag:s16], $0x3200  }
0xa1: {  	[sflag:s16] =	ssyncset.done $0x0  }
0xa2: {  	s21 =	simm.s32 $0xFA0;
	[sflag:s16] =	ssyncadd.s32 $0xFFFFCE00  }
0xa3: {  	[tilespmem:s0], [sflag:$0x5] =	stream.indirect.gather [hbm4b:s3+s24], $0x40, s21, s24, $0xb8;
	[tilespmem:$0x1F400] =	vst v63  }
0xa4: {  	_ =	swait.ge [sflag:s17], $0x3200  }
0xa5: {  	[sflag:s17] =	ssyncset.done $0x0  }
0xa6: {  	s23 =	sadd.s32 $0x2BC0, s22;
	[sflag:s17] =	ssyncadd.s32 $0xFFFFCE00  }
0xa7: {  	[hbm4b:s23+s2] =	stream.linear.scatter [tilespmem:s6], [sflag:$0x10], $0x3200, $0x38;
	[tilespmem:$0x1F400] =	vst v63  }
0xa8: {  	_ =	swait.ge [sflag:s18], $0x3200  }
0xa9: {  	s4 =	simm.s32 $0x1900;
	[sflag:s18] =	ssyncset.done $0x0  }
0xaa: {  	s21 =	simm.s32 $0x1068;
	s23 =	sadd.s32 $0x3200, s22;
	[sflag:s18] =	ssyncadd.s32 $0xFFFFCE00  }
.LBB2_2:
0xab: {  	[tilespmem:s30], [sflag:$0x6] =	stream.indirect.gather [hbm4b:s3+s24], $0x40, s21, s24, $0xb8;
	[tilespmem:$0x1F400] =	vst v63  }
0xac: {  	s21 =	smov.u32 s4  }
0xad: {  	p0 =	sne.s32 s4, $0x14500;
	s4 =	sadd.s32 $0x1900, s4;
	_ =	swait.ge [sflag:s1], $0x3200  }
0xae: {  	[sflag:s1] =	ssyncset.done $0x0  }
0xaf: {  	[sflag:s1] =	ssyncadd.s32 $0xFFFFCE00  }
0xb0: {  	[hbm4b:s23+s2] =	stream.linear.scatter [tilespmem:s25], [sflag:$0x9], $0x3200, $0x38;
	[tilespmem:$0x1F400] =	vst v63  }
0xb1: {  	_ =	swait.ge [sflag:s19], $0x3200  }
0xb2: {  	s21 =	sshra.s32 s21, $0x2;
	[sflag:s19] =	ssyncset.done $0x0  }
0xb3: {  	s22 =	sadd.s32 $0xAF0, s21;
	[sflag:s19] =	ssyncadd.s32 $0xFFFFCE00  }
0xb4: {  	[tilespmem:s28], [sflag:$0x7] =	stream.indirect.gather [hbm4b:s3+s24], $0x40, s22, s24, $0xb8;
	[tilespmem:$0x1F400] =	vst v63  }
0xb5: {  	_ =	swait.ge [sflag:s5], $0x3200  }
0xb6: {  	[sflag:s5] =	ssyncset.done $0x0  }
0xb7: {  	s22 =	sadd.s32 $0x640, s23;
	[sflag:s5] =	ssyncadd.s32 $0xFFFFCE00  }
0xb8: {  	[hbm4b:s22+s2] =	stream.linear.scatter [tilespmem:s26], [sflag:$0xA], $0x3200, $0x38;
	[tilespmem:$0x1F400] =	vst v63  }
0xb9: {  	_ =	swait.ge [sflag:s20], $0x3200  }
0xba: {  	[sflag:s20] =	ssyncset.done $0x0  }
0xbb: {  	s22 =	sadd.s32 $0xBB8, s21;
	[sflag:s20] =	ssyncadd.s32 $0xFFFFCE00  }
0xbc: {  	[tilespmem:s6], [sflag:$0x8] =	stream.indirect.gather [hbm4b:s3+s24], $0x40, s22, s24, $0xb8;
	[tilespmem:$0x1F400] =	vst v63  }
0xbd: {  	_ =	swait.ge [sflag:s7], $0x3200  }
0xbe: {  	[sflag:s7] =	ssyncset.done $0x0  }
0xbf: {  	s22 =	sadd.s32 $0xC80, s23;
	[sflag:s7] =	ssyncadd.s32 $0xFFFFCE00  }
0xc0: {  	[hbm4b:s22+s2] =	stream.linear.scatter [tilespmem:s29], [sflag:$0xB], $0x3200, $0x38;
	[tilespmem:$0x1F400] =	vst v63  }
0xc1: {  	_ =	swait.ge [sflag:s8], $0x3200  }
0xc2: {  	[sflag:s8] =	ssyncset.done $0x0  }
0xc3: {  	s22 =	sadd.s32 $0xC80, s21;
	[sflag:s8] =	ssyncadd.s32 $0xFFFFCE00  }
0xc4: {  	[tilespmem:s25], [sflag:$0x1] =	stream.indirect.gather [hbm4b:s3+s24], $0x40, s22, s24, $0xb8;
	[tilespmem:$0x1F400] =	vst v63  }
0xc5: {  	_ =	swait.ge [sflag:s9], $0x3200  }
0xc6: {  	[sflag:s9] =	ssyncset.done $0x0  }
0xc7: {  	s22 =	sadd.s32 $0x12C0, s23;
	[sflag:s9] =	ssyncadd.s32 $0xFFFFCE00  }
0xc8: {  	[hbm4b:s22+s2] =	stream.linear.scatter [tilespmem:s31], [sflag:$0xC], $0x3200, $0x38;
	[tilespmem:$0x1F400] =	vst v63  }
0xc9: {  	_ =	swait.ge [sflag:s10], $0x3200  }
0xca: {  	[sflag:s10] =	ssyncset.done $0x0  }
0xcb: {  	s22 =	sadd.s32 $0xD48, s21;
	[sflag:s10] =	ssyncadd.s32 $0xFFFFCE00  }
0xcc: {  	[tilespmem:s26], [sflag:$0x2] =	stream.indirect.gather [hbm4b:s3+s24], $0x40, s22, s24, $0xb8;
	[tilespmem:$0x1F400] =	vst v63  }
0xcd: {  	_ =	swait.ge [sflag:s11], $0x3200  }
0xce: {  	[sflag:s11] =	ssyncset.done $0x0  }
0xcf: {  	s22 =	sadd.s32 $0x1900, s23;
	[sflag:s11] =	ssyncadd.s32 $0xFFFFCE00  }
0xd0: {  	[hbm4b:s22+s2] =	stream.linear.scatter [tilespmem:s0], [sflag:$0xD], $0x3200, $0x38;
	[tilespmem:$0x1F400] =	vst v63  }
0xd1: {  	_ =	swait.ge [sflag:s12], $0x3200  }
0xd2: {  	[sflag:s12] =	ssyncset.done $0x0  }
0xd3: {  	s22 =	sadd.s32 $0xE10, s21;
	[sflag:s12] =	ssyncadd.s32 $0xFFFFCE00  }
0xd4: {  	[tilespmem:s29], [sflag:$0x3] =	stream.indirect.gather [hbm4b:s3+s24], $0x40, s22, s24, $0xb8;
	[tilespmem:$0x1F400] =	vst v63  }
0xd5: {  	_ =	swait.ge [sflag:s13], $0x3200  }
0xd6: {  	[sflag:s13] =	ssyncset.done $0x0  }
0xd7: {  	s22 =	sadd.s32 $0x1F40, s23;
	[sflag:s13] =	ssyncadd.s32 $0xFFFFCE00  }
0xd8: {  	[hbm4b:s22+s2] =	stream.linear.scatter [tilespmem:s30], [sflag:$0xE], $0x3200, $0x38;
	[tilespmem:$0x1F400] =	vst v63  }
0xd9: {  	_ =	swait.ge [sflag:s14], $0x3200  }
0xda: {  	[sflag:s14] =	ssyncset.done $0x0  }
0xdb: {  	s22 =	sadd.s32 $0xED8, s21;
	[sflag:s14] =	ssyncadd.s32 $0xFFFFCE00  }
0xdc: {  	[tilespmem:s31], [sflag:$0x4] =	stream.indirect.gather [hbm4b:s3+s24], $0x40, s22, s24, $0xb8;
	[tilespmem:$0x1F400] =	vst v63  }
0xdd: {  	_ =	swait.ge [sflag:s15], $0x3200  }
0xde: {  	[sflag:s15] =	ssyncset.done $0x0  }
0xdf: {  	s22 =	sadd.s32 $0x2580, s23;
	[sflag:s15] =	ssyncadd.s32 $0xFFFFCE00  }
0xe0: {  	[hbm4b:s22+s2] =	stream.linear.scatter [tilespmem:s28], [sflag:$0xF], $0x3200, $0x38;
	[tilespmem:$0x1F400] =	vst v63  }
0xe1: {  	_ =	swait.ge [sflag:s16], $0x3200  }
0xe2: {  	[sflag:s16] =	ssyncset.done $0x0  }
0xe3: {  	s22 =	sadd.s32 $0xFA0, s21;
	[sflag:s16] =	ssyncadd.s32 $0xFFFFCE00  }
0xe4: {  	[tilespmem:s0], [sflag:$0x5] =	stream.indirect.gather [hbm4b:s3+s24], $0x40, s22, s24, $0xb8;
	[tilespmem:$0x1F400] =	vst v63  }
0xe5: {  	_ =	swait.ge [sflag:s17], $0x3200  }
0xe6: {  	[sflag:s17] =	ssyncset.done $0x0  }
.Ltmp0:
0xe7: {  	s22 =	sadd.s32 $0x2BC0, s23;
	[sflag:s17] =	ssyncadd.s32 $0xFFFFCE00;
	(pc) =	sbr.rel @p0 .LBB2_2-.Ltmp0, $4  }
0xe8: {  	[hbm4b:s22+s2] =	stream.linear.scatter [tilespmem:s6], [sflag:$0x10], $0x3200, $0x38;
	[tilespmem:$0x1F400] =	vst v63  }
0xe9: {  	_ =	swait.ge [sflag:s18], $0x3200  }
0xea: {  	[sflag:s18] =	ssyncset.done $0x0  }
0xeb: {  	s21 =	sadd.s32 $0x1068, s21;
	s23 =	sadd.s32 $0x3200, s23;
	[sflag:s18] =	ssyncadd.s32 $0xFFFFCE00  }
0xec: {  	[tilespmem:s30], [sflag:$0x6] =	stream.indirect.gather [hbm4b:s3+s24], $0x40, s21, s24, $0xb8;
	[tilespmem:$0x1F400] =	vst v63  }
0xed: {  	_ =	swait.ge [sflag:s1], $0x3200  }
0xee: {  	[sflag:s1] =	ssyncset.done $0x0  }
0xef: {  	s4 =	rddreg [dreg:$0xc];
	[sflag:s1] =	ssyncadd.s32 $0xFFFFCE00  }
0xf0: {  	[hbm4b:s4+s2] =	stream.linear.scatter [tilespmem:s25], [sflag:$0x9], $0x3200, $0x38;
	[tilespmem:$0x1F400] =	vst v63  }
0xf1: {  	_ =	swait.ge [sflag:s19], $0x3200  }
0xf2: {  	[sflag:s19] =	ssyncset.done $0x0  }
0xf3: {  	s22 =	simm.s32 $0x6270;
	[sflag:s19] =	ssyncadd.s32 $0xFFFFCE00  }
0xf4: {  	[tilespmem:s28], [sflag:$0x7] =	stream.indirect.gather [hbm4b:s3+s24], $0x40, s22, s24, $0xb8;
	[tilespmem:$0x1F400] =	vst v63  }
0xf5: {  	_ =	swait.ge [sflag:s5], $0x3200  }
0xf6: {  	[sflag:s5] =	ssyncset.done $0x0  }
0xf7: {  	s23 =	rddreg [dreg:$0xd];
	[sflag:s5] =	ssyncadd.s32 $0xFFFFCE00  }
0xf8: {  	[hbm4b:s23+s2] =	stream.linear.scatter [tilespmem:s26], [sflag:$0xA], $0x3200, $0x38;
	[tilespmem:$0x1F400] =	vst v63  }
0xf9: {  	_ =	swait.ge [sflag:s20], $0x3200  }
0xfa: {  	[sflag:s20] =	ssyncset.done $0x0  }
0xfb: {  	s21 =	simm.s32 $0x6338;
	[sflag:s20] =	ssyncadd.s32 $0xFFFFCE00  }
0xfc: {  	[tilespmem:s6], [sflag:$0x8] =	stream.indirect.gather [hbm4b:s3+s24], $0x40, s21, s24, $0xb8;
	[tilespmem:$0x1F400] =	vst v63  }
0xfd: {  	_ =	swait.ge [sflag:s7], $0x3200  }
0xfe: {  	[sflag:s7] =	ssyncset.done $0x0  }
0xff: {  	s22 =	rddreg [dreg:$0xe];
	[sflag:s7] =	ssyncadd.s32 $0xFFFFCE00  }
0x100: {  	[hbm4b:s22+s2] =	stream.linear.scatter [tilespmem:s29], [sflag:$0xB], $0x3200, $0x38;
	[tilespmem:$0x1F400] =	vst v63  }
0x101: {  	_ =	swait.ge [sflag:s9], $0x3200  }
0x102: {  	[sflag:s9] =	ssyncset.done $0x0  }
0x103: {  	s23 =	rddreg [dreg:$0xf];
	[sflag:s9] =	ssyncadd.s32 $0xFFFFCE00  }
0x104: {  	[hbm4b:s23+s2] =	stream.linear.scatter [tilespmem:s31], [sflag:$0xC], $0x3200, $0x38;
	[tilespmem:$0x1F400] =	vst v63  }
0x105: {  	_ =	swait.ge [sflag:s11], $0x3200  }
0x106: {  	[sflag:s11] =	ssyncset.done $0x0  }
0x107: {  	s21 =	rddreg [dreg:$0x10];
	[sflag:s11] =	ssyncadd.s32 $0xFFFFCE00  }
0x108: {  	[hbm4b:s21+s2] =	stream.linear.scatter [tilespmem:s0], [sflag:$0xD], $0x3200, $0x38;
	[tilespmem:$0x1F400] =	vst v63  }
0x109: {  	_ =	swait.ge [sflag:s13], $0x3200  }
0x10a: {  	[sflag:s13] =	ssyncset.done $0x0  }
0x10b: {  	s22 =	rddreg [dreg:$0x11];
	[sflag:s13] =	ssyncadd.s32 $0xFFFFCE00  }
0x10c: {  	[hbm4b:s22+s2] =	stream.linear.scatter [tilespmem:s30], [sflag:$0xE], $0x3200, $0x38;
	[tilespmem:$0x1F400] =	vst v63  }
0x10d: {  	_ =	swait.ge [sflag:s15], $0x3200  }
0x10e: {  	[sflag:s15] =	ssyncset.done $0x0  }
0x10f: {  	s23 =	rddreg [dreg:$0x12];
	[sflag:s15] =	ssyncadd.s32 $0xFFFFCE00  }
0x110: {  	[hbm4b:s23+s2] =	stream.linear.scatter [tilespmem:s28], [sflag:$0xF], $0x3200, $0x38;
	[tilespmem:$0x1F400] =	vst v63  }
0x111: {  	_ =	swait.ge [sflag:s17], $0x3200  }
0x112: {  	[sflag:s17] =	ssyncset.done $0x0  }
0x113: {  	s21 =	rddreg [dreg:$0x13];
	[sflag:s17] =	ssyncadd.s32 $0xFFFFCE00  }
0x114: {  	[hbm4b:s21+s2] =	stream.linear.scatter [tilespmem:s6], [sflag:$0x10], $0x3200, $0x38;
	[tilespmem:$0x1F400] =	vst v63  }
0x115: {  	_ =	swait.ge [sflag:s8], $0x3200  }
0x116: {  	[sflag:s8] =	ssyncset.done $0x0  }
0x117: {  	[sflag:s8] =	ssyncadd.s32 $0xFFFFCE00  }
0x118: {  	_ =	swait.ge [sflag:s10], $0x3200  }
0x119: {  	[sflag:s10] =	ssyncset.done $0x0  }
0x11a: {  	[sflag:s10] =	ssyncadd.s32 $0xFFFFCE00  }
0x11b: {  	_ =	swait.ge [sflag:s12], $0x3200  }
0x11c: {  	[sflag:s12] =	ssyncset.done $0x0  }
0x11d: {  	[sflag:s12] =	ssyncadd.s32 $0xFFFFCE00  }
0x11e: {  	_ =	swait.ge [sflag:s14], $0x3200  }
0x11f: {  	[sflag:s14] =	ssyncset.done $0x0  }
0x120: {  	[sflag:s14] =	ssyncadd.s32 $0xFFFFCE00  }
0x121: {  	_ =	swait.ge [sflag:s16], $0x3200  }
0x122: {  	[sflag:s16] =	ssyncset.done $0x0  }
0x123: {  	[sflag:s16] =	ssyncadd.s32 $0xFFFFCE00  }
0x124: {  	_ =	swait.ge [sflag:s18], $0x3200  }
0x125: {  	[sflag:s18] =	ssyncset.done $0x0  }
0x126: {  	[sflag:s18] =	ssyncadd.s32 $0xFFFFCE00  }
0x127: {  	_ =	swait.ge [sflag:s19], $0x3200  }
0x128: {  	[sflag:s19] =	ssyncset.done $0x0  }
0x129: {  	[sflag:s19] =	ssyncadd.s32 $0xFFFFCE00  }
0x12a: {  	_ =	swait.ge [sflag:s20], $0x3200  }
0x12b: {  	s22 =	rddreg [dreg:$0x16]  }
0x12c: {  	s23 =	rddreg [dreg:$0x14];
	s21 =	sadd.s32 $0x1, s22  }
0x12d: {  	p0 =	sne.s32 s21, s23  }
.Ltmp1:
0x12e: {  	_ = 	snop;
	(pc) =	sbr.rel @p0 .LBB2_1-.Ltmp1, $3  }
0x12f: {  	_ =	sdelay $0x1  }
0x130: {  	[sflag:s20] =	ssyncset.done $0x0  }
0x131: {  	[sflag:s20] =	ssyncadd.s32 $0xFFFFCE00  }
0x132: {  	_ =	sfence.sel $0x180000  }
0x133: {  	[bflag:$0x0] =	sbarrier.arrive $0xFFFF  }
0x134: {  	_ =	strace $0x90000047  }
0x135: {  	s0 =	stileid.u32;
	[bflag:$0x2] =	sbarrier.arrive $0xFFFF  }
0x136: {  	p0 =	sne.s32 s0, $0x0;
	s0 =	rddreg [dreg:$0x2]  }
0x137: {  	s0 =	sadd.s32 @!p0 $0x100000, s0  }
0x138: {  	[sflag:s0] =	ssyncadd.tile.s32 @!p0 $0x1;
	_ =	shalt  }
.Lfunc_end2:
_tile_overlayer_lowered:
.L_overlay_start_2:
0x139: {  	(tag) =	ssettag $0x2  }
0x13a: {  	s0 =	rddreg [dreg:$0x0];
	s2 =	stileid.u32  }
0x13b: {  	s1 =	rddreg [dreg:$0x1];
	p0 =	sne.s32 s2, $0x0  }
0x13c: {  	s3 =	rddreg [dreg:$0x2];
	[bflag:$0x3] =	sbarrier.arrive $0xFFFF;
	s2 =	simm.s32 @!p0 $0x1C11  }
0x13d: {  	[timem:s3], [sflag:s2] =	dma.local @!p0 [hbm:s0], s1  }
0x13e: {  	s0 =	simm.s32 @!p0 $0x11  }
0x13f: {  	_ =	swait.ge @!p0 [sflag:s0], s1  }
0x140: {  	s1 =	ssub.s32 @!p0 $0x0, s1;
	[sflag:s0] =	ssyncset.done @!p0 $0x0  }
0x141: {  	[sflag:s0] =	ssyncadd.s32 @!p0 s1  }
0x142: {  	[bflag:$0x3] =	sbarrier.arrive $0xFFFF  }
0x143: {  	_ =	shalt  }

// kernel: sparse-core-data-format-call.cloned.1.call-start
scs
called_computation_lowered:
.L_overlay_start_0:
0x0: {  	s2 =	sld [smem:$0x3FD9]  }
0x1: {  	s3 =	sld [smem:$0x3FFE];
	_ =	sdelay $0x1  }
0x2: {  	s1 =	srdreg.scid  }
0x3: {  	s0 =	sand.u32 $0x1, s1  }
0x4: {  	s18 =	sshll.u32 s0, $0xA;
	s2 =	sadd.s32 s3, s2  }
0x5: {  	s2 =	sadd.s32 s2, s18  }
0x6: {  	[smem:$0x3FC6] =	sst s2  }
0x7: {  	_ = 	snop  }
0x8: {  	s2 =	sld [smem:$0x3FD0];
	(tm) =	ssettm $0x1  }
0x9: {  	s19 =	sld [smem:$0x3FFB];
	_ =	sdelay $0x3  }
0xa: {  	_ =	strace s19  }
0xb: {  	s3 =	sld [smem:$0x3FFC];
	_ =	sdelay $0x3  }
0xc: {  	_ =	strace s3  }
0xd: {  	s3 =	sld [smem:$0x3FFD];
	_ =	sdelay $0x3  }
0xe: {  	_ =	strace s3  }
0xf: {  	_ =	strace $0x8FFFFFFF  }
0x10: {  	s20 =	sld [smem:$0x3FDB];
	_ =	sdelay $0x1  }
0x11: {  	s4 =	simm.s32 $_scs_section_size  }
0x12: {  	s5 =	simm.s32 $_size__tile_overlayer_lowered;
	s6 =	simm.s32 $_tile_overlayer_lowered  }
0x13: {  	s23 =	simm.s32 $0x1BFF;
	s22 =	sshll.u32 s6, $0x1;
	s3 =	sadd.s32 s4, s20  }
0x14: {  	s7 =	simm.s32 $0x0;
	s21 =	sshll.u32 s5, $0x1;
	s5 =	sadd.s32 s22, s3  }
0x15: {  	[timem:s7], [sflag:s23] =	dma.local [hbm:s5], s21  }
0x16: {  	_ =	swait.ge [sflag:s23], s21  }
0x17: {  	s4 =	ssub.s32 $0x0, s21;
	[sflag:s23] =	ssyncset.done $0x0  }
0x18: {  	[sflag:s23] =	ssyncadd.s32 s4;
	_ =	sdelay $0x1  }
0x19: {  	s24 =	simm.s32 $0x1B8B  }
0x1a: {  	_ =	swait.ge [sflag:s24], $0x1  }
0x1b: {  	[sflag:s24] =	ssyncset.done $0x0  }
0x1c: {  	s26 =	simm.s32 $0x1B8E;
	s25 =	sld [smem:$0x3FFE];
	[sflag:s24] =	ssyncadd.s32 $0xFFFFFFFF  }
0x1d: {  	s27 =	simm.s32 $execute0_lowered;
	[smem:$0x3FD2] =	sst s26  }
0x1e: {  	s5 =	sshll.u32 s27, $0x1;
	_ =	strace $0x80000049;
	[dreg:$0x1] =	wrdreg $0xFFFFFFFF  }
0x1f: {  	s28 =	simm.s32 $_size_execute0_lowered;
	s3 =	sadd.s32 s3, s5;
	[dreg:$0x0] =	wrdreg $0x0  }
0x20: {  	s5 =	sshll.u32 s28, $0x1;
	[dreg:$0x2] =	wrdreg s3  }
0x21: {  	[dreg:$0x3] =	wrdreg s5  }
0x22: {  	[dreg:$0x4] =	wrdreg $0xC0  }
0x23: {  	_ =	task [dreg:s7], $0x5FFFF  }
0x24: {  	[dreg:$0x1] =	wrdreg $0xFFFFFFFF  }
0x25: {  	[dreg:$0x0] =	wrdreg $0x60  }
0x26: {  	[dreg:$0x2] =	wrdreg s25  }
0x27: {  	[dreg:$0x3] =	wrdreg s2  }
0x28: {  	[dreg:$0x4] =	wrdreg $0x9  }
0x29: {  	_ =	task.clear_ibuf [dreg:s7], $0x5FFFF;
	_ =	strace $0x90000049  }
0x2a: {  	s29 =	simm.s32 $0x9;
	_ =	strace $0x8000004B  }
0x2b: {  	_ =	swait.ge [sflag:s29], $0x1  }
0x2c: {  	[sflag:s29] =	ssyncadd.s32 $0xFFFFFFFF  }
0x2d: {  	_ =	strace $0x9000004B  }
0x2e: {  	_ =	sfence  }
0x2f: {  	s30 =	sld [smem:$0x0];
	_ =	sdelay $0x2  }
0x30: {  	s31 =	sshll.u32 s1, $0xD;
	s1 =	sshrl.u32 s1, $0x2  }
0x31: {  	s3 =	sand.u32 $0x4000, s31;
	s1 =	sadd.s32 s1, s30  }
0x32: {  	s0 =	sor.u32 s3, s0;
	s1 =	sshll.u32 s1, $0x11  }
0x33: {  	s0 =	sor.u32 s1, s0  }
0x34: {  	s0 =	sadd.s32 $0x8F2B, s0  }
0x35: {  	[sflag:s0] =	ssyncadd.remote.s32 $0x1  }
0x36: {  	_ =	sfence.sel $0xFFFF  }
0x37: {  	[dreg:$0x0] =	wrdreg $0xFFFFFFFF;
	(pc) =	sbr.abs _section_cstart, $3  }
0x38: {  	[dreg:$0x1] =	wrdreg $0xFFFFFFFF  }
0x39: {  	_ =	task.clear_ibuf [dreg:s7], $0x2FFFF;
	_ =	strace $0x9FFFFFFF  }
0x3a: {  	(tm) =	ssettm $0x7FFFFFFF  }
0x3b: {  	_ =	shalt  }
tec
execute0_lowered:
.L_overlay_start_1:
0x0: {  	(tag) =	ssettag $0x1  }
0x1: {  	s0 =	srdreg.scid  }
0x2: {  	s1 =	sshll.u32 s0, $0x4  }
0x3: {  	s0 =	stileid.u32;
	s1 =	sand.u32 $0x10, s1  }
0x4: {  	s1 =	sor.u32 s0, s1  }
0x5: {  	s6 =	rddreg [dreg:$0x0];
	s4 =	simm.s32 $0x1;
	s2 =	sshll.u32 s1, $0x7  }
0x6: {  	s7 =	simm.s32 $0x2;
	s12 =	simm.s32 $0x0;
	s1 =	ssub.s32 $0x1000, s2  }
0x7: {  	s8 =	simm.s32 $0x8000;
	s13 =	simm.s32 $0x0;
	s3 =	sand.u32 $0xF80, s1  }
0x8: {  	s9 =	simm.s32 $0x0;
	s5 =	sshrl.u32 s1, $0xC;
	p0 =	sne.s32 s3, $0x0  }
.Ltmp0:
0x9: {  	s1 =	rddreg [dreg:$0x2];
	s4 =	simm.s32 @!p0 $0x0;
	(pc) =	sbr.rel .LBB1_1-.Ltmp0, $4  }
0xa: {  	s11 =	simm.s32 $0x0;
	s3 =	rddreg [dreg:$0x1];
	s5 =	sadd.s32 s4, s5  }
0xb: {  	_ =	strace $0x8000004A;
	s4 =	simm.s32 $0x1;
	s5 =	smul.u32 $0xC8, s5  }
0xc: {  	s6 =	sadd.s32 $0xA00, s6;
	s10 =	smov.u32 s2;
	[sflag:s4] =	ssyncpa.u1 $0x0  }
0xd: {  	p0 =	por $0x0, $0x0;
	[sflag:s7] =	ssyncpa.u1 $0x0;
	s7 =	sor.u32 $0x1, s5  }
.LBB1_4:
0xe: {  	s16 =	sshll.u32 s13, $0x3;
	s17 =	sand.u32 $0x78, s13  }
0xf: {  	s30 =	sand.u32 $0x7E00, s13;
	s12 =	sshll.u32 s12, $0xF;
	s16 =	sand.u32 $0xC00, s16  }
0x10: {  	[tilespmem:s15+$0x810 ss:$0x81] =	vst.msk $0xffff, v2;
	s31 =	sand.u32 $0x7, s13;
	s16 =	sor.u32 s17, s16;
	s17 =	sadd.s32 s3, s30  }
0x11: {  	[tilespmem:s15+$0x1020 ss:$0x81] =	vst.msk $0xffff, v0;
	s13 =	sshll.u32 s31, $0x12;
	s12 =	sadd.s32 s12, s17;
	s16 =	sshrl.u32 s16, $0x3  }
0x12: {  	[tilespmem:s15+$0x0 ss:$0x81] =	vst.msk $0xffff, v1;
	s13 =	sor.u32 $0x400, s13;
	s12 =	sadd.s32 s16, s12  }
0x13: {  	[hbm4b:s12+s13] =	stream.strided.scatter [tilespmem:s14], [sflag:$0x2], $0x2000, s8, s13, $0x20;
	[tilespmem:$0x8080] =	vst v63  }
.LBB1_5:
0x14: {  	s14 =	sadd.s32 $0x1, s9  }
0x15: {  	s12 =	sadd.s32 $0x1000, s10;
	s16 =	smov.u32 s10;
	p2 =	sgt.s32 s14, $0xC7  }
0x16: {  	s16 =	smov.u32 @p2 s12  }
0x17: {  	s14 =	simm.s32 @p2 $0x0;
	p2 =	sgt.s32 s16, $0xFFF  }
0x18: {  	s16 =	smov.u32 @p2 s2;
	p2 =	sne.s32 s11, s7  }
.Ltmp1:
0x19: {  	p1 =	slt.u32 s11, $0x2;
	(pc) =	sbr.rel @!p2 .LBB1_6-.Ltmp1, $4  }
0x1a: {  	s15 =	simm.s32 @!p1 $0x2  }
0x1b: {  	s13 =	smov.u32 s10;
	p0 =	por !p0, !p0;
	_ =	swait.ge @!p1 [sflag:s15], $0x2000  }
0x1c: {  	s12 =	smov.u32 s9;
	[sflag:s15] =	ssyncset.done @!p1 $0x0;
	s9 =	smov.u32 s14  }
0x1d: {  	s11 =	sadd.s32 $0x1, s11;
	[sflag:s15] =	ssyncadd.s32 @!p1 $0xFFFFE000;
	s10 =	smov.u32 s16  }
.LBB1_1:
0x1e: {  	p1 =	sge.u32 s11, s5  }
0x1f: {  	s14 =	sand.u32 @!p1 $0x1FFFFFF, s9  }
0x20: {  	s15 =	smulhi.u32 @!p1 $0x147AE15, s14;
	_ =	sdelay $0x1  }
0x21: {  	s15 =	smul.u32 @!p1 $0xC8, s15  }
0x22: {  	s16 =	sxor.u32 @!p1 $0xFFFFFFFF, s11;
	s17 =	smul.u32 @!p1 $0xC80, s10  }
0x23: {  	s31 =	sadd.s32 $0xFFFFFFFF, s11;
	s16 =	sshll.u32 @!p1 s16, $0xD;
	s14 =	ssub.s32 @!p1 s14, s15  }
0x24: {  	s15 =	sand.u32 @!p1 $0x2000, s16;
	s16 =	sadd.s32 @!p1 s6, s17;
	s14 =	sshll.u32 @!p1 s14, $0x4  }
0x25: {  	s17 =	simm.s32 @!p1 $0x6400;
	s14 =	sadd.s32 @!p1 s14, s16;
	s16 =	simm.s32 @!p1 $0x40  }
0x26: {  	[tilespmem:s15], [sflag:$0x1] =	stream.strided.gather @!p1 [hbm4b:s14+s16], $0x2000, s17, s16, $0x38;
	[tilespmem:$0x8080] =	vst v63  }
0x27: {  	p1 =	sge.u32 s31, s5  }
.Ltmp2:
0x28: {  	_ = 	snop;
	(pc) =	sbr.rel @p1 .LBB1_5-.Ltmp2, $1  }
0x29: {  	_ =	sdelay $0x3  }
0x2a: {  	s14 =	simm.s32 $0x1  }
0x2b: {  	_ =	swait.ge [sflag:s4], $0x2000;
	s14 =	simm.s32 @!p0 $0x0  }
0x2c: {  	[sflag:s4] =	ssyncset.done $0x0;
	s15 =	sshll.u32 s14, $0xD  }
0x2d: {  	[sflag:s4] =	ssyncadd.s32 $0xFFFFE000;
	s18 =	sor.u32 $0x20, s15  }
0x2e: {  	s14 =	smul.u32 $0x8100, s14;
	v3 =	vld [tilespmem:s18+$0x10]  }
0x2f: {  	s30 =	sand.u32 $0x1, s11;
	v2 =	vld [tilespmem:s18+$0xFFFFFFF0]  }
0x30: {  	s15 =	smul.u32 $0x8100, s30;
	s14 =	sshrl.u32 s14, $0x2;
	v0 =	vld [tilespmem:s18+$0x0]  }
0x31: {  	v1 =	vld [tilespmem:s18+$0xFFFFFFE0];
	s16 =	sor.u32 $0x4000, s14  }
0x32: {  	s31 =	sshrl.u32 s15, $0x2;
	s15 =	sadd.s32 $0x0, s16  }
0x33: {  	s17 =	simm.s32 $0x4;
	s18 =	sadd.s32 $0x40, s18;
	s14 =	sor.u32 $0x4000, s31;
	[tilespmem:s15+$0x1830 ss:$0x81] =	vst.msk $0xffff, v3  }
.LBB1_3:
0x34: {  	v3 =	vld [tilespmem:s18+$0x10];
	p1 =	sne.s32 s17, $0x1FC;
	[tilespmem:s15+$0x810 ss:$0x81] =	vst.msk $0xffff, v2;
	s19 =	smov.u32 s17;
	s17 =	sadd.s32 $0x4, s17  }
.Ltmp3:
0x35: {  	v2 =	vld [tilespmem:s18+$0xFFFFFFF0];
	[tilespmem:s15+$0x1020 ss:$0x81] =	vst.msk $0xffff, v0;
	(pc) =	sbr.rel @p1 .LBB1_3-.Ltmp3, $4  }
0x36: {  	v0 =	vld [tilespmem:s18+$0x0];
	[tilespmem:s15+$0x0 ss:$0x81] =	vst.msk $0xffff, v1  }
0x37: {  	s15 =	sshra.s32 s19, $0x2;
	v1 =	vld [tilespmem:s18+$0xFFFFFFE0]  }
0x38: {  	s15 =	sadd.s32 s15, s16  }
0x39: {  	s18 =	sadd.s32 $0x40, s18;
	[tilespmem:s15+$0x1830 ss:$0x81] =	vst.msk $0xffff, v3  }
.Ltmp4:
0x3a: {  	_ = 	snop;
	(pc) =	sbr.rel .LBB1_4-.Ltmp4, $1  }
0x3b: {  	_ =	sdelay $0x3  }
.LBB1_6:
0x3c: {  	_ =	sfence.sel $0x180000  }
0x3d: {  	s2 =	simm.s32 $0x1;
	[bflag:$0x0] =	sbarrier.arrive $0xFFFF  }
0x3e: {  	s31 =	simm.s32 $0x2;
	[sflag:s2] =	ssyncpa.u1 $0x1  }
0x3f: {  	[sflag:s31] =	ssyncpa.u1 $0x1  }
0x40: {  	p0 =	sne.s32 s0, $0x0;
	_ =	strace $0x9000004A  }
0x41: {  	s0 =	sadd.s32 @!p0 $0x100000, s1;
	[bflag:$0x2] =	sbarrier.arrive $0xFFFF  }
0x42: {  	[sflag:s0] =	ssyncadd.tile.s32 @!p0 $0x1;
	_ =	shalt  }
.Lfunc_end1:
_tile_overlayer_lowered:
.L_overlay_start_2:
0x43: {  	(tag) =	ssettag $0x2  }
0x44: {  	s0 =	rddreg [dreg:$0x0];
	s2 =	stileid.u32  }
0x45: {  	s1 =	rddreg [dreg:$0x1];
	p0 =	sne.s32 s2, $0x0  }
0x46: {  	s3 =	rddreg [dreg:$0x2];
	[bflag:$0x3] =	sbarrier.arrive $0xFFFF;
	s2 =	simm.s32 @!p0 $0x1C01  }
0x47: {  	[timem:s3], [sflag:s2] =	dma.local @!p0 [hbm:s0], s1  }
0x48: {  	s0 =	simm.s32 @!p0 $0x1  }
0x49: {  	_ =	swait.ge @!p0 [sflag:s0], s1  }
0x4a: {  	s1 =	ssub.s32 @!p0 $0x0, s1;
	[sflag:s0] =	ssyncset.done @!p0 $0x0  }
0x4b: {  	[sflag:s0] =	ssyncadd.s32 @!p0 s1  }
0x4c: {  	[bflag:$0x3] =	sbarrier.arrive $0xFFFF  }
0x4d: {  	_ =	shalt  }

</sc_bundles>
